<compile_context>
chip_gen: v7x
topology: tpu7x:2x2x1
jax: 0.10.2.dev20260603
libtpu: 0.0.44.dev20260713+nightly
codegen_flags: <defaults>
</compile_context>

<pallas_src>
import functools

import jax
import jax.numpy as jnp
from jax import lax
from jax.experimental import pallas as pl
from jax.experimental.pallas import tpu as pltpu
from jax.experimental.pallas import tpu_sc as plsc

N = 10000
E = 160000
T = 12
C = 32
D = T * C
NQ = 2
HQ = D // NQ
NP = 10240
NC = 2
NS = 16
KE = 128
NCH = 80
EPW_S = KE * NCH
EP_S = NS * EPW_S
EPW_H = EP_S // 32
JUNK = N + 16
NBUF = 4


def _deg_body(ei_hbm, dego_hbm, degi_hbm,
              ebuf, hist_o, hist_i, rbuf, sh_o, sh_i):
    cid = lax.axis_index("c")
    sid = lax.axis_index("s")
    w = sid * NC + cid
    zero16 = jnp.zeros((16,), jnp.float32)
    one16 = jnp.ones((16,), jnp.float32)
    lane = lax.broadcasted_iota(jnp.int32, (16,), 0)

    def zero_hist(i, _):
        hist_o[pl.ds(i * 16, 16)] = zero16
        hist_i[pl.ds(i * 16, 16)] = zero16
        return 0
    lax.fori_loop(0, NP // 16, zero_hist, 0)

    def do_hist(base, hist):
        pltpu.sync_copy(ei_hbm.at[pl.ds(base + w * EPW_H, EPW_H)], ebuf)

        def acc(j, _):
            ids = ebuf[pl.ds(j * 16, 16)]
            ids = jnp.where(lane + (w * EPW_H + j * 16) >= E, JUNK, ids)
            plsc.addupdate_scatter(hist, [ids], one16)
            return 0
        lax.fori_loop(0, EPW_H // 16, acc, 0)

    do_hist(0, hist_o)
    do_hist(EP_S, hist_i)

    pltpu.sync_copy(hist_o, sh_o.at[sid])
    pltpu.sync_copy(hist_i, sh_i.at[sid])
    plsc.subcore_barrier()

    cols = NP // NS

    def reduce_one(sh, hist, out_hbm):
        pltpu.sync_copy(sh.at[:, pl.ds(sid * cols, cols)], rbuf)

        def red(i, _):
            s = rbuf[0, pl.ds(i * 16, 16)]
            for k in range(1, NS):
                s = s + rbuf[k, pl.ds(i * 16, 16)]
            hist[pl.ds(i * 16, 16)] = s
            return 0
        lax.fori_loop(0, cols // 16, red, 0)
        pltpu.sync_copy(hist.at[pl.ds(0, cols)],
                        out_hbm.at[pl.ds(cid * NP + sid * cols, cols)])

    reduce_one(sh_o, hist_o, dego_hbm)
    reduce_one(sh_i, hist_i, degi_hbm)


def _scat_body(y_hbm, ei_hbm, zeros_hbm, out_hbm,
               sidx, didx, r0, r1, r2, r3,
               g0, g1, g2, g3, s0, s1, s2, s3, acc):
    cid = lax.axis_index("c")
    sid = lax.axis_index("s")
    rows = NP // NS
    rbufs = (r0, r1, r2, r3)
    gsems = (g0, g1, g2, g3)
    ssems = (s0, s1, s2, s3)
    lane = lax.broadcasted_iota(jnp.int32, (16,), 0)

    pltpu.sync_copy(ei_hbm.at[pl.ds(sid * NCH, NCH)], sidx)
    pltpu.sync_copy(ei_hbm.at[pl.ds((NS + sid) * NCH, NCH)], didx)

    @pl.when(sid == NS - 1)
    def _():
        def fix(r, _):
            for i in range(KE // 16):
                e0 = sid * EPW_S + r * KE + i * 16
                v = didx[r, pl.ds(i * 16, 16)]
                didx[r, pl.ds(i * 16, 16)] = jnp.where(
                    lane + e0 >= E, JUNK, v)
            return 0
        lax.fori_loop(0, NCH, fix, 0)

    q = cid

    def mk(r, _):
        for i in range(KE // 16):
            s16 = sidx[r, pl.ds(i * 16, 16)]
            sidx[r, pl.ds(i * 16, 16)] = s16 * NQ + q
        return 0
    lax.fori_loop(0, NCH, mk, 0)

    pltpu.sync_copy(zeros_hbm, r0)
    for k in range(rows // KE):
        pltpu.sync_copy(r0, acc.at[pl.ds(sid * rows + k * KE, KE)])
    plsc.subcore_barrier()

    for b in range(NBUF):
        pltpu.async_copy(y_hbm.at[sidx.at[b]], rbufs[b], gsems[b])

    def body(jj, _):
        for b in range(NBUF):
            j = jj * NBUF + b
            rb, gs, ss = rbufs[b], gsems[b], ssems[b]
            pltpu.make_async_copy(y_hbm.at[sidx.at[j]], rb, gs).wait()
            pltpu.async_copy(rb, acc.at[didx.at[j]], ss, add=True)

            @pl.when(j < NCH - NBUF)
            def _():
                pltpu.make_async_copy(rb, acc.at[didx.at[j]], ss).wait()
                pltpu.async_copy(y_hbm.at[sidx.at[j + NBUF]], rb, gs)
        return 0
    lax.fori_loop(0, NCH // NBUF, body, 0)

    for b in range(NBUF):
        j = NCH - NBUF + b
        pltpu.make_async_copy(rbufs[b], acc.at[didx.at[j]],
                              ssems[b]).wait()
    plsc.subcore_barrier()

    pltpu.sync_copy(
        acc.at[pl.ds(sid * rows, rows)],
        out_hbm.at[pl.ds(sid * rows, rows), pl.ds(q * HQ, HQ)])


@functools.lru_cache(maxsize=None)
def _sc_kernels():
    mesh = plsc.VectorSubcoreMesh(
        core_axis_name="c", subcore_axis_name="s",
        num_cores=NC, num_subcores=NS)
    params = pltpu.CompilerParams(needs_layout_passes=False,
                                  use_tc_tiling_on_sc=False)
    deg_kernel = functools.partial(
        pl.kernel,
        out_type=(jax.ShapeDtypeStruct((NC * NP,), jnp.float32),
                  jax.ShapeDtypeStruct((NC * NP,), jnp.float32)),
        mesh=mesh,
        compiler_params=params,
        scratch_types=[
            pltpu.VMEM((EPW_H,), jnp.int32),
            pltpu.VMEM((NP,), jnp.float32),
            pltpu.VMEM((NP,), jnp.float32),
            pltpu.VMEM((NS, NP // NS), jnp.float32),
            pltpu.VMEM_SHARED((NS, NP), jnp.float32),
            pltpu.VMEM_SHARED((NS, NP), jnp.float32),
        ],
    )(_deg_body)
    scat_kernel = functools.partial(
        pl.kernel,
        out_type=jax.ShapeDtypeStruct((NP, D), jnp.bfloat16),
        mesh=mesh,
        compiler_params=params,
        scratch_types=(
            [pltpu.VMEM((NCH, KE), jnp.int32)] * 2
            + [pltpu.VMEM((KE, HQ), jnp.bfloat16)] * NBUF
            + [pltpu.SemaphoreType.DMA] * (2 * NBUF)
            + [pltpu.VMEM_SHARED((NP, HQ), jnp.bfloat16)]),
    )(_scat_body)
    return deg_kernel, scat_kernel


def _prep_body(x_ref, w_ref, o_ref):
    xb = x_ref[...]
    wm = w_ref[...]
    for t in range(T):
        yt = lax.dot_general(xb[:, t, :], wm, (((0,), (0,)), ((), ())),
                             preferred_element_type=jnp.float32)
        o_ref[:, t * C:(t + 1) * C] = yt.astype(jnp.bfloat16)


def _epi_body(a_ref, d_ref, b_ref, o_ref):
    deg = jnp.sum(d_ref[...], axis=0, keepdims=True)
    norm = lax.rsqrt(jnp.maximum(deg, 1.0))
    ab = a_ref[...]
    bb = b_ref[...].reshape(C, 1)
    eye = jnp.eye(C, dtype=jnp.bfloat16)
    for t in range(T):
        at = lax.dot_general(eye, ab[:, t * C:(t + 1) * C],
                             (((1,), (1,)), ((), ())),
                             preferred_element_type=jnp.float32)
        o_ref[:, t, :] = jnp.maximum(at * norm + bb, 0.0)


def kernel(x, edge_index, W, b):
    ei_p = jnp.pad(edge_index, ((0, 0), (0, EP_S - E)))

    deg_kernel, scat_kernel = _sc_kernels()
    dego_f, degi_f = deg_kernel(ei_p.reshape(2 * EP_S))
    degi = degi_f.reshape(NC, NP)

    grid = (N + 127) // 128
    NPY = grid * 128
    y0 = pl.pallas_call(
        _prep_body,
        grid=(grid,),
        in_specs=[pl.BlockSpec((C, T, 128), lambda i: (0, 0, i)),
                  pl.BlockSpec((C, C), lambda i: (0, 0))],
        out_specs=pl.BlockSpec((128, D), lambda i: (i, 0)),
        out_shape=jax.ShapeDtypeStruct((NPY, D), jnp.bfloat16),
    )(x[0], W)

    dego = dego_f.reshape(NC, NP)
    ns = lax.rsqrt(jnp.maximum(dego[0, :NPY] + dego[1, :NPY], 1.0))
    y = y0 * ns[:, None].astype(jnp.bfloat16)

    y_tab = y.reshape(NQ * NPY, HQ)
    zeros = jnp.zeros((KE, HQ), jnp.bfloat16)
    agg = scat_kernel(y_tab, ei_p.reshape(2 * NS * NCH, KE), zeros)

    z = pl.pallas_call(
        _epi_body,
        grid=(grid,),
        in_specs=[pl.BlockSpec((128, D), lambda i: (i, 0)),
                  pl.BlockSpec((NC, 128), lambda i: (0, i)),
                  pl.BlockSpec((1, C), lambda i: (0, 0))],
        out_specs=pl.BlockSpec((C, T, 128), lambda i: (0, 0, i)),
        out_shape=jax.ShapeDtypeStruct((C, T, N), jnp.float32),
    )(agg, degi, b[None])

    return z[None]

# --- scband reference (transcript-rebuilt; emitter-appended) ---
"""Pipeline reference for scband-spatio-conv-layer-14010183319601 (READ-ONLY COPY).

The authoritative reference and input builder live on the scoring server;
editing this copy changes nothing except your own understanding.
"""

import jax, jax.numpy as jnp
import numpy as np

N = 10000
E = 160000
B = 1
C = 32
T = 12


def setup_inputs(seed: int = 0) -> dict:
    key = jax.random.key(seed)
    k1, k2, k3, k4 = jax.random.split(key, 4)
    x = jax.random.normal(k1, (B, C, T, N), dtype=jnp.float32)
    edge_index = jax.random.randint(k2, (2, E), 0, N, dtype=jnp.int32)
    # GraphConv(c, c) learned params (DGL uses xavier for weight, zeros for bias)
    W = jax.random.normal(k3, (C, C), dtype=jnp.float32) * (1.0 / np.sqrt(C))
    b = jnp.zeros((C,), dtype=jnp.float32)
    return {"x": x, "edge_index": edge_index, "W": W, "b": b}


def _graph_conv(x_nodes, edge_index, W, b):
    # x_nodes: [N, B, T, C]; DGL GraphConv with norm='both', activation=relu
    src = edge_index[0]
    dst = edge_index[1]
    ones = jnp.ones((E,), dtype=jnp.float32)
    deg_out = jax.ops.segment_sum(ones, src, num_segments=N)
    deg_in = jax.ops.segment_sum(ones, dst, num_segments=N)
    norm_src = jnp.power(jnp.maximum(deg_out, 1.0), -0.5)
    norm_dst = jnp.power(jnp.maximum(deg_in, 1.0), -0.5)
    h = x_nodes * norm_src[:, None, None, None]
    msgs = jnp.take(h, src, axis=0)                      # gather  [E, B, T, C]
    agg = jax.ops.segment_sum(msgs, dst, num_segments=N)  # scatter-add [N, B, T, C]
    agg = agg * norm_dst[:, None, None, None]
    out = jnp.einsum('nbtc,cd->nbtd', agg, W) + b
    return jax.nn.relu(out)


def reference(x, edge_index, W, b):
    # x: [B, C, T, N]
    xt = jnp.transpose(x, (3, 1, 2, 0))  # x.transpose(0,3) -> [N, C, T, B]
    xt = jnp.transpose(xt, (0, 3, 2, 1))  # x.transpose(1,3) -> [N, B, T, C]
    out = _graph_conv(xt, edge_index, W, b)  # [N, B, T, C]
    out = jnp.transpose(out, (0, 3, 2, 1))  # transpose(1,3) -> [N, C, T, B]
    out = jnp.transpose(out, (3, 1, 2, 0))  # transpose(0,3) -> [B, C, T, N]
    return jax.nn.relu(out)

if __name__ == "__main__":
    import jax
    _d = setup_inputs()
    print(jax.jit(kernel)(*tuple(_d.values())))

</pallas_src>

<mosaic_0001>
#map = affine_map<(d0, d1) -> (0)>
module attributes {stable_mosaic.version = 14 : i64} {
  func.func @_deg_body(%arg0: i32, %arg1: i32, %arg2: memref<327680xi32, #tpu.memory_space<hbm>>, %arg3: memref<20480xf32, #tpu.memory_space<hbm>>, %arg4: memref<20480xf32, #tpu.memory_space<hbm>>, %arg5: memref<5120xi32, #tpu.memory_space<vmem>>, %arg6: memref<10240xf32, #tpu.memory_space<vmem>>, %arg7: memref<10240xf32, #tpu.memory_space<vmem>>, %arg8: memref<16x640xf32, #tpu.memory_space<vmem>>, %arg9: memref<16x10240xf32, #tpu.memory_space<vmem_shared>>, %arg10: memref<16x10240xf32, #tpu.memory_space<vmem_shared>>) attributes {dimension_semantics = [#tpu.dimension_semantics<core_parallel>, #tpu.dimension_semantics<subcore_parallel>], iteration_bounds = array<i64: 2, 16>, scalar_prefetch = 0 : i64, scratch_operands = 6 : i64, tpu.core_type = #tpu.core_type<sc_vector_subcore>, window_params = [{transform_indices = #map}, {transform_indices = #map}, {transform_indices = #map}]} {
    %mul3A = arith.constant 2 : i32
    %mul3A_0 = arith.muli %arg1, %mul3A : i32
    %add3A = arith.addi %mul3A_0, %arg0 : i32
    %broadcast_in_dim3A = arith.constant 0.000000e+00 : f32
    %broadcast_in_dim3A_1 = vector.broadcast %broadcast_in_dim3A : f32 to vector<16xf32>
    %broadcast_in_dim3A_2 = arith.constant 1.000000e+00 : f32
    %broadcast_in_dim3A_3 = vector.broadcast %broadcast_in_dim3A_2 : f32 to vector<16xf32>
    %iota3A = tpu.iota {dimensions = array<i32: 0>} : vector<16xi32>
    %scan3A = arith.constant 0 : i32
    %scan3A_4 = arith.constant 0 : i32
    %scan3A_5 = arith.constant 640 : i32
    %scan3A_6 = arith.addi %scan3A_4, %scan3A_5 : i32
    %scan3A_7 = arith.constant 1 : i32
    %scan3A_8 = scf.for %scan3A_60 = %scan3A_4 to %scan3A_6 step %scan3A_7 iter_args(%scan3A_61 = %scan3A) -> (i32)  : i32 {
      %mul3A_62 = arith.constant 16 : i32
      %mul3A_63 = arith.muli %scan3A_60, %mul3A_62 : i32
      %swap3A = arith.index_cast %mul3A_63 : i32 to index
      %swap3A_64 = tpu.vector_load %arg6[%swap3A] {strides = array<i32>} : memref<10240xf32, #tpu.memory_space<vmem>>, vector<16xf32>,
      tpu.vector_store %arg6[%swap3A], %broadcast_in_dim3A_1 {strides = array<i32>} : memref<10240xf32, #tpu.memory_space<vmem>>, vector<16xf32>,
      %mul3A_65 = arith.constant 16 : i32
      %mul3A_66 = arith.muli %scan3A_60, %mul3A_65 : i32
      %swap3A_67 = arith.index_cast %mul3A_66 : i32 to index
      %swap3A_68 = tpu.vector_load %arg7[%swap3A_67] {strides = array<i32>} : memref<10240xf32, #tpu.memory_space<vmem>>, vector<16xf32>,
      tpu.vector_store %arg7[%swap3A_67], %broadcast_in_dim3A_1 {strides = array<i32>} : memref<10240xf32, #tpu.memory_space<vmem>>, vector<16xf32>,
      %scan3A_69 = arith.constant 0 : i32
      scf.yield %scan3A_69 : i32
    }
    %scan3A_9 = arith.constant 640 : i32
    %mul3A_10 = arith.constant 5120 : i32
    %mul3A_11 = arith.muli %add3A, %mul3A_10 : i32
    %add3A_12 = arith.constant 0 : i32
    %add3A_13 = arith.addi %add3A_12, %mul3A_11 : i32
    "tpu.region"() ({
      %run_scoped3A = tpu.sem_alloc : memref<!tpu.dma_semaphore, #tpu.memory_space<semaphore_mem>>
      %dma_start3A = tpu.memref_slice %arg2[%add3A_13] : memref<327680xi32, #tpu.memory_space<hbm>> -> memref<5120xi32, #tpu.memory_space<hbm>>
      %dma_start3A_60 = tpu.memref_slice %arg2[%add3A_13] : memref<327680xi32, #tpu.memory_space<hbm>> -> memref<5120xi32, #tpu.memory_space<hbm>>
      tpu.enqueue_dma source(%dma_start3A_60 : memref<5120xi32, #tpu.memory_space<hbm>>) target(%arg5 : memref<5120xi32, #tpu.memory_space<vmem>>) target_semaphore(%run_scoped3A : memref<!tpu.dma_semaphore, #tpu.memory_space<semaphore_mem>>)
      %dma_wait3A = tpu.memref_slice %arg2[%add3A_13] : memref<327680xi32, #tpu.memory_space<hbm>> -> memref<5120xi32, #tpu.memory_space<hbm>>
      %dma_wait3A_61 = tpu.memref_slice %arg2[%add3A_13] : memref<327680xi32, #tpu.memory_space<hbm>> -> memref<5120xi32, #tpu.memory_space<hbm>>
      tpu.wait_dma2 semaphore(%run_scoped3A : memref<!tpu.dma_semaphore, #tpu.memory_space<semaphore_mem>>) src(%dma_wait3A_61 : memref<5120xi32, #tpu.memory_space<hbm>>) dst(%arg5 : memref<5120xi32, #tpu.memory_space<vmem>>)
      tpu.yield
    }) : () -> ()
    %scan3A_14 = arith.constant 0 : i32
    %scan3A_15 = arith.constant 0 : i32
    %scan3A_16 = arith.constant 320 : i32
    %scan3A_17 = arith.addi %scan3A_15, %scan3A_16 : i32
    %scan3A_18 = arith.constant 1 : i32
    %scan3A_19 = scf.for %scan3A_60 = %scan3A_15 to %scan3A_17 step %scan3A_18 iter_args(%scan3A_61 = %scan3A_14) -> (i32)  : i32 {
      %mul3A_62 = arith.constant 16 : i32
      %mul3A_63 = arith.muli %scan3A_60, %mul3A_62 : i32
      %get3A = arith.index_cast %mul3A_63 : i32 to index
      %get3A_64 = tpu.vector_load %arg5[%get3A] {strides = array<i32>} : memref<5120xi32, #tpu.memory_space<vmem>>, vector<16xi32>,
      %mul3A_65 = arith.constant 5120 : i32
      %mul3A_66 = arith.muli %add3A, %mul3A_65 : i32
      %mul3A_67 = arith.constant 16 : i32
      %mul3A_68 = arith.muli %scan3A_60, %mul3A_67 : i32
      %add3A_69 = arith.addi %mul3A_66, %mul3A_68 : i32
      %add3A_70 = vector.broadcast %add3A_69 : i32 to vector<16xi32>
      %add3A_71 = arith.addi %iota3A, %add3A_70 : vector<16xi32>
      %ge3A = arith.constant 160000 : i32
      %ge3A_72 = vector.broadcast %ge3A : i32 to vector<16xi32>
      %ge3A_73 = arith.cmpi sge, %add3A_71, %ge3A_72 : vector<16xi32>
      %jit3A = arith.constant 10016 : i32
      %broadcast_in_dim3A_74 = vector.broadcast %jit3A : i32 to vector<16xi32>
      %select_n3A = arith.select %ge3A_73, %broadcast_in_dim3A_74, %get3A_64 : vector<16xi1>, vector<16xi32>
      tpu.vector_store_idx %arg6[%select_n3A], %broadcast_in_dim3A_3 {add = true} : memref<10240xf32, #tpu.memory_space<vmem>>[vector<16xi32>], vector<16xf32>,
      %scan3A_75 = arith.constant 0 : i32
      scf.yield %scan3A_75 : i32
    }
    %scan3A_20 = arith.constant 320 : i32
    %mul3A_21 = arith.constant 5120 : i32
    %mul3A_22 = arith.muli %add3A, %mul3A_21 : i32
    %add3A_23 = arith.constant 163840 : i32
    %add3A_24 = arith.addi %add3A_23, %mul3A_22 : i32
    "tpu.region"() ({
      %run_scoped3A = tpu.sem_alloc : memref<!tpu.dma_semaphore, #tpu.memory_space<semaphore_mem>>
      %dma_start3A = tpu.memref_slice %arg2[%add3A_24] : memref<327680xi32, #tpu.memory_space<hbm>> -> memref<5120xi32, #tpu.memory_space<hbm>>
      %dma_start3A_60 = tpu.memref_slice %arg2[%add3A_24] : memref<327680xi32, #tpu.memory_space<hbm>> -> memref<5120xi32, #tpu.memory_space<hbm>>
      tpu.enqueue_dma source(%dma_start3A_60 : memref<5120xi32, #tpu.memory_space<hbm>>) target(%arg5 : memref<5120xi32, #tpu.memory_space<vmem>>) target_semaphore(%run_scoped3A : memref<!tpu.dma_semaphore, #tpu.memory_space<semaphore_mem>>)
      %dma_wait3A = tpu.memref_slice %arg2[%add3A_24] : memref<327680xi32, #tpu.memory_space<hbm>> -> memref<5120xi32, #tpu.memory_space<hbm>>
      %dma_wait3A_61 = tpu.memref_slice %arg2[%add3A_24] : memref<327680xi32, #tpu.memory_space<hbm>> -> memref<5120xi32, #tpu.memory_space<hbm>>
      tpu.wait_dma2 semaphore(%run_scoped3A : memref<!tpu.dma_semaphore, #tpu.memory_space<semaphore_mem>>) src(%dma_wait3A_61 : memref<5120xi32, #tpu.memory_space<hbm>>) dst(%arg5 : memref<5120xi32, #tpu.memory_space<vmem>>)
      tpu.yield
    }) : () -> ()
    %scan3A_25 = arith.constant 0 : i32
    %scan3A_26 = arith.constant 0 : i32
    %scan3A_27 = arith.constant 320 : i32
    %scan3A_28 = arith.addi %scan3A_26, %scan3A_27 : i32
    %scan3A_29 = arith.constant 1 : i32
    %scan3A_30 = scf.for %scan3A_60 = %scan3A_26 to %scan3A_28 step %scan3A_29 iter_args(%scan3A_61 = %scan3A_25) -> (i32)  : i32 {
      %mul3A_62 = arith.constant 16 : i32
      %mul3A_63 = arith.muli %scan3A_60, %mul3A_62 : i32
      %get3A = arith.index_cast %mul3A_63 : i32 to index
      %get3A_64 = tpu.vector_load %arg5[%get3A] {strides = array<i32>} : memref<5120xi32, #tpu.memory_space<vmem>>, vector<16xi32>,
      %mul3A_65 = arith.constant 5120 : i32
      %mul3A_66 = arith.muli %add3A, %mul3A_65 : i32
      %mul3A_67 = arith.constant 16 : i32
      %mul3A_68 = arith.muli %scan3A_60, %mul3A_67 : i32
      %add3A_69 = arith.addi %mul3A_66, %mul3A_68 : i32
      %add3A_70 = vector.broadcast %add3A_69 : i32 to vector<16xi32>
      %add3A_71 = arith.addi %iota3A, %add3A_70 : vector<16xi32>
      %ge3A = arith.constant 160000 : i32
      %ge3A_72 = vector.broadcast %ge3A : i32 to vector<16xi32>
      %ge3A_73 = arith.cmpi sge, %add3A_71, %ge3A_72 : vector<16xi32>
      %jit3A = arith.constant 10016 : i32
      %broadcast_in_dim3A_74 = vector.broadcast %jit3A : i32 to vector<16xi32>
      %select_n3A = arith.select %ge3A_73, %broadcast_in_dim3A_74, %get3A_64 : vector<16xi1>, vector<16xi32>
      tpu.vector_store_idx %arg7[%select_n3A], %broadcast_in_dim3A_3 {add = true} : memref<10240xf32, #tpu.memory_space<vmem>>[vector<16xi32>], vector<16xf32>,
      %scan3A_75 = arith.constant 0 : i32
      scf.yield %scan3A_75 : i32
    }
    %scan3A_31 = arith.constant 320 : i32
    "tpu.region"() ({
      %run_scoped3A = tpu.sem_alloc : memref<!tpu.dma_semaphore, #tpu.memory_space<semaphore_mem>>
      %dma_start3A = arith.constant 0 : i32
      %dma_start3A_60 = tpu.memref_slice %arg9[%arg1, %dma_start3A] : memref<16x10240xf32, #tpu.memory_space<vmem_shared>> -> memref<1x10240xf32, #tpu.memory_space<vmem_shared>>
      %dma_start3A_61 = tpu.memref_squeeze %dma_start3A_60 : memref<1x10240xf32, #tpu.memory_space<vmem_shared>> -> memref<10240xf32, #tpu.memory_space<vmem_shared>>
      %dma_start3A_62 = arith.constant 0 : i32
      %dma_start3A_63 = tpu.memref_slice %arg9[%arg1, %dma_start3A_62] : memref<16x10240xf32, #tpu.memory_space<vmem_shared>> -> memref<1x10240xf32, #tpu.memory_space<vmem_shared>>
      %dma_start3A_64 = tpu.memref_squeeze %dma_start3A_63 : memref<1x10240xf32, #tpu.memory_space<vmem_shared>> -> memref<10240xf32, #tpu.memory_space<vmem_shared>>
      tpu.enqueue_dma source(%arg6 : memref<10240xf32, #tpu.memory_space<vmem>>) target(%dma_start3A_64 : memref<10240xf32, #tpu.memory_space<vmem_shared>>) target_semaphore(%run_scoped3A : memref<!tpu.dma_semaphore, #tpu.memory_space<semaphore_mem>>)
      %dma_wait3A = arith.constant 0 : i32
      %dma_wait3A_65 = tpu.memref_slice %arg9[%arg1, %dma_wait3A] : memref<16x10240xf32, #tpu.memory_space<vmem_shared>> -> memref<1x10240xf32, #tpu.memory_space<vmem_shared>>
      %dma_wait3A_66 = tpu.memref_squeeze %dma_wait3A_65 : memref<1x10240xf32, #tpu.memory_space<vmem_shared>> -> memref<10240xf32, #tpu.memory_space<vmem_shared>>
      %dma_wait3A_67 = arith.constant 0 : i32
      %dma_wait3A_68 = tpu.memref_slice %arg9[%arg1, %dma_wait3A_67] : memref<16x10240xf32, #tpu.memory_space<vmem_shared>> -> memref<1x10240xf32, #tpu.memory_space<vmem_shared>>
      %dma_wait3A_69 = tpu.memref_squeeze %dma_wait3A_68 : memref<1x10240xf32, #tpu.memory_space<vmem_shared>> -> memref<10240xf32, #tpu.memory_space<vmem_shared>>
      tpu.wait_dma2 semaphore(%run_scoped3A : memref<!tpu.dma_semaphore, #tpu.memory_space<semaphore_mem>>) src(%arg6 : memref<10240xf32, #tpu.memory_space<vmem>>) dst(%dma_wait3A_69 : memref<10240xf32, #tpu.memory_space<vmem_shared>>)
      tpu.yield
    }) : () -> ()
    "tpu.region"() ({
      %run_scoped3A = tpu.sem_alloc : memref<!tpu.dma_semaphore, #tpu.memory_space<semaphore_mem>>
      %dma_start3A = arith.constant 0 : i32
      %dma_start3A_60 = tpu.memref_slice %arg10[%arg1, %dma_start3A] : memref<16x10240xf32, #tpu.memory_space<vmem_shared>> -> memref<1x10240xf32, #tpu.memory_space<vmem_shared>>
      %dma_start3A_61 = tpu.memref_squeeze %dma_start3A_60 : memref<1x10240xf32, #tpu.memory_space<vmem_shared>> -> memref<10240xf32, #tpu.memory_space<vmem_shared>>
      %dma_start3A_62 = arith.constant 0 : i32
      %dma_start3A_63 = tpu.memref_slice %arg10[%arg1, %dma_start3A_62] : memref<16x10240xf32, #tpu.memory_space<vmem_shared>> -> memref<1x10240xf32, #tpu.memory_space<vmem_shared>>
      %dma_start3A_64 = tpu.memref_squeeze %dma_start3A_63 : memref<1x10240xf32, #tpu.memory_space<vmem_shared>> -> memref<10240xf32, #tpu.memory_space<vmem_shared>>
      tpu.enqueue_dma source(%arg7 : memref<10240xf32, #tpu.memory_space<vmem>>) target(%dma_start3A_64 : memref<10240xf32, #tpu.memory_space<vmem_shared>>) target_semaphore(%run_scoped3A : memref<!tpu.dma_semaphore, #tpu.memory_space<semaphore_mem>>)
      %dma_wait3A = arith.constant 0 : i32
      %dma_wait3A_65 = tpu.memref_slice %arg10[%arg1, %dma_wait3A] : memref<16x10240xf32, #tpu.memory_space<vmem_shared>> -> memref<1x10240xf32, #tpu.memory_space<vmem_shared>>
      %dma_wait3A_66 = tpu.memref_squeeze %dma_wait3A_65 : memref<1x10240xf32, #tpu.memory_space<vmem_shared>> -> memref<10240xf32, #tpu.memory_space<vmem_shared>>
      %dma_wait3A_67 = arith.constant 0 : i32
      %dma_wait3A_68 = tpu.memref_slice %arg10[%arg1, %dma_wait3A_67] : memref<16x10240xf32, #tpu.memory_space<vmem_shared>> -> memref<1x10240xf32, #tpu.memory_space<vmem_shared>>
      %dma_wait3A_69 = tpu.memref_squeeze %dma_wait3A_68 : memref<1x10240xf32, #tpu.memory_space<vmem_shared>> -> memref<10240xf32, #tpu.memory_space<vmem_shared>>
      tpu.wait_dma2 semaphore(%run_scoped3A : memref<!tpu.dma_semaphore, #tpu.memory_space<semaphore_mem>>) src(%arg7 : memref<10240xf32, #tpu.memory_space<vmem>>) dst(%dma_wait3A_69 : memref<10240xf32, #tpu.memory_space<vmem_shared>>)
      tpu.yield
    }) : () -> ()
    %barrier3A = arith.constant 0 : index
    tpu.barrier barrier_id(%barrier3A)
    %mul3A_32 = arith.constant 640 : i32
    %mul3A_33 = arith.muli %arg1, %mul3A_32 : i32
    "tpu.region"() ({
      %run_scoped3A = tpu.sem_alloc : memref<!tpu.dma_semaphore, #tpu.memory_space<semaphore_mem>>
      %dma_start3A = arith.constant 0 : i32
      %dma_start3A_60 = tpu.memref_slice %arg9[%dma_start3A, %mul3A_33] : memref<16x10240xf32, #tpu.memory_space<vmem_shared>> -> memref<16x640xf32, #tpu.memory_space<vmem_shared>>
      %dma_start3A_61 = arith.constant 0 : i32
      %dma_start3A_62 = tpu.memref_slice %arg9[%dma_start3A_61, %mul3A_33] : memref<16x10240xf32, #tpu.memory_space<vmem_shared>> -> memref<16x640xf32, #tpu.memory_space<vmem_shared>>
      tpu.enqueue_dma source(%dma_start3A_62 : memref<16x640xf32, #tpu.memory_space<vmem_shared>>) target(%arg8 : memref<16x640xf32, #tpu.memory_space<vmem>>) target_semaphore(%run_scoped3A : memref<!tpu.dma_semaphore, #tpu.memory_space<semaphore_mem>>)
      %dma_wait3A = arith.constant 0 : i32
      %dma_wait3A_63 = tpu.memref_slice %arg9[%dma_wait3A, %mul3A_33] : memref<16x10240xf32, #tpu.memory_space<vmem_shared>> -> memref<16x640xf32, #tpu.memory_space<vmem_shared>>
      %dma_wait3A_64 = arith.constant 0 : i32
      %dma_wait3A_65 = tpu.memref_slice %arg9[%dma_wait3A_64, %mul3A_33] : memref<16x10240xf32, #tpu.memory_space<vmem_shared>> -> memref<16x640xf32, #tpu.memory_space<vmem_shared>>
      tpu.wait_dma2 semaphore(%run_scoped3A : memref<!tpu.dma_semaphore, #tpu.memory_space<semaphore_mem>>) src(%dma_wait3A_65 : memref<16x640xf32, #tpu.memory_space<vmem_shared>>) dst(%arg8 : memref<16x640xf32, #tpu.memory_space<vmem>>)
      tpu.yield
    }) : () -> ()
    %scan3A_34 = arith.constant 0 : i32
    %scan3A_35 = arith.constant 0 : i32
    %scan3A_36 = arith.constant 40 : i32
    %scan3A_37 = arith.addi %scan3A_35, %scan3A_36 : i32
    %scan3A_38 = arith.constant 1 : i32
    %scan3A_39 = scf.for %scan3A_60 = %scan3A_35 to %scan3A_37 step %scan3A_38 iter_args(%scan3A_61 = %scan3A_34) -> (i32)  : i32 {
      %mul3A_62 = arith.constant 16 : i32
      %mul3A_63 = arith.muli %scan3A_60, %mul3A_62 : i32
      %get3A = arith.constant 0 : i32
      %get3A_64 = arith.index_cast %get3A : i32 to index
      %get3A_65 = arith.index_cast %mul3A_63 : i32 to index
      %get3A_66 = tpu.vector_load %arg8[%get3A_64, %get3A_65] {strides = array<i32>} : memref<16x640xf32, #tpu.memory_space<vmem>>, vector<16xf32>,
      %mul3A_67 = arith.constant 16 : i32
      %mul3A_68 = arith.muli %scan3A_60, %mul3A_67 : i32
      %get3A_69 = arith.constant 1 : i32
      %get3A_70 = arith.index_cast %get3A_69 : i32 to index
      %get3A_71 = arith.index_cast %mul3A_68 : i32 to index
      %get3A_72 = tpu.vector_load %arg8[%get3A_70, %get3A_71] {strides = array<i32>} : memref<16x640xf32, #tpu.memory_space<vmem>>, vector<16xf32>,
      %add3A_73 = arith.addf %get3A_66, %get3A_72 : vector<16xf32>
      %mul3A_74 = arith.constant 16 : i32
      %mul3A_75 = arith.muli %scan3A_60, %mul3A_74 : i32
      %get3A_76 = arith.constant 2 : i32
      %get3A_77 = arith.index_cast %get3A_76 : i32 to index
      %get3A_78 = arith.index_cast %mul3A_75 : i32 to index
      %get3A_79 = tpu.vector_load %arg8[%get3A_77, %get3A_78] {strides = array<i32>} : memref<16x640xf32, #tpu.memory_space<vmem>>, vector<16xf32>,
      %add3A_80 = arith.addf %add3A_73, %get3A_79 : vector<16xf32>
      %mul3A_81 = arith.constant 16 : i32
      %mul3A_82 = arith.muli %scan3A_60, %mul3A_81 : i32
      %get3A_83 = arith.constant 3 : i32
      %get3A_84 = arith.index_cast %get3A_83 : i32 to index
      %get3A_85 = arith.index_cast %mul3A_82 : i32 to index
      %get3A_86 = tpu.vector_load %arg8[%get3A_84, %get3A_85] {strides = array<i32>} : memref<16x640xf32, #tpu.memory_space<vmem>>, vector<16xf32>,
      %add3A_87 = arith.addf %add3A_80, %get3A_86 : vector<16xf32>
      %mul3A_88 = arith.constant 16 : i32
      %mul3A_89 = arith.muli %scan3A_60, %mul3A_88 : i32
      %get3A_90 = arith.constant 4 : i32
      %get3A_91 = arith.index_cast %get3A_90 : i32 to index
      %get3A_92 = arith.index_cast %mul3A_89 : i32 to index
      %get3A_93 = tpu.vector_load %arg8[%get3A_91, %get3A_92] {strides = array<i32>} : memref<16x640xf32, #tpu.memory_space<vmem>>, vector<16xf32>,
      %add3A_94 = arith.addf %add3A_87, %get3A_93 : vector<16xf32>
      %mul3A_95 = arith.constant 16 : i32
      %mul3A_96 = arith.muli %scan3A_60, %mul3A_95 : i32
      %get3A_97 = arith.constant 5 : i32
      %get3A_98 = arith.index_cast %get3A_97 : i32 to index
      %get3A_99 = arith.index_cast %mul3A_96 : i32 to index
      %get3A_100 = tpu.vector_load %arg8[%get3A_98, %get3A_99] {strides = array<i32>} : memref<16x640xf32, #tpu.memory_space<vmem>>, vector<16xf32>,
      %add3A_101 = arith.addf %add3A_94, %get3A_100 : vector<16xf32>
      %mul3A_102 = arith.constant 16 : i32
      %mul3A_103 = arith.muli %scan3A_60, %mul3A_102 : i32
      %get3A_104 = arith.constant 6 : i32
      %get3A_105 = arith.index_cast %get3A_104 : i32 to index
      %get3A_106 = arith.index_cast %mul3A_103 : i32 to index
      %get3A_107 = tpu.vector_load %arg8[%get3A_105, %get3A_106] {strides = array<i32>} : memref<16x640xf32, #tpu.memory_space<vmem>>, vector<16xf32>,
      %add3A_108 = arith.addf %add3A_101, %get3A_107 : vector<16xf32>
      %mul3A_109 = arith.constant 16 : i32
      %mul3A_110 = arith.muli %scan3A_60, %mul3A_109 : i32
      %get3A_111 = arith.constant 7 : i32
      %get3A_112 = arith.index_cast %get3A_111 : i32 to index
      %get3A_113 = arith.index_cast %mul3A_110 : i32 to index
      %get3A_114 = tpu.vector_load %arg8[%get3A_112, %get3A_113] {strides = array<i32>} : memref<16x640xf32, #tpu.memory_space<vmem>>, vector<16xf32>,
      %add3A_115 = arith.addf %add3A_108, %get3A_114 : vector<16xf32>
      %mul3A_116 = arith.constant 16 : i32
      %mul3A_117 = arith.muli %scan3A_60, %mul3A_116 : i32
      %get3A_118 = arith.constant 8 : i32
      %get3A_119 = arith.index_cast %get3A_118 : i32 to index
      %get3A_120 = arith.index_cast %mul3A_117 : i32 to index
      %get3A_121 = tpu.vector_load %arg8[%get3A_119, %get3A_120] {strides = array<i32>} : memref<16x640xf32, #tpu.memory_space<vmem>>, vector<16xf32>,
      %add3A_122 = arith.addf %add3A_115, %get3A_121 : vector<16xf32>
      %mul3A_123 = arith.constant 16 : i32
      %mul3A_124 = arith.muli %scan3A_60, %mul3A_123 : i32
      %get3A_125 = arith.constant 9 : i32
      %get3A_126 = arith.index_cast %get3A_125 : i32 to index
      %get3A_127 = arith.index_cast %mul3A_124 : i32 to index
      %get3A_128 = tpu.vector_load %arg8[%get3A_126, %get3A_127] {strides = array<i32>} : memref<16x640xf32, #tpu.memory_space<vmem>>, vector<16xf32>,
      %add3A_129 = arith.addf %add3A_122, %get3A_128 : vector<16xf32>
      %mul3A_130 = arith.constant 16 : i32
      %mul3A_131 = arith.muli %scan3A_60, %mul3A_130 : i32
      %get3A_132 = arith.constant 10 : i32
      %get3A_133 = arith.index_cast %get3A_132 : i32 to index
      %get3A_134 = arith.index_cast %mul3A_131 : i32 to index
      %get3A_135 = tpu.vector_load %arg8[%get3A_133, %get3A_134] {strides = array<i32>} : memref<16x640xf32, #tpu.memory_space<vmem>>, vector<16xf32>,
      %add3A_136 = arith.addf %add3A_129, %get3A_135 : vector<16xf32>
      %mul3A_137 = arith.constant 16 : i32
      %mul3A_138 = arith.muli %scan3A_60, %mul3A_137 : i32
      %get3A_139 = arith.constant 11 : i32
      %get3A_140 = arith.index_cast %get3A_139 : i32 to index
      %get3A_141 = arith.index_cast %mul3A_138 : i32 to index
      %get3A_142 = tpu.vector_load %arg8[%get3A_140, %get3A_141] {strides = array<i32>} : memref<16x640xf32, #tpu.memory_space<vmem>>, vector<16xf32>,
      %add3A_143 = arith.addf %add3A_136, %get3A_142 : vector<16xf32>
      %mul3A_144 = arith.constant 16 : i32
      %mul3A_145 = arith.muli %scan3A_60, %mul3A_144 : i32
      %get3A_146 = arith.constant 12 : i32
      %get3A_147 = arith.index_cast %get3A_146 : i32 to index
      %get3A_148 = arith.index_cast %mul3A_145 : i32 to index
      %get3A_149 = tpu.vector_load %arg8[%get3A_147, %get3A_148] {strides = array<i32>} : memref<16x640xf32, #tpu.memory_space<vmem>>, vector<16xf32>,
      %add3A_150 = arith.addf %add3A_143, %get3A_149 : vector<16xf32>
      %mul3A_151 = arith.constant 16 : i32
      %mul3A_152 = arith.muli %scan3A_60, %mul3A_151 : i32
      %get3A_153 = arith.constant 13 : i32
      %get3A_154 = arith.index_cast %get3A_153 : i32 to index
      %get3A_155 = arith.index_cast %mul3A_152 : i32 to index
      %get3A_156 = tpu.vector_load %arg8[%get3A_154, %get3A_155] {strides = array<i32>} : memref<16x640xf32, #tpu.memory_space<vmem>>, vector<16xf32>,
      %add3A_157 = arith.addf %add3A_150, %get3A_156 : vector<16xf32>
      %mul3A_158 = arith.constant 16 : i32
      %mul3A_159 = arith.muli %scan3A_60, %mul3A_158 : i32
      %get3A_160 = arith.constant 14 : i32
      %get3A_161 = arith.index_cast %get3A_160 : i32 to index
      %get3A_162 = arith.index_cast %mul3A_159 : i32 to index
      %get3A_163 = tpu.vector_load %arg8[%get3A_161, %get3A_162] {strides = array<i32>} : memref<16x640xf32, #tpu.memory_space<vmem>>, vector<16xf32>,
      %add3A_164 = arith.addf %add3A_157, %get3A_163 : vector<16xf32>
      %mul3A_165 = arith.constant 16 : i32
      %mul3A_166 = arith.muli %scan3A_60, %mul3A_165 : i32
      %get3A_167 = arith.constant 15 : i32
      %get3A_168 = arith.index_cast %get3A_167 : i32 to index
      %get3A_169 = arith.index_cast %mul3A_166 : i32 to index
      %get3A_170 = tpu.vector_load %arg8[%get3A_168, %get3A_169] {strides = array<i32>} : memref<16x640xf32, #tpu.memory_space<vmem>>, vector<16xf32>,
      %add3A_171 = arith.addf %add3A_164, %get3A_170 : vector<16xf32>
      %mul3A_172 = arith.constant 16 : i32
      %mul3A_173 = arith.muli %scan3A_60, %mul3A_172 : i32
      %swap3A = arith.index_cast %mul3A_173 : i32 to index
      %swap3A_174 = tpu.vector_load %arg6[%swap3A] {strides = array<i32>} : memref<10240xf32, #tpu.memory_space<vmem>>, vector<16xf32>,
      tpu.vector_store %arg6[%swap3A], %add3A_171 {strides = array<i32>} : memref<10240xf32, #tpu.memory_space<vmem>>, vector<16xf32>,
      %scan3A_175 = arith.constant 0 : i32
      scf.yield %scan3A_175 : i32
    }
    %scan3A_40 = arith.constant 40 : i32
    %mul3A_41 = arith.constant 10240 : i32
    %mul3A_42 = arith.muli %arg0, %mul3A_41 : i32
    %mul3A_43 = arith.constant 640 : i32
    %mul3A_44 = arith.muli %arg1, %mul3A_43 : i32
    %add3A_45 = arith.addi %mul3A_42, %mul3A_44 : i32
    "tpu.region"() ({
      %run_scoped3A = tpu.sem_alloc : memref<!tpu.dma_semaphore, #tpu.memory_space<semaphore_mem>>
      %dma_start3A = arith.constant 0 : i32
      %dma_start3A_60 = tpu.memref_slice %arg6[%dma_start3A] : memref<10240xf32, #tpu.memory_space<vmem>> -> memref<640xf32, #tpu.memory_space<vmem>>
      %dma_start3A_61 = tpu.memref_slice %arg3[%add3A_45] : memref<20480xf32, #tpu.memory_space<hbm>> -> memref<640xf32, #tpu.memory_space<hbm>>
      %dma_start3A_62 = tpu.memref_slice %arg3[%add3A_45] : memref<20480xf32, #tpu.memory_space<hbm>> -> memref<640xf32, #tpu.memory_space<hbm>>
      %dma_start3A_63 = arith.constant 0 : i32
      %dma_start3A_64 = tpu.memref_slice %arg6[%dma_start3A_63] : memref<10240xf32, #tpu.memory_space<vmem>> -> memref<640xf32, #tpu.memory_space<vmem>>
      tpu.enqueue_dma source(%dma_start3A_64 : memref<640xf32, #tpu.memory_space<vmem>>) target(%dma_start3A_62 : memref<640xf32, #tpu.memory_space<hbm>>) target_semaphore(%run_scoped3A : memref<!tpu.dma_semaphore, #tpu.memory_space<semaphore_mem>>)
      %dma_wait3A = arith.constant 0 : i32
      %dma_wait3A_65 = tpu.memref_slice %arg6[%dma_wait3A] : memref<10240xf32, #tpu.memory_space<vmem>> -> memref<640xf32, #tpu.memory_space<vmem>>
      %dma_wait3A_66 = tpu.memref_slice %arg3[%add3A_45] : memref<20480xf32, #tpu.memory_space<hbm>> -> memref<640xf32, #tpu.memory_space<hbm>>
      %dma_wait3A_67 = tpu.memref_slice %arg3[%add3A_45] : memref<20480xf32, #tpu.memory_space<hbm>> -> memref<640xf32, #tpu.memory_space<hbm>>
      %dma_wait3A_68 = arith.constant 0 : i32
      %dma_wait3A_69 = tpu.memref_slice %arg6[%dma_wait3A_68] : memref<10240xf32, #tpu.memory_space<vmem>> -> memref<640xf32, #tpu.memory_space<vmem>>
      tpu.wait_dma2 semaphore(%run_scoped3A : memref<!tpu.dma_semaphore, #tpu.memory_space<semaphore_mem>>) src(%dma_wait3A_69 : memref<640xf32, #tpu.memory_space<vmem>>) dst(%dma_wait3A_67 : memref<640xf32, #tpu.memory_space<hbm>>)
      tpu.yield
    }) : () -> ()
    %mul3A_46 = arith.constant 640 : i32
    %mul3A_47 = arith.muli %arg1, %mul3A_46 : i32
    "tpu.region"() ({
      %run_scoped3A = tpu.sem_alloc : memref<!tpu.dma_semaphore, #tpu.memory_space<semaphore_mem>>
      %dma_start3A = arith.constant 0 : i32
      %dma_start3A_60 = tpu.memref_slice %arg10[%dma_start3A, %mul3A_47] : memref<16x10240xf32, #tpu.memory_space<vmem_shared>> -> memref<16x640xf32, #tpu.memory_space<vmem_shared>>
      %dma_start3A_61 = arith.constant 0 : i32
      %dma_start3A_62 = tpu.memref_slice %arg10[%dma_start3A_61, %mul3A_47] : memref<16x10240xf32, #tpu.memory_space<vmem_shared>> -> memref<16x640xf32, #tpu.memory_space<vmem_shared>>
      tpu.enqueue_dma source(%dma_start3A_62 : memref<16x640xf32, #tpu.memory_space<vmem_shared>>) target(%arg8 : memref<16x640xf32, #tpu.memory_space<vmem>>) target_semaphore(%run_scoped3A : memref<!tpu.dma_semaphore, #tpu.memory_space<semaphore_mem>>)
      %dma_wait3A = arith.constant 0 : i32
      %dma_wait3A_63 = tpu.memref_slice %arg10[%dma_wait3A, %mul3A_47] : memref<16x10240xf32, #tpu.memory_space<vmem_shared>> -> memref<16x640xf32, #tpu.memory_space<vmem_shared>>
      %dma_wait3A_64 = arith.constant 0 : i32
      %dma_wait3A_65 = tpu.memref_slice %arg10[%dma_wait3A_64, %mul3A_47] : memref<16x10240xf32, #tpu.memory_space<vmem_shared>> -> memref<16x640xf32, #tpu.memory_space<vmem_shared>>
      tpu.wait_dma2 semaphore(%run_scoped3A : memref<!tpu.dma_semaphore, #tpu.memory_space<semaphore_mem>>) src(%dma_wait3A_65 : memref<16x640xf32, #tpu.memory_space<vmem_shared>>) dst(%arg8 : memref<16x640xf32, #tpu.memory_space<vmem>>)
      tpu.yield
    }) : () -> ()
    %scan3A_48 = arith.constant 0 : i32
    %scan3A_49 = arith.constant 0 : i32
    %scan3A_50 = arith.constant 40 : i32
    %scan3A_51 = arith.addi %scan3A_49, %scan3A_50 : i32
    %scan3A_52 = arith.constant 1 : i32
    %scan3A_53 = scf.for %scan3A_60 = %scan3A_49 to %scan3A_51 step %scan3A_52 iter_args(%scan3A_61 = %scan3A_48) -> (i32)  : i32 {
      %mul3A_62 = arith.constant 16 : i32
      %mul3A_63 = arith.muli %scan3A_60, %mul3A_62 : i32
      %get3A = arith.constant 0 : i32
      %get3A_64 = arith.index_cast %get3A : i32 to index
      %get3A_65 = arith.index_cast %mul3A_63 : i32 to index
      %get3A_66 = tpu.vector_load %arg8[%get3A_64, %get3A_65] {strides = array<i32>} : memref<16x640xf32, #tpu.memory_space<vmem>>, vector<16xf32>,
      %mul3A_67 = arith.constant 16 : i32
      %mul3A_68 = arith.muli %scan3A_60, %mul3A_67 : i32
      %get3A_69 = arith.constant 1 : i32
      %get3A_70 = arith.index_cast %get3A_69 : i32 to index
      %get3A_71 = arith.index_cast %mul3A_68 : i32 to index
      %get3A_72 = tpu.vector_load %arg8[%get3A_70, %get3A_71] {strides = array<i32>} : memref<16x640xf32, #tpu.memory_space<vmem>>, vector<16xf32>,
      %add3A_73 = arith.addf %get3A_66, %get3A_72 : vector<16xf32>
      %mul3A_74 = arith.constant 16 : i32
      %mul3A_75 = arith.muli %scan3A_60, %mul3A_74 : i32
      %get3A_76 = arith.constant 2 : i32
      %get3A_77 = arith.index_cast %get3A_76 : i32 to index
      %get3A_78 = arith.index_cast %mul3A_75 : i32 to index
      %get3A_79 = tpu.vector_load %arg8[%get3A_77, %get3A_78] {strides = array<i32>} : memref<16x640xf32, #tpu.memory_space<vmem>>, vector<16xf32>,
      %add3A_80 = arith.addf %add3A_73, %get3A_79 : vector<16xf32>
      %mul3A_81 = arith.constant 16 : i32
      %mul3A_82 = arith.muli %scan3A_60, %mul3A_81 : i32
      %get3A_83 = arith.constant 3 : i32
      %get3A_84 = arith.index_cast %get3A_83 : i32 to index
      %get3A_85 = arith.index_cast %mul3A_82 : i32 to index
      %get3A_86 = tpu.vector_load %arg8[%get3A_84, %get3A_85] {strides = array<i32>} : memref<16x640xf32, #tpu.memory_space<vmem>>, vector<16xf32>,
      %add3A_87 = arith.addf %add3A_80, %get3A_86 : vector<16xf32>
      %mul3A_88 = arith.constant 16 : i32
      %mul3A_89 = arith.muli %scan3A_60, %mul3A_88 : i32
      %get3A_90 = arith.constant 4 : i32
      %get3A_91 = arith.index_cast %get3A_90 : i32 to index
      %get3A_92 = arith.index_cast %mul3A_89 : i32 to index
      %get3A_93 = tpu.vector_load %arg8[%get3A_91, %get3A_92] {strides = array<i32>} : memref<16x640xf32, #tpu.memory_space<vmem>>, vector<16xf32>,
      %add3A_94 = arith.addf %add3A_87, %get3A_93 : vector<16xf32>
      %mul3A_95 = arith.constant 16 : i32
      %mul3A_96 = arith.muli %scan3A_60, %mul3A_95 : i32
      %get3A_97 = arith.constant 5 : i32
      %get3A_98 = arith.index_cast %get3A_97 : i32 to index
      %get3A_99 = arith.index_cast %mul3A_96 : i32 to index
      %get3A_100 = tpu.vector_load %arg8[%get3A_98, %get3A_99] {strides = array<i32>} : memref<16x640xf32, #tpu.memory_space<vmem>>, vector<16xf32>,
      %add3A_101 = arith.addf %add3A_94, %get3A_100 : vector<16xf32>
      %mul3A_102 = arith.constant 16 : i32
      %mul3A_103 = arith.muli %scan3A_60, %mul3A_102 : i32
      %get3A_104 = arith.constant 6 : i32
      %get3A_105 = arith.index_cast %get3A_104 : i32 to index
      %get3A_106 = arith.index_cast %mul3A_103 : i32 to index
      %get3A_107 = tpu.vector_load %arg8[%get3A_105, %get3A_106] {strides = array<i32>} : memref<16x640xf32, #tpu.memory_space<vmem>>, vector<16xf32>,
      %add3A_108 = arith.addf %add3A_101, %get3A_107 : vector<16xf32>
      %mul3A_109 = arith.constant 16 : i32
      %mul3A_110 = arith.muli %scan3A_60, %mul3A_109 : i32
      %get3A_111 = arith.constant 7 : i32
      %get3A_112 = arith.index_cast %get3A_111 : i32 to index
      %get3A_113 = arith.index_cast %mul3A_110 : i32 to index
      %get3A_114 = tpu.vector_load %arg8[%get3A_112, %get3A_113] {strides = array<i32>} : memref<16x640xf32, #tpu.memory_space<vmem>>, vector<16xf32>,
      %add3A_115 = arith.addf %add3A_108, %get3A_114 : vector<16xf32>
      %mul3A_116 = arith.constant 16 : i32
      %mul3A_117 = arith.muli %scan3A_60, %mul3A_116 : i32
      %get3A_118 = arith.constant 8 : i32
      %get3A_119 = arith.index_cast %get3A_118 : i32 to index
      %get3A_120 = arith.index_cast %mul3A_117 : i32 to index
      %get3A_121 = tpu.vector_load %arg8[%get3A_119, %get3A_120] {strides = array<i32>} : memref<16x640xf32, #tpu.memory_space<vmem>>, vector<16xf32>,
      %add3A_122 = arith.addf %add3A_115, %get3A_121 : vector<16xf32>
      %mul3A_123 = arith.constant 16 : i32
      %mul3A_124 = arith.muli %scan3A_60, %mul3A_123 : i32
      %get3A_125 = arith.constant 9 : i32
      %get3A_126 = arith.index_cast %get3A_125 : i32 to index
      %get3A_127 = arith.index_cast %mul3A_124 : i32 to index
      %get3A_128 = tpu.vector_load %arg8[%get3A_126, %get3A_127] {strides = array<i32>} : memref<16x640xf32, #tpu.memory_space<vmem>>, vector<16xf32>,
      %add3A_129 = arith.addf %add3A_122, %get3A_128 : vector<16xf32>
      %mul3A_130 = arith.constant 16 : i32
      %mul3A_131 = arith.muli %scan3A_60, %mul3A_130 : i32
      %get3A_132 = arith.constant 10 : i32
      %get3A_133 = arith.index_cast %get3A_132 : i32 to index
      %get3A_134 = arith.index_cast %mul3A_131 : i32 to index
      %get3A_135 = tpu.vector_load %arg8[%get3A_133, %get3A_134] {strides = array<i32>} : memref<16x640xf32, #tpu.memory_space<vmem>>, vector<16xf32>,
      %add3A_136 = arith.addf %add3A_129, %get3A_135 : vector<16xf32>
      %mul3A_137 = arith.constant 16 : i32
      %mul3A_138 = arith.muli %scan3A_60, %mul3A_137 : i32
      %get3A_139 = arith.constant 11 : i32
      %get3A_140 = arith.index_cast %get3A_139 : i32 to index
      %get3A_141 = arith.index_cast %mul3A_138 : i32 to index
      %get3A_142 = tpu.vector_load %arg8[%get3A_140, %get3A_141] {strides = array<i32>} : memref<16x640xf32, #tpu.memory_space<vmem>>, vector<16xf32>,
      %add3A_143 = arith.addf %add3A_136, %get3A_142 : vector<16xf32>
      %mul3A_144 = arith.constant 16 : i32
      %mul3A_145 = arith.muli %scan3A_60, %mul3A_144 : i32
      %get3A_146 = arith.constant 12 : i32
      %get3A_147 = arith.index_cast %get3A_146 : i32 to index
      %get3A_148 = arith.index_cast %mul3A_145 : i32 to index
      %get3A_149 = tpu.vector_load %arg8[%get3A_147, %get3A_148] {strides = array<i32>} : memref<16x640xf32, #tpu.memory_space<vmem>>, vector<16xf32>,
      %add3A_150 = arith.addf %add3A_143, %get3A_149 : vector<16xf32>
      %mul3A_151 = arith.constant 16 : i32
      %mul3A_152 = arith.muli %scan3A_60, %mul3A_151 : i32
      %get3A_153 = arith.constant 13 : i32
      %get3A_154 = arith.index_cast %get3A_153 : i32 to index
      %get3A_155 = arith.index_cast %mul3A_152 : i32 to index
      %get3A_156 = tpu.vector_load %arg8[%get3A_154, %get3A_155] {strides = array<i32>} : memref<16x640xf32, #tpu.memory_space<vmem>>, vector<16xf32>,
      %add3A_157 = arith.addf %add3A_150, %get3A_156 : vector<16xf32>
      %mul3A_158 = arith.constant 16 : i32
      %mul3A_159 = arith.muli %scan3A_60, %mul3A_158 : i32
      %get3A_160 = arith.constant 14 : i32
      %get3A_161 = arith.index_cast %get3A_160 : i32 to index
      %get3A_162 = arith.index_cast %mul3A_159 : i32 to index
      %get3A_163 = tpu.vector_load %arg8[%get3A_161, %get3A_162] {strides = array<i32>} : memref<16x640xf32, #tpu.memory_space<vmem>>, vector<16xf32>,
      %add3A_164 = arith.addf %add3A_157, %get3A_163 : vector<16xf32>
      %mul3A_165 = arith.constant 16 : i32
      %mul3A_166 = arith.muli %scan3A_60, %mul3A_165 : i32
      %get3A_167 = arith.constant 15 : i32
      %get3A_168 = arith.index_cast %get3A_167 : i32 to index
      %get3A_169 = arith.index_cast %mul3A_166 : i32 to index
      %get3A_170 = tpu.vector_load %arg8[%get3A_168, %get3A_169] {strides = array<i32>} : memref<16x640xf32, #tpu.memory_space<vmem>>, vector<16xf32>,
      %add3A_171 = arith.addf %add3A_164, %get3A_170 : vector<16xf32>
      %mul3A_172 = arith.constant 16 : i32
      %mul3A_173 = arith.muli %scan3A_60, %mul3A_172 : i32
      %swap3A = arith.index_cast %mul3A_173 : i32 to index
      %swap3A_174 = tpu.vector_load %arg7[%swap3A] {strides = array<i32>} : memref<10240xf32, #tpu.memory_space<vmem>>, vector<16xf32>,
      tpu.vector_store %arg7[%swap3A], %add3A_171 {strides = array<i32>} : memref<10240xf32, #tpu.memory_space<vmem>>, vector<16xf32>,
      %scan3A_175 = arith.constant 0 : i32
      scf.yield %scan3A_175 : i32
    }
    %scan3A_54 = arith.constant 40 : i32
    %mul3A_55 = arith.constant 10240 : i32
    %mul3A_56 = arith.muli %arg0, %mul3A_55 : i32
    %mul3A_57 = arith.constant 640 : i32
    %mul3A_58 = arith.muli %arg1, %mul3A_57 : i32
    %add3A_59 = arith.addi %mul3A_56, %mul3A_58 : i32
    "tpu.region"() ({
      %run_scoped3A = tpu.sem_alloc : memref<!tpu.dma_semaphore, #tpu.memory_space<semaphore_mem>>
      %dma_start3A = arith.constant 0 : i32
      %dma_start3A_60 = tpu.memref_slice %arg7[%dma_start3A] : memref<10240xf32, #tpu.memory_space<vmem>> -> memref<640xf32, #tpu.memory_space<vmem>>
      %dma_start3A_61 = tpu.memref_slice %arg4[%add3A_59] : memref<20480xf32, #tpu.memory_space<hbm>> -> memref<640xf32, #tpu.memory_space<hbm>>
      %dma_start3A_62 = tpu.memref_slice %arg4[%add3A_59] : memref<20480xf32, #tpu.memory_space<hbm>> -> memref<640xf32, #tpu.memory_space<hbm>>
      %dma_start3A_63 = arith.constant 0 : i32
      %dma_start3A_64 = tpu.memref_slice %arg7[%dma_start3A_63] : memref<10240xf32, #tpu.memory_space<vmem>> -> memref<640xf32, #tpu.memory_space<vmem>>
      tpu.enqueue_dma source(%dma_start3A_64 : memref<640xf32, #tpu.memory_space<vmem>>) target(%dma_start3A_62 : memref<640xf32, #tpu.memory_space<hbm>>) target_semaphore(%run_scoped3A : memref<!tpu.dma_semaphore, #tpu.memory_space<semaphore_mem>>)
      %dma_wait3A = arith.constant 0 : i32
      %dma_wait3A_65 = tpu.memref_slice %arg7[%dma_wait3A] : memref<10240xf32, #tpu.memory_space<vmem>> -> memref<640xf32, #tpu.memory_space<vmem>>
      %dma_wait3A_66 = tpu.memref_slice %arg4[%add3A_59] : memref<20480xf32, #tpu.memory_space<hbm>> -> memref<640xf32, #tpu.memory_space<hbm>>
      %dma_wait3A_67 = tpu.memref_slice %arg4[%add3A_59] : memref<20480xf32, #tpu.memory_space<hbm>> -> memref<640xf32, #tpu.memory_space<hbm>>
      %dma_wait3A_68 = arith.constant 0 : i32
      %dma_wait3A_69 = tpu.memref_slice %arg7[%dma_wait3A_68] : memref<10240xf32, #tpu.memory_space<vmem>> -> memref<640xf32, #tpu.memory_space<vmem>>
      tpu.wait_dma2 semaphore(%run_scoped3A : memref<!tpu.dma_semaphore, #tpu.memory_space<semaphore_mem>>) src(%dma_wait3A_69 : memref<640xf32, #tpu.memory_space<vmem>>) dst(%dma_wait3A_67 : memref<640xf32, #tpu.memory_space<hbm>>)
      tpu.yield
    }) : () -> ()
    return
  }
}

#map = affine_map<(d0, d1) -> (0, 0)>
module attributes {stable_mosaic.version = 14 : i64} {
  func.func @_scat_body(%arg0: i32, %arg1: i32, %arg2: memref<20224x192xbf16, #tpu.memory_space<hbm>>, %arg3: memref<2560x128xi32, #tpu.memory_space<hbm>>, %arg4: memref<128x192xbf16, #tpu.memory_space<hbm>>, %arg5: memref<10240x384xbf16, #tpu.memory_space<hbm>>, %arg6: memref<80x128xi32, #tpu.memory_space<vmem>>, %arg7: memref<80x128xi32, #tpu.memory_space<vmem>>, %arg8: memref<128x192xbf16, #tpu.memory_space<vmem>>, %arg9: memref<128x192xbf16, #tpu.memory_space<vmem>>, %arg10: memref<128x192xbf16, #tpu.memory_space<vmem>>, %arg11: memref<128x192xbf16, #tpu.memory_space<vmem>>, %arg12: memref<!tpu.dma_semaphore, #tpu.memory_space<semaphore_mem>>, %arg13: memref<!tpu.dma_semaphore, #tpu.memory_space<semaphore_mem>>, %arg14: memref<!tpu.dma_semaphore, #tpu.memory_space<semaphore_mem>>, %arg15: memref<!tpu.dma_semaphore, #tpu.memory_space<semaphore_mem>>, %arg16: memref<!tpu.dma_semaphore, #tpu.memory_space<semaphore_mem>>, %arg17: memref<!tpu.dma_semaphore, #tpu.memory_space<semaphore_mem>>, %arg18: memref<!tpu.dma_semaphore, #tpu.memory_space<semaphore_mem>>, %arg19: memref<!tpu.dma_semaphore, #tpu.memory_space<semaphore_mem>>, %arg20: memref<10240x192xbf16, #tpu.memory_space<vmem_shared>>) attributes {dimension_semantics = [#tpu.dimension_semantics<core_parallel>, #tpu.dimension_semantics<subcore_parallel>], iteration_bounds = array<i64: 2, 16>, scalar_prefetch = 0 : i64, scratch_operands = 15 : i64, tpu.core_type = #tpu.core_type<sc_vector_subcore>, window_params = [{transform_indices = #map}, {transform_indices = #map}, {transform_indices = #map}, {transform_indices = #map}]} {
    %iota3A = tpu.iota {dimensions = array<i32: 0>} : vector<16xi32>
    %mul3A = arith.constant 80 : i32
    %mul3A_0 = arith.muli %arg1, %mul3A : i32
    "tpu.region"() ({
      %run_scoped3A = tpu.sem_alloc : memref<!tpu.dma_semaphore, #tpu.memory_space<semaphore_mem>>
      %dma_start3A_100 = arith.constant 0 : i32
      %dma_start3A_101 = tpu.memref_slice %arg3[%mul3A_0, %dma_start3A_100] : memref<2560x128xi32, #tpu.memory_space<hbm>> -> memref<80x128xi32, #tpu.memory_space<hbm>>
      %dma_start3A_102 = arith.constant 0 : i32
      %dma_start3A_103 = tpu.memref_slice %arg3[%mul3A_0, %dma_start3A_102] : memref<2560x128xi32, #tpu.memory_space<hbm>> -> memref<80x128xi32, #tpu.memory_space<hbm>>
      tpu.enqueue_dma source(%dma_start3A_103 : memref<80x128xi32, #tpu.memory_space<hbm>>) target(%arg6 : memref<80x128xi32, #tpu.memory_space<vmem>>) target_semaphore(%run_scoped3A : memref<!tpu.dma_semaphore, #tpu.memory_space<semaphore_mem>>)
      %dma_wait3A_104 = arith.constant 0 : i32
      %dma_wait3A_105 = tpu.memref_slice %arg3[%mul3A_0, %dma_wait3A_104] : memref<2560x128xi32, #tpu.memory_space<hbm>> -> memref<80x128xi32, #tpu.memory_space<hbm>>
      %dma_wait3A_106 = arith.constant 0 : i32
      %dma_wait3A_107 = tpu.memref_slice %arg3[%mul3A_0, %dma_wait3A_106] : memref<2560x128xi32, #tpu.memory_space<hbm>> -> memref<80x128xi32, #tpu.memory_space<hbm>>
      tpu.wait_dma2 semaphore(%run_scoped3A : memref<!tpu.dma_semaphore, #tpu.memory_space<semaphore_mem>>) src(%dma_wait3A_107 : memref<80x128xi32, #tpu.memory_space<hbm>>) dst(%arg6 : memref<80x128xi32, #tpu.memory_space<vmem>>)
      tpu.yield
    }) : () -> ()
    %add3A = arith.constant 16 : i32
    %add3A_1 = arith.addi %add3A, %arg1 : i32
    %mul3A_2 = arith.constant 80 : i32
    %mul3A_3 = arith.muli %add3A_1, %mul3A_2 : i32
    "tpu.region"() ({
      %run_scoped3A = tpu.sem_alloc : memref<!tpu.dma_semaphore, #tpu.memory_space<semaphore_mem>>
      %dma_start3A_100 = arith.constant 0 : i32
      %dma_start3A_101 = tpu.memref_slice %arg3[%mul3A_3, %dma_start3A_100] : memref<2560x128xi32, #tpu.memory_space<hbm>> -> memref<80x128xi32, #tpu.memory_space<hbm>>
      %dma_start3A_102 = arith.constant 0 : i32
      %dma_start3A_103 = tpu.memref_slice %arg3[%mul3A_3, %dma_start3A_102] : memref<2560x128xi32, #tpu.memory_space<hbm>> -> memref<80x128xi32, #tpu.memory_space<hbm>>
      tpu.enqueue_dma source(%dma_start3A_103 : memref<80x128xi32, #tpu.memory_space<hbm>>) target(%arg7 : memref<80x128xi32, #tpu.memory_space<vmem>>) target_semaphore(%run_scoped3A : memref<!tpu.dma_semaphore, #tpu.memory_space<semaphore_mem>>)
      %dma_wait3A_104 = arith.constant 0 : i32
      %dma_wait3A_105 = tpu.memref_slice %arg3[%mul3A_3, %dma_wait3A_104] : memref<2560x128xi32, #tpu.memory_space<hbm>> -> memref<80x128xi32, #tpu.memory_space<hbm>>
      %dma_wait3A_106 = arith.constant 0 : i32
      %dma_wait3A_107 = tpu.memref_slice %arg3[%mul3A_3, %dma_wait3A_106] : memref<2560x128xi32, #tpu.memory_space<hbm>> -> memref<80x128xi32, #tpu.memory_space<hbm>>
      tpu.wait_dma2 semaphore(%run_scoped3A : memref<!tpu.dma_semaphore, #tpu.memory_space<semaphore_mem>>) src(%dma_wait3A_107 : memref<80x128xi32, #tpu.memory_space<hbm>>) dst(%arg7 : memref<80x128xi32, #tpu.memory_space<vmem>>)
      tpu.yield
    }) : () -> ()
    %eq3A = arith.constant 15 : i32
    %eq3A_4 = arith.cmpi eq, %arg1, %eq3A : i32
    %convert_element_type3A = arith.extui %eq3A_4 : i1 to i32
    %cond3A = arith.constant 0 : i32
    %cond3A_5 = arith.cmpi ne, %convert_element_type3A, %cond3A : i32
    scf.if %cond3A_5 {
      %scan3A_100 = arith.constant 0 : i32
      %scan3A_101 = arith.constant 0 : i32
      %scan3A_102 = arith.constant 80 : i32
      %scan3A_103 = arith.addi %scan3A_101, %scan3A_102 : i32
      %scan3A_104 = arith.constant 1 : i32
      %scan3A_105 = scf.for %scan3A_107 = %scan3A_101 to %scan3A_103 step %scan3A_104 iter_args(%scan3A_108 = %scan3A_100) -> (i32)  : i32 {
        %mul3A_109 = arith.constant 10240 : i32
        %mul3A_110 = arith.muli %arg1, %mul3A_109 : i32
        %mul3A_111 = arith.constant 128 : i32
        %mul3A_112 = arith.muli %scan3A_107, %mul3A_111 : i32
        %add3A_113 = arith.addi %mul3A_110, %mul3A_112 : i32
        %add3A_114 = arith.constant 0 : i32
        %add3A_115 = arith.addi %add3A_113, %add3A_114 : i32
        %get3A = arith.index_cast %scan3A_107 : i32 to index
        %get3A_116 = arith.constant 0 : index
        %get3A_117 = tpu.vector_load %arg7[%get3A, %get3A_116] {strides = array<i32>} : memref<80x128xi32, #tpu.memory_space<vmem>>, vector<16xi32>,
        %add3A_118 = vector.broadcast %add3A_115 : i32 to vector<16xi32>
        %add3A_119 = arith.addi %iota3A, %add3A_118 : vector<16xi32>
        %ge3A = arith.constant 160000 : i32
        %ge3A_120 = vector.broadcast %ge3A : i32 to vector<16xi32>
        %ge3A_121 = arith.cmpi sge, %add3A_119, %ge3A_120 : vector<16xi32>
        %jit3A = arith.constant 10016 : i32
        %broadcast_in_dim3A = vector.broadcast %jit3A : i32 to vector<16xi32>
        %select_n3A = arith.select %ge3A_121, %broadcast_in_dim3A, %get3A_117 : vector<16xi1>, vector<16xi32>
        %swap3A = arith.index_cast %scan3A_107 : i32 to index
        %swap3A_122 = arith.constant 0 : index
        %swap3A_123 = tpu.vector_load %arg7[%swap3A, %swap3A_122] {strides = array<i32>} : memref<80x128xi32, #tpu.memory_space<vmem>>, vector<16xi32>,
        tpu.vector_store %arg7[%swap3A, %swap3A_122], %select_n3A {strides = array<i32>} : memref<80x128xi32, #tpu.memory_space<vmem>>, vector<16xi32>,
        %mul3A_124 = arith.constant 10240 : i32
        %mul3A_125 = arith.muli %arg1, %mul3A_124 : i32
        %mul3A_126 = arith.constant 128 : i32
        %mul3A_127 = arith.muli %scan3A_107, %mul3A_126 : i32
        %add3A_128 = arith.addi %mul3A_125, %mul3A_127 : i32
        %add3A_129 = arith.constant 16 : i32
        %add3A_130 = arith.addi %add3A_128, %add3A_129 : i32
        %get3A_131 = arith.index_cast %scan3A_107 : i32 to index
        %get3A_132 = arith.constant 16 : index
        %get3A_133 = tpu.vector_load %arg7[%get3A_131, %get3A_132] {strides = array<i32>} : memref<80x128xi32, #tpu.memory_space<vmem>>, vector<16xi32>,
        %add3A_134 = vector.broadcast %add3A_130 : i32 to vector<16xi32>
        %add3A_135 = arith.addi %iota3A, %add3A_134 : vector<16xi32>
        %ge3A_136 = arith.constant 160000 : i32
        %ge3A_137 = vector.broadcast %ge3A_136 : i32 to vector<16xi32>
        %ge3A_138 = arith.cmpi sge, %add3A_135, %ge3A_137 : vector<16xi32>
        %jit3A_139 = arith.constant 10016 : i32
        %broadcast_in_dim3A_140 = vector.broadcast %jit3A_139 : i32 to vector<16xi32>
        %select_n3A_141 = arith.select %ge3A_138, %broadcast_in_dim3A_140, %get3A_133 : vector<16xi1>, vector<16xi32>
        %swap3A_142 = arith.index_cast %scan3A_107 : i32 to index
        %swap3A_143 = arith.constant 16 : index
        %swap3A_144 = tpu.vector_load %arg7[%swap3A_142, %swap3A_143] {strides = array<i32>} : memref<80x128xi32, #tpu.memory_space<vmem>>, vector<16xi32>,
        tpu.vector_store %arg7[%swap3A_142, %swap3A_143], %select_n3A_141 {strides = array<i32>} : memref<80x128xi32, #tpu.memory_space<vmem>>, vector<16xi32>,
        %mul3A_145 = arith.constant 10240 : i32
        %mul3A_146 = arith.muli %arg1, %mul3A_145 : i32
        %mul3A_147 = arith.constant 128 : i32
        %mul3A_148 = arith.muli %scan3A_107, %mul3A_147 : i32
        %add3A_149 = arith.addi %mul3A_146, %mul3A_148 : i32
        %add3A_150 = arith.constant 32 : i32
        %add3A_151 = arith.addi %add3A_149, %add3A_150 : i32
        %get3A_152 = arith.index_cast %scan3A_107 : i32 to index
        %get3A_153 = arith.constant 32 : index
        %get3A_154 = tpu.vector_load %arg7[%get3A_152, %get3A_153] {strides = array<i32>} : memref<80x128xi32, #tpu.memory_space<vmem>>, vector<16xi32>,
        %add3A_155 = vector.broadcast %add3A_151 : i32 to vector<16xi32>
        %add3A_156 = arith.addi %iota3A, %add3A_155 : vector<16xi32>
        %ge3A_157 = arith.constant 160000 : i32
        %ge3A_158 = vector.broadcast %ge3A_157 : i32 to vector<16xi32>
        %ge3A_159 = arith.cmpi sge, %add3A_156, %ge3A_158 : vector<16xi32>
        %jit3A_160 = arith.constant 10016 : i32
        %broadcast_in_dim3A_161 = vector.broadcast %jit3A_160 : i32 to vector<16xi32>
        %select_n3A_162 = arith.select %ge3A_159, %broadcast_in_dim3A_161, %get3A_154 : vector<16xi1>, vector<16xi32>
        %swap3A_163 = arith.index_cast %scan3A_107 : i32 to index
        %swap3A_164 = arith.constant 32 : index
        %swap3A_165 = tpu.vector_load %arg7[%swap3A_163, %swap3A_164] {strides = array<i32>} : memref<80x128xi32, #tpu.memory_space<vmem>>, vector<16xi32>,
        tpu.vector_store %arg7[%swap3A_163, %swap3A_164], %select_n3A_162 {strides = array<i32>} : memref<80x128xi32, #tpu.memory_space<vmem>>, vector<16xi32>,
        %mul3A_166 = arith.constant 10240 : i32
        %mul3A_167 = arith.muli %arg1, %mul3A_166 : i32
        %mul3A_168 = arith.constant 128 : i32
        %mul3A_169 = arith.muli %scan3A_107, %mul3A_168 : i32
        %add3A_170 = arith.addi %mul3A_167, %mul3A_169 : i32
        %add3A_171 = arith.constant 48 : i32
        %add3A_172 = arith.addi %add3A_170, %add3A_171 : i32
        %get3A_173 = arith.index_cast %scan3A_107 : i32 to index
        %get3A_174 = arith.constant 48 : index
        %get3A_175 = tpu.vector_load %arg7[%get3A_173, %get3A_174] {strides = array<i32>} : memref<80x128xi32, #tpu.memory_space<vmem>>, vector<16xi32>,
        %add3A_176 = vector.broadcast %add3A_172 : i32 to vector<16xi32>
        %add3A_177 = arith.addi %iota3A, %add3A_176 : vector<16xi32>
        %ge3A_178 = arith.constant 160000 : i32
        %ge3A_179 = vector.broadcast %ge3A_178 : i32 to vector<16xi32>
        %ge3A_180 = arith.cmpi sge, %add3A_177, %ge3A_179 : vector<16xi32>
        %jit3A_181 = arith.constant 10016 : i32
        %broadcast_in_dim3A_182 = vector.broadcast %jit3A_181 : i32 to vector<16xi32>
        %select_n3A_183 = arith.select %ge3A_180, %broadcast_in_dim3A_182, %get3A_175 : vector<16xi1>, vector<16xi32>
        %swap3A_184 = arith.index_cast %scan3A_107 : i32 to index
        %swap3A_185 = arith.constant 48 : index
        %swap3A_186 = tpu.vector_load %arg7[%swap3A_184, %swap3A_185] {strides = array<i32>} : memref<80x128xi32, #tpu.memory_space<vmem>>, vector<16xi32>,
        tpu.vector_store %arg7[%swap3A_184, %swap3A_185], %select_n3A_183 {strides = array<i32>} : memref<80x128xi32, #tpu.memory_space<vmem>>, vector<16xi32>,
        %mul3A_187 = arith.constant 10240 : i32
        %mul3A_188 = arith.muli %arg1, %mul3A_187 : i32
        %mul3A_189 = arith.constant 128 : i32
        %mul3A_190 = arith.muli %scan3A_107, %mul3A_189 : i32
        %add3A_191 = arith.addi %mul3A_188, %mul3A_190 : i32
        %add3A_192 = arith.constant 64 : i32
        %add3A_193 = arith.addi %add3A_191, %add3A_192 : i32
        %get3A_194 = arith.index_cast %scan3A_107 : i32 to index
        %get3A_195 = arith.constant 64 : index
        %get3A_196 = tpu.vector_load %arg7[%get3A_194, %get3A_195] {strides = array<i32>} : memref<80x128xi32, #tpu.memory_space<vmem>>, vector<16xi32>,
        %add3A_197 = vector.broadcast %add3A_193 : i32 to vector<16xi32>
        %add3A_198 = arith.addi %iota3A, %add3A_197 : vector<16xi32>
        %ge3A_199 = arith.constant 160000 : i32
        %ge3A_200 = vector.broadcast %ge3A_199 : i32 to vector<16xi32>
        %ge3A_201 = arith.cmpi sge, %add3A_198, %ge3A_200 : vector<16xi32>
        %jit3A_202 = arith.constant 10016 : i32
        %broadcast_in_dim3A_203 = vector.broadcast %jit3A_202 : i32 to vector<16xi32>
        %select_n3A_204 = arith.select %ge3A_201, %broadcast_in_dim3A_203, %get3A_196 : vector<16xi1>, vector<16xi32>
        %swap3A_205 = arith.index_cast %scan3A_107 : i32 to index
        %swap3A_206 = arith.constant 64 : index
        %swap3A_207 = tpu.vector_load %arg7[%swap3A_205, %swap3A_206] {strides = array<i32>} : memref<80x128xi32, #tpu.memory_space<vmem>>, vector<16xi32>,
        tpu.vector_store %arg7[%swap3A_205, %swap3A_206], %select_n3A_204 {strides = array<i32>} : memref<80x128xi32, #tpu.memory_space<vmem>>, vector<16xi32>,
        %mul3A_208 = arith.constant 10240 : i32
        %mul3A_209 = arith.muli %arg1, %mul3A_208 : i32
        %mul3A_210 = arith.constant 128 : i32
        %mul3A_211 = arith.muli %scan3A_107, %mul3A_210 : i32
        %add3A_212 = arith.addi %mul3A_209, %mul3A_211 : i32
        %add3A_213 = arith.constant 80 : i32
        %add3A_214 = arith.addi %add3A_212, %add3A_213 : i32
        %get3A_215 = arith.index_cast %scan3A_107 : i32 to index
        %get3A_216 = arith.constant 80 : index
        %get3A_217 = tpu.vector_load %arg7[%get3A_215, %get3A_216] {strides = array<i32>} : memref<80x128xi32, #tpu.memory_space<vmem>>, vector<16xi32>,
        %add3A_218 = vector.broadcast %add3A_214 : i32 to vector<16xi32>
        %add3A_219 = arith.addi %iota3A, %add3A_218 : vector<16xi32>
        %ge3A_220 = arith.constant 160000 : i32
        %ge3A_221 = vector.broadcast %ge3A_220 : i32 to vector<16xi32>
        %ge3A_222 = arith.cmpi sge, %add3A_219, %ge3A_221 : vector<16xi32>
        %jit3A_223 = arith.constant 10016 : i32
        %broadcast_in_dim3A_224 = vector.broadcast %jit3A_223 : i32 to vector<16xi32>
        %select_n3A_225 = arith.select %ge3A_222, %broadcast_in_dim3A_224, %get3A_217 : vector<16xi1>, vector<16xi32>
        %swap3A_226 = arith.index_cast %scan3A_107 : i32 to index
        %swap3A_227 = arith.constant 80 : index
        %swap3A_228 = tpu.vector_load %arg7[%swap3A_226, %swap3A_227] {strides = array<i32>} : memref<80x128xi32, #tpu.memory_space<vmem>>, vector<16xi32>,
        tpu.vector_store %arg7[%swap3A_226, %swap3A_227], %select_n3A_225 {strides = array<i32>} : memref<80x128xi32, #tpu.memory_space<vmem>>, vector<16xi32>,
        %mul3A_229 = arith.constant 10240 : i32
        %mul3A_230 = arith.muli %arg1, %mul3A_229 : i32
        %mul3A_231 = arith.constant 128 : i32
        %mul3A_232 = arith.muli %scan3A_107, %mul3A_231 : i32
        %add3A_233 = arith.addi %mul3A_230, %mul3A_232 : i32
        %add3A_234 = arith.constant 96 : i32
        %add3A_235 = arith.addi %add3A_233, %add3A_234 : i32
        %get3A_236 = arith.index_cast %scan3A_107 : i32 to index
        %get3A_237 = arith.constant 96 : index
        %get3A_238 = tpu.vector_load %arg7[%get3A_236, %get3A_237] {strides = array<i32>} : memref<80x128xi32, #tpu.memory_space<vmem>>, vector<16xi32>,
        %add3A_239 = vector.broadcast %add3A_235 : i32 to vector<16xi32>
        %add3A_240 = arith.addi %iota3A, %add3A_239 : vector<16xi32>
        %ge3A_241 = arith.constant 160000 : i32
        %ge3A_242 = vector.broadcast %ge3A_241 : i32 to vector<16xi32>
        %ge3A_243 = arith.cmpi sge, %add3A_240, %ge3A_242 : vector<16xi32>
        %jit3A_244 = arith.constant 10016 : i32
        %broadcast_in_dim3A_245 = vector.broadcast %jit3A_244 : i32 to vector<16xi32>
        %select_n3A_246 = arith.select %ge3A_243, %broadcast_in_dim3A_245, %get3A_238 : vector<16xi1>, vector<16xi32>
        %swap3A_247 = arith.index_cast %scan3A_107 : i32 to index
        %swap3A_248 = arith.constant 96 : index
        %swap3A_249 = tpu.vector_load %arg7[%swap3A_247, %swap3A_248] {strides = array<i32>} : memref<80x128xi32, #tpu.memory_space<vmem>>, vector<16xi32>,
        tpu.vector_store %arg7[%swap3A_247, %swap3A_248], %select_n3A_246 {strides = array<i32>} : memref<80x128xi32, #tpu.memory_space<vmem>>, vector<16xi32>,
        %mul3A_250 = arith.constant 10240 : i32
        %mul3A_251 = arith.muli %arg1, %mul3A_250 : i32
        %mul3A_252 = arith.constant 128 : i32
        %mul3A_253 = arith.muli %scan3A_107, %mul3A_252 : i32
        %add3A_254 = arith.addi %mul3A_251, %mul3A_253 : i32
        %add3A_255 = arith.constant 112 : i32
        %add3A_256 = arith.addi %add3A_254, %add3A_255 : i32
        %get3A_257 = arith.index_cast %scan3A_107 : i32 to index
        %get3A_258 = arith.constant 112 : index
        %get3A_259 = tpu.vector_load %arg7[%get3A_257, %get3A_258] {strides = array<i32>} : memref<80x128xi32, #tpu.memory_space<vmem>>, vector<16xi32>,
        %add3A_260 = vector.broadcast %add3A_256 : i32 to vector<16xi32>
        %add3A_261 = arith.addi %iota3A, %add3A_260 : vector<16xi32>
        %ge3A_262 = arith.constant 160000 : i32
        %ge3A_263 = vector.broadcast %ge3A_262 : i32 to vector<16xi32>
        %ge3A_264 = arith.cmpi sge, %add3A_261, %ge3A_263 : vector<16xi32>
        %jit3A_265 = arith.constant 10016 : i32
        %broadcast_in_dim3A_266 = vector.broadcast %jit3A_265 : i32 to vector<16xi32>
        %select_n3A_267 = arith.select %ge3A_264, %broadcast_in_dim3A_266, %get3A_259 : vector<16xi1>, vector<16xi32>
        %swap3A_268 = arith.index_cast %scan3A_107 : i32 to index
        %swap3A_269 = arith.constant 112 : index
        %swap3A_270 = tpu.vector_load %arg7[%swap3A_268, %swap3A_269] {strides = array<i32>} : memref<80x128xi32, #tpu.memory_space<vmem>>, vector<16xi32>,
        tpu.vector_store %arg7[%swap3A_268, %swap3A_269], %select_n3A_267 {strides = array<i32>} : memref<80x128xi32, #tpu.memory_space<vmem>>, vector<16xi32>,
        %scan3A_271 = arith.constant 0 : i32
        scf.yield %scan3A_271 : i32
      }
      %scan3A_106 = arith.constant 80 : i32
    } else {
    }
    %scan3A = arith.constant 0 : i32
    %scan3A_6 = arith.constant 0 : i32
    %scan3A_7 = arith.constant 80 : i32
    %scan3A_8 = arith.addi %scan3A_6, %scan3A_7 : i32
    %scan3A_9 = arith.constant 1 : i32
    %scan3A_10 = scf.for %scan3A_100 = %scan3A_6 to %scan3A_8 step %scan3A_9 iter_args(%scan3A_101 = %scan3A) -> (i32)  : i32 {
      %get3A = arith.index_cast %scan3A_100 : i32 to index
      %get3A_102 = arith.constant 0 : index
      %get3A_103 = tpu.vector_load %arg6[%get3A, %get3A_102] {strides = array<i32>} : memref<80x128xi32, #tpu.memory_space<vmem>>, vector<16xi32>,
      %mul3A_104 = arith.constant 2 : i32
      %mul3A_105 = vector.broadcast %mul3A_104 : i32 to vector<16xi32>
      %mul3A_106 = arith.muli %get3A_103, %mul3A_105 : vector<16xi32>
      %add3A_107 = vector.broadcast %arg0 : i32 to vector<16xi32>
      %add3A_108 = arith.addi %mul3A_106, %add3A_107 : vector<16xi32>
      %swap3A = arith.index_cast %scan3A_100 : i32 to index
      %swap3A_109 = arith.constant 0 : index
      %swap3A_110 = tpu.vector_load %arg6[%swap3A, %swap3A_109] {strides = array<i32>} : memref<80x128xi32, #tpu.memory_space<vmem>>, vector<16xi32>,
      tpu.vector_store %arg6[%swap3A, %swap3A_109], %add3A_108 {strides = array<i32>} : memref<80x128xi32, #tpu.memory_space<vmem>>, vector<16xi32>,
      %get3A_111 = arith.index_cast %scan3A_100 : i32 to index
      %get3A_112 = arith.constant 16 : index
      %get3A_113 = tpu.vector_load %arg6[%get3A_111, %get3A_112] {strides = array<i32>} : memref<80x128xi32, #tpu.memory_space<vmem>>, vector<16xi32>,
      %mul3A_114 = arith.constant 2 : i32
      %mul3A_115 = vector.broadcast %mul3A_114 : i32 to vector<16xi32>
      %mul3A_116 = arith.muli %get3A_113, %mul3A_115 : vector<16xi32>
      %add3A_117 = vector.broadcast %arg0 : i32 to vector<16xi32>
      %add3A_118 = arith.addi %mul3A_116, %add3A_117 : vector<16xi32>
      %swap3A_119 = arith.index_cast %scan3A_100 : i32 to index
      %swap3A_120 = arith.constant 16 : index
      %swap3A_121 = tpu.vector_load %arg6[%swap3A_119, %swap3A_120] {strides = array<i32>} : memref<80x128xi32, #tpu.memory_space<vmem>>, vector<16xi32>,
      tpu.vector_store %arg6[%swap3A_119, %swap3A_120], %add3A_118 {strides = array<i32>} : memref<80x128xi32, #tpu.memory_space<vmem>>, vector<16xi32>,
      %get3A_122 = arith.index_cast %scan3A_100 : i32 to index
      %get3A_123 = arith.constant 32 : index
      %get3A_124 = tpu.vector_load %arg6[%get3A_122, %get3A_123] {strides = array<i32>} : memref<80x128xi32, #tpu.memory_space<vmem>>, vector<16xi32>,
      %mul3A_125 = arith.constant 2 : i32
      %mul3A_126 = vector.broadcast %mul3A_125 : i32 to vector<16xi32>
      %mul3A_127 = arith.muli %get3A_124, %mul3A_126 : vector<16xi32>
      %add3A_128 = vector.broadcast %arg0 : i32 to vector<16xi32>
      %add3A_129 = arith.addi %mul3A_127, %add3A_128 : vector<16xi32>
      %swap3A_130 = arith.index_cast %scan3A_100 : i32 to index
      %swap3A_131 = arith.constant 32 : index
      %swap3A_132 = tpu.vector_load %arg6[%swap3A_130, %swap3A_131] {strides = array<i32>} : memref<80x128xi32, #tpu.memory_space<vmem>>, vector<16xi32>,
      tpu.vector_store %arg6[%swap3A_130, %swap3A_131], %add3A_129 {strides = array<i32>} : memref<80x128xi32, #tpu.memory_space<vmem>>, vector<16xi32>,
      %get3A_133 = arith.index_cast %scan3A_100 : i32 to index
      %get3A_134 = arith.constant 48 : index
      %get3A_135 = tpu.vector_load %arg6[%get3A_133, %get3A_134] {strides = array<i32>} : memref<80x128xi32, #tpu.memory_space<vmem>>, vector<16xi32>,
      %mul3A_136 = arith.constant 2 : i32
      %mul3A_137 = vector.broadcast %mul3A_136 : i32 to vector<16xi32>
      %mul3A_138 = arith.muli %get3A_135, %mul3A_137 : vector<16xi32>
      %add3A_139 = vector.broadcast %arg0 : i32 to vector<16xi32>
      %add3A_140 = arith.addi %mul3A_138, %add3A_139 : vector<16xi32>
      %swap3A_141 = arith.index_cast %scan3A_100 : i32 to index
      %swap3A_142 = arith.constant 48 : index
      %swap3A_143 = tpu.vector_load %arg6[%swap3A_141, %swap3A_142] {strides = array<i32>} : memref<80x128xi32, #tpu.memory_space<vmem>>, vector<16xi32>,
      tpu.vector_store %arg6[%swap3A_141, %swap3A_142], %add3A_140 {strides = array<i32>} : memref<80x128xi32, #tpu.memory_space<vmem>>, vector<16xi32>,
      %get3A_144 = arith.index_cast %scan3A_100 : i32 to index
      %get3A_145 = arith.constant 64 : index
      %get3A_146 = tpu.vector_load %arg6[%get3A_144, %get3A_145] {strides = array<i32>} : memref<80x128xi32, #tpu.memory_space<vmem>>, vector<16xi32>,
      %mul3A_147 = arith.constant 2 : i32
      %mul3A_148 = vector.broadcast %mul3A_147 : i32 to vector<16xi32>
      %mul3A_149 = arith.muli %get3A_146, %mul3A_148 : vector<16xi32>
      %add3A_150 = vector.broadcast %arg0 : i32 to vector<16xi32>
      %add3A_151 = arith.addi %mul3A_149, %add3A_150 : vector<16xi32>
      %swap3A_152 = arith.index_cast %scan3A_100 : i32 to index
      %swap3A_153 = arith.constant 64 : index
      %swap3A_154 = tpu.vector_load %arg6[%swap3A_152, %swap3A_153] {strides = array<i32>} : memref<80x128xi32, #tpu.memory_space<vmem>>, vector<16xi32>,
      tpu.vector_store %arg6[%swap3A_152, %swap3A_153], %add3A_151 {strides = array<i32>} : memref<80x128xi32, #tpu.memory_space<vmem>>, vector<16xi32>,
      %get3A_155 = arith.index_cast %scan3A_100 : i32 to index
      %get3A_156 = arith.constant 80 : index
      %get3A_157 = tpu.vector_load %arg6[%get3A_155, %get3A_156] {strides = array<i32>} : memref<80x128xi32, #tpu.memory_space<vmem>>, vector<16xi32>,
      %mul3A_158 = arith.constant 2 : i32
      %mul3A_159 = vector.broadcast %mul3A_158 : i32 to vector<16xi32>
      %mul3A_160 = arith.muli %get3A_157, %mul3A_159 : vector<16xi32>
      %add3A_161 = vector.broadcast %arg0 : i32 to vector<16xi32>
      %add3A_162 = arith.addi %mul3A_160, %add3A_161 : vector<16xi32>
      %swap3A_163 = arith.index_cast %scan3A_100 : i32 to index
      %swap3A_164 = arith.constant 80 : index
      %swap3A_165 = tpu.vector_load %arg6[%swap3A_163, %swap3A_164] {strides = array<i32>} : memref<80x128xi32, #tpu.memory_space<vmem>>, vector<16xi32>,
      tpu.vector_store %arg6[%swap3A_163, %swap3A_164], %add3A_162 {strides = array<i32>} : memref<80x128xi32, #tpu.memory_space<vmem>>, vector<16xi32>,
      %get3A_166 = arith.index_cast %scan3A_100 : i32 to index
      %get3A_167 = arith.constant 96 : index
      %get3A_168 = tpu.vector_load %arg6[%get3A_166, %get3A_167] {strides = array<i32>} : memref<80x128xi32, #tpu.memory_space<vmem>>, vector<16xi32>,
      %mul3A_169 = arith.constant 2 : i32
      %mul3A_170 = vector.broadcast %mul3A_169 : i32 to vector<16xi32>
      %mul3A_171 = arith.muli %get3A_168, %mul3A_170 : vector<16xi32>
      %add3A_172 = vector.broadcast %arg0 : i32 to vector<16xi32>
      %add3A_173 = arith.addi %mul3A_171, %add3A_172 : vector<16xi32>
      %swap3A_174 = arith.index_cast %scan3A_100 : i32 to index
      %swap3A_175 = arith.constant 96 : index
      %swap3A_176 = tpu.vector_load %arg6[%swap3A_174, %swap3A_175] {strides = array<i32>} : memref<80x128xi32, #tpu.memory_space<vmem>>, vector<16xi32>,
      tpu.vector_store %arg6[%swap3A_174, %swap3A_175], %add3A_173 {strides = array<i32>} : memref<80x128xi32, #tpu.memory_space<vmem>>, vector<16xi32>,
      %get3A_177 = arith.index_cast %scan3A_100 : i32 to index
      %get3A_178 = arith.constant 112 : index
      %get3A_179 = tpu.vector_load %arg6[%get3A_177, %get3A_178] {strides = array<i32>} : memref<80x128xi32, #tpu.memory_space<vmem>>, vector<16xi32>,
      %mul3A_180 = arith.constant 2 : i32
      %mul3A_181 = vector.broadcast %mul3A_180 : i32 to vector<16xi32>
      %mul3A_182 = arith.muli %get3A_179, %mul3A_181 : vector<16xi32>
      %add3A_183 = vector.broadcast %arg0 : i32 to vector<16xi32>
      %add3A_184 = arith.addi %mul3A_182, %add3A_183 : vector<16xi32>
      %swap3A_185 = arith.index_cast %scan3A_100 : i32 to index
      %swap3A_186 = arith.constant 112 : index
      %swap3A_187 = tpu.vector_load %arg6[%swap3A_185, %swap3A_186] {strides = array<i32>} : memref<80x128xi32, #tpu.memory_space<vmem>>, vector<16xi32>,
      tpu.vector_store %arg6[%swap3A_185, %swap3A_186], %add3A_184 {strides = array<i32>} : memref<80x128xi32, #tpu.memory_space<vmem>>, vector<16xi32>,
      %scan3A_188 = arith.constant 0 : i32
      scf.yield %scan3A_188 : i32
    }
    %scan3A_11 = arith.constant 80 : i32
    "tpu.region"() ({
      %run_scoped3A = tpu.sem_alloc : memref<!tpu.dma_semaphore, #tpu.memory_space<semaphore_mem>>
      tpu.enqueue_dma source(%arg4 : memref<128x192xbf16, #tpu.memory_space<hbm>>) target(%arg8 : memref<128x192xbf16, #tpu.memory_space<vmem>>) target_semaphore(%run_scoped3A : memref<!tpu.dma_semaphore, #tpu.memory_space<semaphore_mem>>)
      tpu.wait_dma2 semaphore(%run_scoped3A : memref<!tpu.dma_semaphore, #tpu.memory_space<semaphore_mem>>) src(%arg4 : memref<128x192xbf16, #tpu.memory_space<hbm>>) dst(%arg8 : memref<128x192xbf16, #tpu.memory_space<vmem>>)
      tpu.yield
    }) : () -> ()
    %mul3A_12 = arith.constant 640 : i32
    %mul3A_13 = arith.muli %arg1, %mul3A_12 : i32
    %add3A_14 = arith.constant 0 : i32
    %add3A_15 = arith.addi %mul3A_13, %add3A_14 : i32
    "tpu.region"() ({
      %run_scoped3A = tpu.sem_alloc : memref<!tpu.dma_semaphore, #tpu.memory_space<semaphore_mem>>
      %dma_start3A_100 = arith.constant 0 : i32
      %dma_start3A_101 = tpu.memref_slice %arg20[%add3A_15, %dma_start3A_100] : memref<10240x192xbf16, #tpu.memory_space<vmem_shared>> -> memref<128x192xbf16, #tpu.memory_space<vmem_shared>>
      %dma_start3A_102 = arith.constant 0 : i32
      %dma_start3A_103 = tpu.memref_slice %arg20[%add3A_15, %dma_start3A_102] : memref<10240x192xbf16, #tpu.memory_space<vmem_shared>> -> memref<128x192xbf16, #tpu.memory_space<vmem_shared>>
      tpu.enqueue_dma source(%arg8 : memref<128x192xbf16, #tpu.memory_space<vmem>>) target(%dma_start3A_103 : memref<128x192xbf16, #tpu.memory_space<vmem_shared>>) target_semaphore(%run_scoped3A : memref<!tpu.dma_semaphore, #tpu.memory_space<semaphore_mem>>)
      %dma_wait3A_104 = arith.constant 0 : i32
      %dma_wait3A_105 = tpu.memref_slice %arg20[%add3A_15, %dma_wait3A_104] : memref<10240x192xbf16, #tpu.memory_space<vmem_shared>> -> memref<128x192xbf16, #tpu.memory_space<vmem_shared>>
      %dma_wait3A_106 = arith.constant 0 : i32
      %dma_wait3A_107 = tpu.memref_slice %arg20[%add3A_15, %dma_wait3A_106] : memref<10240x192xbf16, #tpu.memory_space<vmem_shared>> -> memref<128x192xbf16, #tpu.memory_space<vmem_shared>>
      tpu.wait_dma2 semaphore(%run_scoped3A : memref<!tpu.dma_semaphore, #tpu.memory_space<semaphore_mem>>) src(%arg8 : memref<128x192xbf16, #tpu.memory_space<vmem>>) dst(%dma_wait3A_107 : memref<128x192xbf16, #tpu.memory_space<vmem_shared>>)
      tpu.yield
    }) : () -> ()
    %mul3A_16 = arith.constant 640 : i32
    %mul3A_17 = arith.muli %arg1, %mul3A_16 : i32
    %add3A_18 = arith.constant 128 : i32
    %add3A_19 = arith.addi %mul3A_17, %add3A_18 : i32
    "tpu.region"() ({
      %run_scoped3A = tpu.sem_alloc : memref<!tpu.dma_semaphore, #tpu.memory_space<semaphore_mem>>
      %dma_start3A_100 = arith.constant 0 : i32
      %dma_start3A_101 = tpu.memref_slice %arg20[%add3A_19, %dma_start3A_100] : memref<10240x192xbf16, #tpu.memory_space<vmem_shared>> -> memref<128x192xbf16, #tpu.memory_space<vmem_shared>>
      %dma_start3A_102 = arith.constant 0 : i32
      %dma_start3A_103 = tpu.memref_slice %arg20[%add3A_19, %dma_start3A_102] : memref<10240x192xbf16, #tpu.memory_space<vmem_shared>> -> memref<128x192xbf16, #tpu.memory_space<vmem_shared>>
      tpu.enqueue_dma source(%arg8 : memref<128x192xbf16, #tpu.memory_space<vmem>>) target(%dma_start3A_103 : memref<128x192xbf16, #tpu.memory_space<vmem_shared>>) target_semaphore(%run_scoped3A : memref<!tpu.dma_semaphore, #tpu.memory_space<semaphore_mem>>)
      %dma_wait3A_104 = arith.constant 0 : i32
      %dma_wait3A_105 = tpu.memref_slice %arg20[%add3A_19, %dma_wait3A_104] : memref<10240x192xbf16, #tpu.memory_space<vmem_shared>> -> memref<128x192xbf16, #tpu.memory_space<vmem_shared>>
      %dma_wait3A_106 = arith.constant 0 : i32
      %dma_wait3A_107 = tpu.memref_slice %arg20[%add3A_19, %dma_wait3A_106] : memref<10240x192xbf16, #tpu.memory_space<vmem_shared>> -> memref<128x192xbf16, #tpu.memory_space<vmem_shared>>
      tpu.wait_dma2 semaphore(%run_scoped3A : memref<!tpu.dma_semaphore, #tpu.memory_space<semaphore_mem>>) src(%arg8 : memref<128x192xbf16, #tpu.memory_space<vmem>>) dst(%dma_wait3A_107 : memref<128x192xbf16, #tpu.memory_space<vmem_shared>>)
      tpu.yield
    }) : () -> ()
    %mul3A_20 = arith.constant 640 : i32
    %mul3A_21 = arith.muli %arg1, %mul3A_20 : i32
    %add3A_22 = arith.constant 256 : i32
    %add3A_23 = arith.addi %mul3A_21, %add3A_22 : i32
    "tpu.region"() ({
      %run_scoped3A = tpu.sem_alloc : memref<!tpu.dma_semaphore, #tpu.memory_space<semaphore_mem>>
      %dma_start3A_100 = arith.constant 0 : i32
      %dma_start3A_101 = tpu.memref_slice %arg20[%add3A_23, %dma_start3A_100] : memref<10240x192xbf16, #tpu.memory_space<vmem_shared>> -> memref<128x192xbf16, #tpu.memory_space<vmem_shared>>
      %dma_start3A_102 = arith.constant 0 : i32
      %dma_start3A_103 = tpu.memref_slice %arg20[%add3A_23, %dma_start3A_102] : memref<10240x192xbf16, #tpu.memory_space<vmem_shared>> -> memref<128x192xbf16, #tpu.memory_space<vmem_shared>>
      tpu.enqueue_dma source(%arg8 : memref<128x192xbf16, #tpu.memory_space<vmem>>) target(%dma_start3A_103 : memref<128x192xbf16, #tpu.memory_space<vmem_shared>>) target_semaphore(%run_scoped3A : memref<!tpu.dma_semaphore, #tpu.memory_space<semaphore_mem>>)
      %dma_wait3A_104 = arith.constant 0 : i32
      %dma_wait3A_105 = tpu.memref_slice %arg20[%add3A_23, %dma_wait3A_104] : memref<10240x192xbf16, #tpu.memory_space<vmem_shared>> -> memref<128x192xbf16, #tpu.memory_space<vmem_shared>>
      %dma_wait3A_106 = arith.constant 0 : i32
      %dma_wait3A_107 = tpu.memref_slice %arg20[%add3A_23, %dma_wait3A_106] : memref<10240x192xbf16, #tpu.memory_space<vmem_shared>> -> memref<128x192xbf16, #tpu.memory_space<vmem_shared>>
      tpu.wait_dma2 semaphore(%run_scoped3A : memref<!tpu.dma_semaphore, #tpu.memory_space<semaphore_mem>>) src(%arg8 : memref<128x192xbf16, #tpu.memory_space<vmem>>) dst(%dma_wait3A_107 : memref<128x192xbf16, #tpu.memory_space<vmem_shared>>)
      tpu.yield
    }) : () -> ()
    %mul3A_24 = arith.constant 640 : i32
    %mul3A_25 = arith.muli %arg1, %mul3A_24 : i32
    %add3A_26 = arith.constant 384 : i32
    %add3A_27 = arith.addi %mul3A_25, %add3A_26 : i32
    "tpu.region"() ({
      %run_scoped3A = tpu.sem_alloc : memref<!tpu.dma_semaphore, #tpu.memory_space<semaphore_mem>>
      %dma_start3A_100 = arith.constant 0 : i32
      %dma_start3A_101 = tpu.memref_slice %arg20[%add3A_27, %dma_start3A_100] : memref<10240x192xbf16, #tpu.memory_space<vmem_shared>> -> memref<128x192xbf16, #tpu.memory_space<vmem_shared>>
      %dma_start3A_102 = arith.constant 0 : i32
      %dma_start3A_103 = tpu.memref_slice %arg20[%add3A_27, %dma_start3A_102] : memref<10240x192xbf16, #tpu.memory_space<vmem_shared>> -> memref<128x192xbf16, #tpu.memory_space<vmem_shared>>
      tpu.enqueue_dma source(%arg8 : memref<128x192xbf16, #tpu.memory_space<vmem>>) target(%dma_start3A_103 : memref<128x192xbf16, #tpu.memory_space<vmem_shared>>) target_semaphore(%run_scoped3A : memref<!tpu.dma_semaphore, #tpu.memory_space<semaphore_mem>>)
      %dma_wait3A_104 = arith.constant 0 : i32
      %dma_wait3A_105 = tpu.memref_slice %arg20[%add3A_27, %dma_wait3A_104] : memref<10240x192xbf16, #tpu.memory_space<vmem_shared>> -> memref<128x192xbf16, #tpu.memory_space<vmem_shared>>
      %dma_wait3A_106 = arith.constant 0 : i32
      %dma_wait3A_107 = tpu.memref_slice %arg20[%add3A_27, %dma_wait3A_106] : memref<10240x192xbf16, #tpu.memory_space<vmem_shared>> -> memref<128x192xbf16, #tpu.memory_space<vmem_shared>>
      tpu.wait_dma2 semaphore(%run_scoped3A : memref<!tpu.dma_semaphore, #tpu.memory_space<semaphore_mem>>) src(%arg8 : memref<128x192xbf16, #tpu.memory_space<vmem>>) dst(%dma_wait3A_107 : memref<128x192xbf16, #tpu.memory_space<vmem_shared>>)
      tpu.yield
    }) : () -> ()
    %mul3A_28 = arith.constant 640 : i32
    %mul3A_29 = arith.muli %arg1, %mul3A_28 : i32
    %add3A_30 = arith.constant 512 : i32
    %add3A_31 = arith.addi %mul3A_29, %add3A_30 : i32
    "tpu.region"() ({
      %run_scoped3A = tpu.sem_alloc : memref<!tpu.dma_semaphore, #tpu.memory_space<semaphore_mem>>
      %dma_start3A_100 = arith.constant 0 : i32
      %dma_start3A_101 = tpu.memref_slice %arg20[%add3A_31, %dma_start3A_100] : memref<10240x192xbf16, #tpu.memory_space<vmem_shared>> -> memref<128x192xbf16, #tpu.memory_space<vmem_shared>>
      %dma_start3A_102 = arith.constant 0 : i32
      %dma_start3A_103 = tpu.memref_slice %arg20[%add3A_31, %dma_start3A_102] : memref<10240x192xbf16, #tpu.memory_space<vmem_shared>> -> memref<128x192xbf16, #tpu.memory_space<vmem_shared>>
      tpu.enqueue_dma source(%arg8 : memref<128x192xbf16, #tpu.memory_space<vmem>>) target(%dma_start3A_103 : memref<128x192xbf16, #tpu.memory_space<vmem_shared>>) target_semaphore(%run_scoped3A : memref<!tpu.dma_semaphore, #tpu.memory_space<semaphore_mem>>)
      %dma_wait3A_104 = arith.constant 0 : i32
      %dma_wait3A_105 = tpu.memref_slice %arg20[%add3A_31, %dma_wait3A_104] : memref<10240x192xbf16, #tpu.memory_space<vmem_shared>> -> memref<128x192xbf16, #tpu.memory_space<vmem_shared>>
      %dma_wait3A_106 = arith.constant 0 : i32
      %dma_wait3A_107 = tpu.memref_slice %arg20[%add3A_31, %dma_wait3A_106] : memref<10240x192xbf16, #tpu.memory_space<vmem_shared>> -> memref<128x192xbf16, #tpu.memory_space<vmem_shared>>
      tpu.wait_dma2 semaphore(%run_scoped3A : memref<!tpu.dma_semaphore, #tpu.memory_space<semaphore_mem>>) src(%arg8 : memref<128x192xbf16, #tpu.memory_space<vmem>>) dst(%dma_wait3A_107 : memref<128x192xbf16, #tpu.memory_space<vmem_shared>>)
      tpu.yield
    }) : () -> ()
    %barrier3A = arith.constant 0 : index
    tpu.barrier barrier_id(%barrier3A)
    %dma_start3A = arith.constant 0 : i32
    %dma_start3A_32 = arith.constant 0 : i32
    %dma_start3A_33 = tpu.memref_slice %arg6[%dma_start3A, %dma_start3A_32] : memref<80x128xi32, #tpu.memory_space<vmem>> -> memref<1x128xi32, #tpu.memory_space<vmem>>
    %dma_start3A_34 = tpu.memref_squeeze %dma_start3A_33 : memref<1x128xi32, #tpu.memory_space<vmem>> -> memref<128xi32, #tpu.memory_space<vmem>>
    %dma_start3A_35 = arith.constant 0 : i32
    %dma_start3A_36 = arith.constant 0 : i32
    %dma_start3A_37 = tpu.memref_slice %arg2[%dma_start3A_35, %dma_start3A_36] : memref<20224x192xbf16, #tpu.memory_space<hbm>> -> memref<20224x192xbf16, #tpu.memory_space<hbm>>
    tpu.enqueue_indirect_dma source(%dma_start3A_37 : memref<20224x192xbf16, #tpu.memory_space<hbm>>) target(%arg8 : memref<128x192xbf16, #tpu.memory_space<vmem>>) offsets(%dma_start3A_34 : memref<128xi32, #tpu.memory_space<vmem>>) semaphore(%arg12 : memref<!tpu.dma_semaphore, #tpu.memory_space<semaphore_mem>>)
    %dma_start3A_38 = arith.constant 1 : i32
    %dma_start3A_39 = arith.constant 0 : i32
    %dma_start3A_40 = tpu.memref_slice %arg6[%dma_start3A_38, %dma_start3A_39] : memref<80x128xi32, #tpu.memory_space<vmem>> -> memref<1x128xi32, #tpu.memory_space<vmem>>
    %dma_start3A_41 = tpu.memref_squeeze %dma_start3A_40 : memref<1x128xi32, #tpu.memory_space<vmem>> -> memref<128xi32, #tpu.memory_space<vmem>>
    %dma_start3A_42 = arith.constant 0 : i32
    %dma_start3A_43 = arith.constant 0 : i32
    %dma_start3A_44 = tpu.memref_slice %arg2[%dma_start3A_42, %dma_start3A_43] : memref<20224x192xbf16, #tpu.memory_space<hbm>> -> memref<20224x192xbf16, #tpu.memory_space<hbm>>
    tpu.enqueue_indirect_dma source(%dma_start3A_44 : memref<20224x192xbf16, #tpu.memory_space<hbm>>) target(%arg9 : memref<128x192xbf16, #tpu.memory_space<vmem>>) offsets(%dma_start3A_41 : memref<128xi32, #tpu.memory_space<vmem>>) semaphore(%arg13 : memref<!tpu.dma_semaphore, #tpu.memory_space<semaphore_mem>>)
    %dma_start3A_45 = arith.constant 2 : i32
    %dma_start3A_46 = arith.constant 0 : i32
    %dma_start3A_47 = tpu.memref_slice %arg6[%dma_start3A_45, %dma_start3A_46] : memref<80x128xi32, #tpu.memory_space<vmem>> -> memref<1x128xi32, #tpu.memory_space<vmem>>
    %dma_start3A_48 = tpu.memref_squeeze %dma_start3A_47 : memref<1x128xi32, #tpu.memory_space<vmem>> -> memref<128xi32, #tpu.memory_space<vmem>>
    %dma_start3A_49 = arith.constant 0 : i32
    %dma_start3A_50 = arith.constant 0 : i32
    %dma_start3A_51 = tpu.memref_slice %arg2[%dma_start3A_49, %dma_start3A_50] : memref<20224x192xbf16, #tpu.memory_space<hbm>> -> memref<20224x192xbf16, #tpu.memory_space<hbm>>
    tpu.enqueue_indirect_dma source(%dma_start3A_51 : memref<20224x192xbf16, #tpu.memory_space<hbm>>) target(%arg10 : memref<128x192xbf16, #tpu.memory_space<vmem>>) offsets(%dma_start3A_48 : memref<128xi32, #tpu.memory_space<vmem>>) semaphore(%arg14 : memref<!tpu.dma_semaphore, #tpu.memory_space<semaphore_mem>>)
    %dma_start3A_52 = arith.constant 3 : i32
    %dma_start3A_53 = arith.constant 0 : i32
    %dma_start3A_54 = tpu.memref_slice %arg6[%dma_start3A_52, %dma_start3A_53] : memref<80x128xi32, #tpu.memory_space<vmem>> -> memref<1x128xi32, #tpu.memory_space<vmem>>
    %dma_start3A_55 = tpu.memref_squeeze %dma_start3A_54 : memref<1x128xi32, #tpu.memory_space<vmem>> -> memref<128xi32, #tpu.memory_space<vmem>>
    %dma_start3A_56 = arith.constant 0 : i32
    %dma_start3A_57 = arith.constant 0 : i32
    %dma_start3A_58 = tpu.memref_slice %arg2[%dma_start3A_56, %dma_start3A_57] : memref<20224x192xbf16, #tpu.memory_space<hbm>> -> memref<20224x192xbf16, #tpu.memory_space<hbm>>
    tpu.enqueue_indirect_dma source(%dma_start3A_58 : memref<20224x192xbf16, #tpu.memory_space<hbm>>) target(%arg11 : memref<128x192xbf16, #tpu.memory_space<vmem>>) offsets(%dma_start3A_55 : memref<128xi32, #tpu.memory_space<vmem>>) semaphore(%arg15 : memref<!tpu.dma_semaphore, #tpu.memory_space<semaphore_mem>>)
    %scan3A_59 = arith.constant 0 : i32
    %scan3A_60 = arith.constant 0 : i32
    %scan3A_61 = arith.constant 20 : i32
    %scan3A_62 = arith.addi %scan3A_60, %scan3A_61 : i32
    %scan3A_63 = arith.constant 1 : i32
    %scan3A_64 = scf.for %scan3A_100 = %scan3A_60 to %scan3A_62 step %scan3A_63 iter_args(%scan3A_101 = %scan3A_59) -> (i32)  : i32 {
      %mul3A_102 = arith.constant 4 : i32
      %mul3A_103 = arith.muli %scan3A_100, %mul3A_102 : i32
      %add3A_104 = arith.constant 0 : i32
      %add3A_105 = arith.addi %mul3A_103, %add3A_104 : i32
      %dma_wait3A_106 = arith.constant 0 : i32
      %dma_wait3A_107 = tpu.memref_slice %arg6[%add3A_105, %dma_wait3A_106] : memref<80x128xi32, #tpu.memory_space<vmem>> -> memref<1x128xi32, #tpu.memory_space<vmem>>
      %dma_wait3A_108 = tpu.memref_squeeze %dma_wait3A_107 : memref<1x128xi32, #tpu.memory_space<vmem>> -> memref<128xi32, #tpu.memory_space<vmem>>
      %dma_wait3A_109 = arith.constant 0 : i32
      %dma_wait3A_110 = arith.constant 0 : i32
      %dma_wait3A_111 = tpu.memref_slice %arg2[%dma_wait3A_109, %dma_wait3A_110] : memref<20224x192xbf16, #tpu.memory_space<hbm>> -> memref<20224x192xbf16, #tpu.memory_space<hbm>>
      tpu.wait_indirect_dma semaphore(%arg12 : memref<!tpu.dma_semaphore, #tpu.memory_space<semaphore_mem>>) src(%dma_wait3A_111 : memref<20224x192xbf16, #tpu.memory_space<hbm>>) dst(%arg8 : memref<128x192xbf16, #tpu.memory_space<vmem>>)
      %dma_start3A_112 = arith.constant 0 : i32
      %dma_start3A_113 = tpu.memref_slice %arg7[%add3A_105, %dma_start3A_112] : memref<80x128xi32, #tpu.memory_space<vmem>> -> memref<1x128xi32, #tpu.memory_space<vmem>>
      %dma_start3A_114 = tpu.memref_squeeze %dma_start3A_113 : memref<1x128xi32, #tpu.memory_space<vmem>> -> memref<128xi32, #tpu.memory_space<vmem>>
      %dma_start3A_115 = arith.constant 0 : i32
      %dma_start3A_116 = arith.constant 0 : i32
      %dma_start3A_117 = tpu.memref_slice %arg20[%dma_start3A_115, %dma_start3A_116] : memref<10240x192xbf16, #tpu.memory_space<vmem_shared>> -> memref<10240x192xbf16, #tpu.memory_space<vmem_shared>>
      tpu.enqueue_indirect_dma source(%arg8 : memref<128x192xbf16, #tpu.memory_space<vmem>>) target(%dma_start3A_117 : memref<10240x192xbf16, #tpu.memory_space<vmem_shared>>) offsets(%dma_start3A_114 : memref<128xi32, #tpu.memory_space<vmem>>) semaphore(%arg16 : memref<!tpu.dma_semaphore, #tpu.memory_space<semaphore_mem>>) {add = true}
      %lt3A = arith.constant 76 : i32
      %lt3A_118 = arith.cmpi slt, %add3A_105, %lt3A : i32
      %convert_element_type3A_119 = arith.extui %lt3A_118 : i1 to i32
      %cond3A_120 = arith.constant 0 : i32
      %cond3A_121 = arith.cmpi ne, %convert_element_type3A_119, %cond3A_120 : i32
      scf.if %cond3A_121 {
        %dma_wait3A_186 = arith.constant 0 : i32
        %dma_wait3A_187 = tpu.memref_slice %arg7[%add3A_105, %dma_wait3A_186] : memref<80x128xi32, #tpu.memory_space<vmem>> -> memref<1x128xi32, #tpu.memory_space<vmem>>
        %dma_wait3A_188 = tpu.memref_squeeze %dma_wait3A_187 : memref<1x128xi32, #tpu.memory_space<vmem>> -> memref<128xi32, #tpu.memory_space<vmem>>
        %dma_wait3A_189 = arith.constant 0 : i32
        %dma_wait3A_190 = arith.constant 0 : i32
        %dma_wait3A_191 = tpu.memref_slice %arg20[%dma_wait3A_189, %dma_wait3A_190] : memref<10240x192xbf16, #tpu.memory_space<vmem_shared>> -> memref<10240x192xbf16, #tpu.memory_space<vmem_shared>>
        tpu.wait_indirect_dma semaphore(%arg16 : memref<!tpu.dma_semaphore, #tpu.memory_space<semaphore_mem>>) src(%arg8 : memref<128x192xbf16, #tpu.memory_space<vmem>>) dst(%dma_wait3A_191 : memref<10240x192xbf16, #tpu.memory_space<vmem_shared>>)
        %add3A_192 = arith.constant 4 : i32
        %add3A_193 = arith.addi %add3A_105, %add3A_192 : i32
        %dma_start3A_194 = arith.constant 0 : i32
        %dma_start3A_195 = tpu.memref_slice %arg6[%add3A_193, %dma_start3A_194] : memref<80x128xi32, #tpu.memory_space<vmem>> -> memref<1x128xi32, #tpu.memory_space<vmem>>
        %dma_start3A_196 = tpu.memref_squeeze %dma_start3A_195 : memref<1x128xi32, #tpu.memory_space<vmem>> -> memref<128xi32, #tpu.memory_space<vmem>>
        %dma_start3A_197 = arith.constant 0 : i32
        %dma_start3A_198 = arith.constant 0 : i32
        %dma_start3A_199 = tpu.memref_slice %arg2[%dma_start3A_197, %dma_start3A_198] : memref<20224x192xbf16, #tpu.memory_space<hbm>> -> memref<20224x192xbf16, #tpu.memory_space<hbm>>
        tpu.enqueue_indirect_dma source(%dma_start3A_199 : memref<20224x192xbf16, #tpu.memory_space<hbm>>) target(%arg8 : memref<128x192xbf16, #tpu.memory_space<vmem>>) offsets(%dma_start3A_196 : memref<128xi32, #tpu.memory_space<vmem>>) semaphore(%arg12 : memref<!tpu.dma_semaphore, #tpu.memory_space<semaphore_mem>>)
      } else {
      }
      %mul3A_122 = arith.constant 4 : i32
      %mul3A_123 = arith.muli %scan3A_100, %mul3A_122 : i32
      %add3A_124 = arith.constant 1 : i32
      %add3A_125 = arith.addi %mul3A_123, %add3A_124 : i32
      %dma_wait3A_126 = arith.constant 0 : i32
      %dma_wait3A_127 = tpu.memref_slice %arg6[%add3A_125, %dma_wait3A_126] : memref<80x128xi32, #tpu.memory_space<vmem>> -> memref<1x128xi32, #tpu.memory_space<vmem>>
      %dma_wait3A_128 = tpu.memref_squeeze %dma_wait3A_127 : memref<1x128xi32, #tpu.memory_space<vmem>> -> memref<128xi32, #tpu.memory_space<vmem>>
      %dma_wait3A_129 = arith.constant 0 : i32
      %dma_wait3A_130 = arith.constant 0 : i32
      %dma_wait3A_131 = tpu.memref_slice %arg2[%dma_wait3A_129, %dma_wait3A_130] : memref<20224x192xbf16, #tpu.memory_space<hbm>> -> memref<20224x192xbf16, #tpu.memory_space<hbm>>
      tpu.wait_indirect_dma semaphore(%arg13 : memref<!tpu.dma_semaphore, #tpu.memory_space<semaphore_mem>>) src(%dma_wait3A_131 : memref<20224x192xbf16, #tpu.memory_space<hbm>>) dst(%arg9 : memref<128x192xbf16, #tpu.memory_space<vmem>>)
      %dma_start3A_132 = arith.constant 0 : i32
      %dma_start3A_133 = tpu.memref_slice %arg7[%add3A_125, %dma_start3A_132] : memref<80x128xi32, #tpu.memory_space<vmem>> -> memref<1x128xi32, #tpu.memory_space<vmem>>
      %dma_start3A_134 = tpu.memref_squeeze %dma_start3A_133 : memref<1x128xi32, #tpu.memory_space<vmem>> -> memref<128xi32, #tpu.memory_space<vmem>>
      %dma_start3A_135 = arith.constant 0 : i32
      %dma_start3A_136 = arith.constant 0 : i32
      %dma_start3A_137 = tpu.memref_slice %arg20[%dma_start3A_135, %dma_start3A_136] : memref<10240x192xbf16, #tpu.memory_space<vmem_shared>> -> memref<10240x192xbf16, #tpu.memory_space<vmem_shared>>
      tpu.enqueue_indirect_dma source(%arg9 : memref<128x192xbf16, #tpu.memory_space<vmem>>) target(%dma_start3A_137 : memref<10240x192xbf16, #tpu.memory_space<vmem_shared>>) offsets(%dma_start3A_134 : memref<128xi32, #tpu.memory_space<vmem>>) semaphore(%arg17 : memref<!tpu.dma_semaphore, #tpu.memory_space<semaphore_mem>>) {add = true}
      %lt3A_138 = arith.constant 76 : i32
      %lt3A_139 = arith.cmpi slt, %add3A_125, %lt3A_138 : i32
      %convert_element_type3A_140 = arith.extui %lt3A_139 : i1 to i32
      %cond3A_141 = arith.constant 0 : i32
      %cond3A_142 = arith.cmpi ne, %convert_element_type3A_140, %cond3A_141 : i32
      scf.if %cond3A_142 {
        %dma_wait3A_186 = arith.constant 0 : i32
        %dma_wait3A_187 = tpu.memref_slice %arg7[%add3A_125, %dma_wait3A_186] : memref<80x128xi32, #tpu.memory_space<vmem>> -> memref<1x128xi32, #tpu.memory_space<vmem>>
        %dma_wait3A_188 = tpu.memref_squeeze %dma_wait3A_187 : memref<1x128xi32, #tpu.memory_space<vmem>> -> memref<128xi32, #tpu.memory_space<vmem>>
        %dma_wait3A_189 = arith.constant 0 : i32
        %dma_wait3A_190 = arith.constant 0 : i32
        %dma_wait3A_191 = tpu.memref_slice %arg20[%dma_wait3A_189, %dma_wait3A_190] : memref<10240x192xbf16, #tpu.memory_space<vmem_shared>> -> memref<10240x192xbf16, #tpu.memory_space<vmem_shared>>
        tpu.wait_indirect_dma semaphore(%arg17 : memref<!tpu.dma_semaphore, #tpu.memory_space<semaphore_mem>>) src(%arg9 : memref<128x192xbf16, #tpu.memory_space<vmem>>) dst(%dma_wait3A_191 : memref<10240x192xbf16, #tpu.memory_space<vmem_shared>>)
        %add3A_192 = arith.constant 4 : i32
        %add3A_193 = arith.addi %add3A_125, %add3A_192 : i32
        %dma_start3A_194 = arith.constant 0 : i32
        %dma_start3A_195 = tpu.memref_slice %arg6[%add3A_193, %dma_start3A_194] : memref<80x128xi32, #tpu.memory_space<vmem>> -> memref<1x128xi32, #tpu.memory_space<vmem>>
        %dma_start3A_196 = tpu.memref_squeeze %dma_start3A_195 : memref<1x128xi32, #tpu.memory_space<vmem>> -> memref<128xi32, #tpu.memory_space<vmem>>
        %dma_start3A_197 = arith.constant 0 : i32
        %dma_start3A_198 = arith.constant 0 : i32
        %dma_start3A_199 = tpu.memref_slice %arg2[%dma_start3A_197, %dma_start3A_198] : memref<20224x192xbf16, #tpu.memory_space<hbm>> -> memref<20224x192xbf16, #tpu.memory_space<hbm>>
        tpu.enqueue_indirect_dma source(%dma_start3A_199 : memref<20224x192xbf16, #tpu.memory_space<hbm>>) target(%arg9 : memref<128x192xbf16, #tpu.memory_space<vmem>>) offsets(%dma_start3A_196 : memref<128xi32, #tpu.memory_space<vmem>>) semaphore(%arg13 : memref<!tpu.dma_semaphore, #tpu.memory_space<semaphore_mem>>)
      } else {
      }
      %mul3A_143 = arith.constant 4 : i32
      %mul3A_144 = arith.muli %scan3A_100, %mul3A_143 : i32
      %add3A_145 = arith.constant 2 : i32
      %add3A_146 = arith.addi %mul3A_144, %add3A_145 : i32
      %dma_wait3A_147 = arith.constant 0 : i32
      %dma_wait3A_148 = tpu.memref_slice %arg6[%add3A_146, %dma_wait3A_147] : memref<80x128xi32, #tpu.memory_space<vmem>> -> memref<1x128xi32, #tpu.memory_space<vmem>>
      %dma_wait3A_149 = tpu.memref_squeeze %dma_wait3A_148 : memref<1x128xi32, #tpu.memory_space<vmem>> -> memref<128xi32, #tpu.memory_space<vmem>>
      %dma_wait3A_150 = arith.constant 0 : i32
      %dma_wait3A_151 = arith.constant 0 : i32
      %dma_wait3A_152 = tpu.memref_slice %arg2[%dma_wait3A_150, %dma_wait3A_151] : memref<20224x192xbf16, #tpu.memory_space<hbm>> -> memref<20224x192xbf16, #tpu.memory_space<hbm>>
      tpu.wait_indirect_dma semaphore(%arg14 : memref<!tpu.dma_semaphore, #tpu.memory_space<semaphore_mem>>) src(%dma_wait3A_152 : memref<20224x192xbf16, #tpu.memory_space<hbm>>) dst(%arg10 : memref<128x192xbf16, #tpu.memory_space<vmem>>)
      %dma_start3A_153 = arith.constant 0 : i32
      %dma_start3A_154 = tpu.memref_slice %arg7[%add3A_146, %dma_start3A_153] : memref<80x128xi32, #tpu.memory_space<vmem>> -> memref<1x128xi32, #tpu.memory_space<vmem>>
      %dma_start3A_155 = tpu.memref_squeeze %dma_start3A_154 : memref<1x128xi32, #tpu.memory_space<vmem>> -> memref<128xi32, #tpu.memory_space<vmem>>
      %dma_start3A_156 = arith.constant 0 : i32
      %dma_start3A_157 = arith.constant 0 : i32
      %dma_start3A_158 = tpu.memref_slice %arg20[%dma_start3A_156, %dma_start3A_157] : memref<10240x192xbf16, #tpu.memory_space<vmem_shared>> -> memref<10240x192xbf16, #tpu.memory_space<vmem_shared>>
      tpu.enqueue_indirect_dma source(%arg10 : memref<128x192xbf16, #tpu.memory_space<vmem>>) target(%dma_start3A_158 : memref<10240x192xbf16, #tpu.memory_space<vmem_shared>>) offsets(%dma_start3A_155 : memref<128xi32, #tpu.memory_space<vmem>>) semaphore(%arg18 : memref<!tpu.dma_semaphore, #tpu.memory_space<semaphore_mem>>) {add = true}
      %lt3A_159 = arith.constant 76 : i32
      %lt3A_160 = arith.cmpi slt, %add3A_146, %lt3A_159 : i32
      %convert_element_type3A_161 = arith.extui %lt3A_160 : i1 to i32
      %cond3A_162 = arith.constant 0 : i32
      %cond3A_163 = arith.cmpi ne, %convert_element_type3A_161, %cond3A_162 : i32
      scf.if %cond3A_163 {
        %dma_wait3A_186 = arith.constant 0 : i32
        %dma_wait3A_187 = tpu.memref_slice %arg7[%add3A_146, %dma_wait3A_186] : memref<80x128xi32, #tpu.memory_space<vmem>> -> memref<1x128xi32, #tpu.memory_space<vmem>>
        %dma_wait3A_188 = tpu.memref_squeeze %dma_wait3A_187 : memref<1x128xi32, #tpu.memory_space<vmem>> -> memref<128xi32, #tpu.memory_space<vmem>>
        %dma_wait3A_189 = arith.constant 0 : i32
        %dma_wait3A_190 = arith.constant 0 : i32
        %dma_wait3A_191 = tpu.memref_slice %arg20[%dma_wait3A_189, %dma_wait3A_190] : memref<10240x192xbf16, #tpu.memory_space<vmem_shared>> -> memref<10240x192xbf16, #tpu.memory_space<vmem_shared>>
        tpu.wait_indirect_dma semaphore(%arg18 : memref<!tpu.dma_semaphore, #tpu.memory_space<semaphore_mem>>) src(%arg10 : memref<128x192xbf16, #tpu.memory_space<vmem>>) dst(%dma_wait3A_191 : memref<10240x192xbf16, #tpu.memory_space<vmem_shared>>)
        %add3A_192 = arith.constant 4 : i32
        %add3A_193 = arith.addi %add3A_146, %add3A_192 : i32
        %dma_start3A_194 = arith.constant 0 : i32
        %dma_start3A_195 = tpu.memref_slice %arg6[%add3A_193, %dma_start3A_194] : memref<80x128xi32, #tpu.memory_space<vmem>> -> memref<1x128xi32, #tpu.memory_space<vmem>>
        %dma_start3A_196 = tpu.memref_squeeze %dma_start3A_195 : memref<1x128xi32, #tpu.memory_space<vmem>> -> memref<128xi32, #tpu.memory_space<vmem>>
        %dma_start3A_197 = arith.constant 0 : i32
        %dma_start3A_198 = arith.constant 0 : i32
        %dma_start3A_199 = tpu.memref_slice %arg2[%dma_start3A_197, %dma_start3A_198] : memref<20224x192xbf16, #tpu.memory_space<hbm>> -> memref<20224x192xbf16, #tpu.memory_space<hbm>>
        tpu.enqueue_indirect_dma source(%dma_start3A_199 : memref<20224x192xbf16, #tpu.memory_space<hbm>>) target(%arg10 : memref<128x192xbf16, #tpu.memory_space<vmem>>) offsets(%dma_start3A_196 : memref<128xi32, #tpu.memory_space<vmem>>) semaphore(%arg14 : memref<!tpu.dma_semaphore, #tpu.memory_space<semaphore_mem>>)
      } else {
      }
      %mul3A_164 = arith.constant 4 : i32
      %mul3A_165 = arith.muli %scan3A_100, %mul3A_164 : i32
      %add3A_166 = arith.constant 3 : i32
      %add3A_167 = arith.addi %mul3A_165, %add3A_166 : i32
      %dma_wait3A_168 = arith.constant 0 : i32
      %dma_wait3A_169 = tpu.memref_slice %arg6[%add3A_167, %dma_wait3A_168] : memref<80x128xi32, #tpu.memory_space<vmem>> -> memref<1x128xi32, #tpu.memory_space<vmem>>
      %dma_wait3A_170 = tpu.memref_squeeze %dma_wait3A_169 : memref<1x128xi32, #tpu.memory_space<vmem>> -> memref<128xi32, #tpu.memory_space<vmem>>
      %dma_wait3A_171 = arith.constant 0 : i32
      %dma_wait3A_172 = arith.constant 0 : i32
      %dma_wait3A_173 = tpu.memref_slice %arg2[%dma_wait3A_171, %dma_wait3A_172] : memref<20224x192xbf16, #tpu.memory_space<hbm>> -> memref<20224x192xbf16, #tpu.memory_space<hbm>>
      tpu.wait_indirect_dma semaphore(%arg15 : memref<!tpu.dma_semaphore, #tpu.memory_space<semaphore_mem>>) src(%dma_wait3A_173 : memref<20224x192xbf16, #tpu.memory_space<hbm>>) dst(%arg11 : memref<128x192xbf16, #tpu.memory_space<vmem>>)
      %dma_start3A_174 = arith.constant 0 : i32
      %dma_start3A_175 = tpu.memref_slice %arg7[%add3A_167, %dma_start3A_174] : memref<80x128xi32, #tpu.memory_space<vmem>> -> memref<1x128xi32, #tpu.memory_space<vmem>>
      %dma_start3A_176 = tpu.memref_squeeze %dma_start3A_175 : memref<1x128xi32, #tpu.memory_space<vmem>> -> memref<128xi32, #tpu.memory_space<vmem>>
      %dma_start3A_177 = arith.constant 0 : i32
      %dma_start3A_178 = arith.constant 0 : i32
      %dma_start3A_179 = tpu.memref_slice %arg20[%dma_start3A_177, %dma_start3A_178] : memref<10240x192xbf16, #tpu.memory_space<vmem_shared>> -> memref<10240x192xbf16, #tpu.memory_space<vmem_shared>>
      tpu.enqueue_indirect_dma source(%arg11 : memref<128x192xbf16, #tpu.memory_space<vmem>>) target(%dma_start3A_179 : memref<10240x192xbf16, #tpu.memory_space<vmem_shared>>) offsets(%dma_start3A_176 : memref<128xi32, #tpu.memory_space<vmem>>) semaphore(%arg19 : memref<!tpu.dma_semaphore, #tpu.memory_space<semaphore_mem>>) {add = true}
      %lt3A_180 = arith.constant 76 : i32
      %lt3A_181 = arith.cmpi slt, %add3A_167, %lt3A_180 : i32
      %convert_element_type3A_182 = arith.extui %lt3A_181 : i1 to i32
      %cond3A_183 = arith.constant 0 : i32
      %cond3A_184 = arith.cmpi ne, %convert_element_type3A_182, %cond3A_183 : i32
      scf.if %cond3A_184 {
        %dma_wait3A_186 = arith.constant 0 : i32
        %dma_wait3A_187 = tpu.memref_slice %arg7[%add3A_167, %dma_wait3A_186] : memref<80x128xi32, #tpu.memory_space<vmem>> -> memref<1x128xi32, #tpu.memory_space<vmem>>
        %dma_wait3A_188 = tpu.memref_squeeze %dma_wait3A_187 : memref<1x128xi32, #tpu.memory_space<vmem>> -> memref<128xi32, #tpu.memory_space<vmem>>
        %dma_wait3A_189 = arith.constant 0 : i32
        %dma_wait3A_190 = arith.constant 0 : i32
        %dma_wait3A_191 = tpu.memref_slice %arg20[%dma_wait3A_189, %dma_wait3A_190] : memref<10240x192xbf16, #tpu.memory_space<vmem_shared>> -> memref<10240x192xbf16, #tpu.memory_space<vmem_shared>>
        tpu.wait_indirect_dma semaphore(%arg19 : memref<!tpu.dma_semaphore, #tpu.memory_space<semaphore_mem>>) src(%arg11 : memref<128x192xbf16, #tpu.memory_space<vmem>>) dst(%dma_wait3A_191 : memref<10240x192xbf16, #tpu.memory_space<vmem_shared>>)
        %add3A_192 = arith.constant 4 : i32
        %add3A_193 = arith.addi %add3A_167, %add3A_192 : i32
        %dma_start3A_194 = arith.constant 0 : i32
        %dma_start3A_195 = tpu.memref_slice %arg6[%add3A_193, %dma_start3A_194] : memref<80x128xi32, #tpu.memory_space<vmem>> -> memref<1x128xi32, #tpu.memory_space<vmem>>
        %dma_start3A_196 = tpu.memref_squeeze %dma_start3A_195 : memref<1x128xi32, #tpu.memory_space<vmem>> -> memref<128xi32, #tpu.memory_space<vmem>>
        %dma_start3A_197 = arith.constant 0 : i32
        %dma_start3A_198 = arith.constant 0 : i32
        %dma_start3A_199 = tpu.memref_slice %arg2[%dma_start3A_197, %dma_start3A_198] : memref<20224x192xbf16, #tpu.memory_space<hbm>> -> memref<20224x192xbf16, #tpu.memory_space<hbm>>
        tpu.enqueue_indirect_dma source(%dma_start3A_199 : memref<20224x192xbf16, #tpu.memory_space<hbm>>) target(%arg11 : memref<128x192xbf16, #tpu.memory_space<vmem>>) offsets(%dma_start3A_196 : memref<128xi32, #tpu.memory_space<vmem>>) semaphore(%arg15 : memref<!tpu.dma_semaphore, #tpu.memory_space<semaphore_mem>>)
      } else {
      }
      %scan3A_185 = arith.constant 0 : i32
      scf.yield %scan3A_185 : i32
    }
    %scan3A_65 = arith.constant 20 : i32
    %dma_wait3A = arith.constant 76 : i32
    %dma_wait3A_66 = arith.constant 0 : i32
    %dma_wait3A_67 = tpu.memref_slice %arg7[%dma_wait3A, %dma_wait3A_66] : memref<80x128xi32, #tpu.memory_space<vmem>> -> memref<1x128xi32, #tpu.memory_space<vmem>>
    %dma_wait3A_68 = tpu.memref_squeeze %dma_wait3A_67 : memref<1x128xi32, #tpu.memory_space<vmem>> -> memref<128xi32, #tpu.memory_space<vmem>>
    %dma_wait3A_69 = arith.constant 0 : i32
    %dma_wait3A_70 = arith.constant 0 : i32
    %dma_wait3A_71 = tpu.memref_slice %arg20[%dma_wait3A_69, %dma_wait3A_70] : memref<10240x192xbf16, #tpu.memory_space<vmem_shared>> -> memref<10240x192xbf16, #tpu.memory_space<vmem_shared>>
    tpu.wait_indirect_dma semaphore(%arg16 : memref<!tpu.dma_semaphore, #tpu.memory_space<semaphore_mem>>) src(%arg8 : memref<128x192xbf16, #tpu.memory_space<vmem>>) dst(%dma_wait3A_71 : memref<10240x192xbf16, #tpu.memory_space<vmem_shared>>)
    %dma_wait3A_72 = arith.constant 77 : i32
    %dma_wait3A_73 = arith.constant 0 : i32
    %dma_wait3A_74 = tpu.memref_slice %arg7[%dma_wait3A_72, %dma_wait3A_73] : memref<80x128xi32, #tpu.memory_space<vmem>> -> memref<1x128xi32, #tpu.memory_space<vmem>>
    %dma_wait3A_75 = tpu.memref_squeeze %dma_wait3A_74 : memref<1x128xi32, #tpu.memory_space<vmem>> -> memref<128xi32, #tpu.memory_space<vmem>>
    %dma_wait3A_76 = arith.constant 0 : i32
    %dma_wait3A_77 = arith.constant 0 : i32
    %dma_wait3A_78 = tpu.memref_slice %arg20[%dma_wait3A_76, %dma_wait3A_77] : memref<10240x192xbf16, #tpu.memory_space<vmem_shared>> -> memref<10240x192xbf16, #tpu.memory_space<vmem_shared>>
    tpu.wait_indirect_dma semaphore(%arg17 : memref<!tpu.dma_semaphore, #tpu.memory_space<semaphore_mem>>) src(%arg9 : memref<128x192xbf16, #tpu.memory_space<vmem>>) dst(%dma_wait3A_78 : memref<10240x192xbf16, #tpu.memory_space<vmem_shared>>)
    %dma_wait3A_79 = arith.constant 78 : i32
    %dma_wait3A_80 = arith.constant 0 : i32
    %dma_wait3A_81 = tpu.memref_slice %arg7[%dma_wait3A_79, %dma_wait3A_80] : memref<80x128xi32, #tpu.memory_space<vmem>> -> memref<1x128xi32, #tpu.memory_space<vmem>>
    %dma_wait3A_82 = tpu.memref_squeeze %dma_wait3A_81 : memref<1x128xi32, #tpu.memory_space<vmem>> -> memref<128xi32, #tpu.memory_space<vmem>>
    %dma_wait3A_83 = arith.constant 0 : i32
    %dma_wait3A_84 = arith.constant 0 : i32
    %dma_wait3A_85 = tpu.memref_slice %arg20[%dma_wait3A_83, %dma_wait3A_84] : memref<10240x192xbf16, #tpu.memory_space<vmem_shared>> -> memref<10240x192xbf16, #tpu.memory_space<vmem_shared>>
    tpu.wait_indirect_dma semaphore(%arg18 : memref<!tpu.dma_semaphore, #tpu.memory_space<semaphore_mem>>) src(%arg10 : memref<128x192xbf16, #tpu.memory_space<vmem>>) dst(%dma_wait3A_85 : memref<10240x192xbf16, #tpu.memory_space<vmem_shared>>)
    %dma_wait3A_86 = arith.constant 79 : i32
    %dma_wait3A_87 = arith.constant 0 : i32
    %dma_wait3A_88 = tpu.memref_slice %arg7[%dma_wait3A_86, %dma_wait3A_87] : memref<80x128xi32, #tpu.memory_space<vmem>> -> memref<1x128xi32, #tpu.memory_space<vmem>>
    %dma_wait3A_89 = tpu.memref_squeeze %dma_wait3A_88 : memref<1x128xi32, #tpu.memory_space<vmem>> -> memref<128xi32, #tpu.memory_space<vmem>>
    %dma_wait3A_90 = arith.constant 0 : i32
    %dma_wait3A_91 = arith.constant 0 : i32
    %dma_wait3A_92 = tpu.memref_slice %arg20[%dma_wait3A_90, %dma_wait3A_91] : memref<10240x192xbf16, #tpu.memory_space<vmem_shared>> -> memref<10240x192xbf16, #tpu.memory_space<vmem_shared>>
    tpu.wait_indirect_dma semaphore(%arg19 : memref<!tpu.dma_semaphore, #tpu.memory_space<semaphore_mem>>) src(%arg11 : memref<128x192xbf16, #tpu.memory_space<vmem>>) dst(%dma_wait3A_92 : memref<10240x192xbf16, #tpu.memory_space<vmem_shared>>)
    %barrier3A_93 = arith.constant 0 : index
    tpu.barrier barrier_id(%barrier3A_93)
    %mul3A_94 = arith.constant 640 : i32
    %mul3A_95 = arith.muli %arg1, %mul3A_94 : i32
    %mul3A_96 = arith.constant 640 : i32
    %mul3A_97 = arith.muli %arg1, %mul3A_96 : i32
    %mul3A_98 = arith.constant 192 : i32
    %mul3A_99 = arith.muli %arg0, %mul3A_98 : i32
    "tpu.region"() ({
      %run_scoped3A = tpu.sem_alloc : memref<!tpu.dma_semaphore, #tpu.memory_space<semaphore_mem>>
      %dma_start3A_100 = tpu.memref_slice %arg5[%mul3A_97, %mul3A_99] : memref<10240x384xbf16, #tpu.memory_space<hbm>> -> memref<640x192xbf16, #tpu.memory_space<hbm>>
      %dma_start3A_101 = arith.constant 0 : i32
      %dma_start3A_102 = tpu.memref_slice %arg20[%mul3A_95, %dma_start3A_101] : memref<10240x192xbf16, #tpu.memory_space<vmem_shared>> -> memref<640x192xbf16, #tpu.memory_space<vmem_shared>>
      tpu.enqueue_dma source(%dma_start3A_102 : memref<640x192xbf16, #tpu.memory_space<vmem_shared>>) target(%dma_start3A_100 : memref<640x192xbf16, #tpu.memory_space<hbm>>) target_semaphore(%run_scoped3A : memref<!tpu.dma_semaphore, #tpu.memory_space<semaphore_mem>>)
      %dma_wait3A_103 = tpu.memref_slice %arg5[%mul3A_97, %mul3A_99] : memref<10240x384xbf16, #tpu.memory_space<hbm>> -> memref<640x192xbf16, #tpu.memory_space<hbm>>
      %dma_wait3A_104 = arith.constant 0 : i32
      %dma_wait3A_105 = tpu.memref_slice %arg20[%mul3A_95, %dma_wait3A_104] : memref<10240x192xbf16, #tpu.memory_space<vmem_shared>> -> memref<640x192xbf16, #tpu.memory_space<vmem_shared>>
      tpu.wait_dma2 semaphore(%run_scoped3A : memref<!tpu.dma_semaphore, #tpu.memory_space<semaphore_mem>>) src(%dma_wait3A_105 : memref<640x192xbf16, #tpu.memory_space<vmem_shared>>) dst(%dma_wait3A_103 : memref<640x192xbf16, #tpu.memory_space<hbm>>)
      tpu.yield
    }) : () -> ()
    return
  }
}

module attributes {stable_mosaic.version = 14 : i64} {
  func.func @_prep_body(%arg0: i32, %arg1: memref<32x12x128xf32, #tpu.memory_space<vmem>>, %arg2: memref<32x32xf32, #tpu.memory_space<vmem>>, %arg3: memref<128x384xbf16, #tpu.memory_space<vmem>>) attributes {dimension_semantics = [#tpu.dimension_semantics<arbitrary>], iteration_bounds = array<i64: 79>, scalar_prefetch = 0 : i64, scratch_operands = 0 : i64, tpu.core_type = #tpu.core_type<tc>, window_params = [{transform_indices = @transform_0, window_bounds = array<i64: 32, 12, 128>}, {pipeline_mode = #tpu.pipeline_mode<synchronous>, transform_indices = @transform_1, window_bounds = array<i64: 32, 32>}, {transform_indices = @transform_2, window_bounds = array<i64: 128, 384>}]} {
    %get3A = arith.constant 0 : index
    %get3A_0 = arith.constant 0 : index
    %get3A_1 = arith.constant 0 : index
    %get3A_2 = vector.load %arg1[%get3A, %get3A_0, %get3A_1] : memref<32x12x128xf32, #tpu.memory_space<vmem>>, vector<32x12x128xf32>
    %get3A_3 = arith.constant 0 : index
    %get3A_4 = arith.constant 0 : index
    %get3A_5 = vector.load %arg2[%get3A_3, %get3A_4] : memref<32x32xf32, #tpu.memory_space<vmem>>, vector<32x32xf32>
    %slice3A = vector.extract_strided_slice %get3A_2 {offsets = [0, 0, 0], sizes = [32, 1, 128], strides = [1, 1, 1]} : vector<32x12x128xf32> to vector<32x1x128xf32>
    %squeeze3A = vector.shape_cast %slice3A : vector<32x1x128xf32> to vector<32x128xf32>
    %dot_general3A = arith.constant dense<0.000000e+00> : vector<128x32xf32>
    %dot_general3A_6 = tpu.matmul %squeeze3A, %get3A_5, %dot_general3A {dimension_numbers = #tpu.dot_dimension_numbers<[0], [0], [1], [1], [0, 1, 1, 1], [], []>, transpose_lhs_hint = false} : vector<32x128xf32>, vector<32x32xf32>, vector<128x32xf32> -> vector<128x32xf32>
    %convert_element_type3A = arith.truncf %dot_general3A_6 : vector<128x32xf32> to vector<128x32xbf16>
    %swap3A = arith.constant 0 : index
    %swap3A_7 = arith.constant 0 : index
    %swap3A_8 = vector.load %arg3[%swap3A, %swap3A_7] : memref<128x384xbf16, #tpu.memory_space<vmem>>, vector<128x32xbf16>
    tpu.vector_store %arg3[%swap3A, %swap3A_7], %convert_element_type3A {strides = array<i32>} : memref<128x384xbf16, #tpu.memory_space<vmem>>, vector<128x32xbf16>,
    %slice3A_9 = vector.extract_strided_slice %get3A_2 {offsets = [0, 1, 0], sizes = [32, 1, 128], strides = [1, 1, 1]} : vector<32x12x128xf32> to vector<32x1x128xf32>
    %squeeze3A_10 = vector.shape_cast %slice3A_9 : vector<32x1x128xf32> to vector<32x128xf32>
    %dot_general3A_11 = arith.constant dense<0.000000e+00> : vector<128x32xf32>
    %dot_general3A_12 = tpu.matmul %squeeze3A_10, %get3A_5, %dot_general3A_11 {dimension_numbers = #tpu.dot_dimension_numbers<[0], [0], [1], [1], [0, 1, 1, 1], [], []>, transpose_lhs_hint = false} : vector<32x128xf32>, vector<32x32xf32>, vector<128x32xf32> -> vector<128x32xf32>
    %convert_element_type3A_13 = arith.truncf %dot_general3A_12 : vector<128x32xf32> to vector<128x32xbf16>
    %swap3A_14 = arith.constant 0 : index
    %swap3A_15 = arith.constant 32 : index
    %swap3A_16 = vector.load %arg3[%swap3A_14, %swap3A_15] : memref<128x384xbf16, #tpu.memory_space<vmem>>, vector<128x32xbf16>
    tpu.vector_store %arg3[%swap3A_14, %swap3A_15], %convert_element_type3A_13 {strides = array<i32>} : memref<128x384xbf16, #tpu.memory_space<vmem>>, vector<128x32xbf16>,
    %slice3A_17 = vector.extract_strided_slice %get3A_2 {offsets = [0, 2, 0], sizes = [32, 1, 128], strides = [1, 1, 1]} : vector<32x12x128xf32> to vector<32x1x128xf32>
    %squeeze3A_18 = vector.shape_cast %slice3A_17 : vector<32x1x128xf32> to vector<32x128xf32>
    %dot_general3A_19 = arith.constant dense<0.000000e+00> : vector<128x32xf32>
    %dot_general3A_20 = tpu.matmul %squeeze3A_18, %get3A_5, %dot_general3A_19 {dimension_numbers = #tpu.dot_dimension_numbers<[0], [0], [1], [1], [0, 1, 1, 1], [], []>, transpose_lhs_hint = false} : vector<32x128xf32>, vector<32x32xf32>, vector<128x32xf32> -> vector<128x32xf32>
    %convert_element_type3A_21 = arith.truncf %dot_general3A_20 : vector<128x32xf32> to vector<128x32xbf16>
    %swap3A_22 = arith.constant 0 : index
    %swap3A_23 = arith.constant 64 : index
    %swap3A_24 = vector.load %arg3[%swap3A_22, %swap3A_23] : memref<128x384xbf16, #tpu.memory_space<vmem>>, vector<128x32xbf16>
    tpu.vector_store %arg3[%swap3A_22, %swap3A_23], %convert_element_type3A_21 {strides = array<i32>} : memref<128x384xbf16, #tpu.memory_space<vmem>>, vector<128x32xbf16>,
    %slice3A_25 = vector.extract_strided_slice %get3A_2 {offsets = [0, 3, 0], sizes = [32, 1, 128], strides = [1, 1, 1]} : vector<32x12x128xf32> to vector<32x1x128xf32>
    %squeeze3A_26 = vector.shape_cast %slice3A_25 : vector<32x1x128xf32> to vector<32x128xf32>
    %dot_general3A_27 = arith.constant dense<0.000000e+00> : vector<128x32xf32>
    %dot_general3A_28 = tpu.matmul %squeeze3A_26, %get3A_5, %dot_general3A_27 {dimension_numbers = #tpu.dot_dimension_numbers<[0], [0], [1], [1], [0, 1, 1, 1], [], []>, transpose_lhs_hint = false} : vector<32x128xf32>, vector<32x32xf32>, vector<128x32xf32> -> vector<128x32xf32>
    %convert_element_type3A_29 = arith.truncf %dot_general3A_28 : vector<128x32xf32> to vector<128x32xbf16>
    %swap3A_30 = arith.constant 0 : index
    %swap3A_31 = arith.constant 96 : index
    %swap3A_32 = vector.load %arg3[%swap3A_30, %swap3A_31] : memref<128x384xbf16, #tpu.memory_space<vmem>>, vector<128x32xbf16>
    tpu.vector_store %arg3[%swap3A_30, %swap3A_31], %convert_element_type3A_29 {strides = array<i32>} : memref<128x384xbf16, #tpu.memory_space<vmem>>, vector<128x32xbf16>,
    %slice3A_33 = vector.extract_strided_slice %get3A_2 {offsets = [0, 4, 0], sizes = [32, 1, 128], strides = [1, 1, 1]} : vector<32x12x128xf32> to vector<32x1x128xf32>
    %squeeze3A_34 = vector.shape_cast %slice3A_33 : vector<32x1x128xf32> to vector<32x128xf32>
    %dot_general3A_35 = arith.constant dense<0.000000e+00> : vector<128x32xf32>
    %dot_general3A_36 = tpu.matmul %squeeze3A_34, %get3A_5, %dot_general3A_35 {dimension_numbers = #tpu.dot_dimension_numbers<[0], [0], [1], [1], [0, 1, 1, 1], [], []>, transpose_lhs_hint = false} : vector<32x128xf32>, vector<32x32xf32>, vector<128x32xf32> -> vector<128x32xf32>
    %convert_element_type3A_37 = arith.truncf %dot_general3A_36 : vector<128x32xf32> to vector<128x32xbf16>
    %swap3A_38 = arith.constant 0 : index
    %swap3A_39 = arith.constant 128 : index
    %swap3A_40 = vector.load %arg3[%swap3A_38, %swap3A_39] : memref<128x384xbf16, #tpu.memory_space<vmem>>, vector<128x32xbf16>
    tpu.vector_store %arg3[%swap3A_38, %swap3A_39], %convert_element_type3A_37 {strides = array<i32>} : memref<128x384xbf16, #tpu.memory_space<vmem>>, vector<128x32xbf16>,
    %slice3A_41 = vector.extract_strided_slice %get3A_2 {offsets = [0, 5, 0], sizes = [32, 1, 128], strides = [1, 1, 1]} : vector<32x12x128xf32> to vector<32x1x128xf32>
    %squeeze3A_42 = vector.shape_cast %slice3A_41 : vector<32x1x128xf32> to vector<32x128xf32>
    %dot_general3A_43 = arith.constant dense<0.000000e+00> : vector<128x32xf32>
    %dot_general3A_44 = tpu.matmul %squeeze3A_42, %get3A_5, %dot_general3A_43 {dimension_numbers = #tpu.dot_dimension_numbers<[0], [0], [1], [1], [0, 1, 1, 1], [], []>, transpose_lhs_hint = false} : vector<32x128xf32>, vector<32x32xf32>, vector<128x32xf32> -> vector<128x32xf32>
    %convert_element_type3A_45 = arith.truncf %dot_general3A_44 : vector<128x32xf32> to vector<128x32xbf16>
    %swap3A_46 = arith.constant 0 : index
    %swap3A_47 = arith.constant 160 : index
    %swap3A_48 = vector.load %arg3[%swap3A_46, %swap3A_47] : memref<128x384xbf16, #tpu.memory_space<vmem>>, vector<128x32xbf16>
    tpu.vector_store %arg3[%swap3A_46, %swap3A_47], %convert_element_type3A_45 {strides = array<i32>} : memref<128x384xbf16, #tpu.memory_space<vmem>>, vector<128x32xbf16>,
    %slice3A_49 = vector.extract_strided_slice %get3A_2 {offsets = [0, 6, 0], sizes = [32, 1, 128], strides = [1, 1, 1]} : vector<32x12x128xf32> to vector<32x1x128xf32>
    %squeeze3A_50 = vector.shape_cast %slice3A_49 : vector<32x1x128xf32> to vector<32x128xf32>
    %dot_general3A_51 = arith.constant dense<0.000000e+00> : vector<128x32xf32>
    %dot_general3A_52 = tpu.matmul %squeeze3A_50, %get3A_5, %dot_general3A_51 {dimension_numbers = #tpu.dot_dimension_numbers<[0], [0], [1], [1], [0, 1, 1, 1], [], []>, transpose_lhs_hint = false} : vector<32x128xf32>, vector<32x32xf32>, vector<128x32xf32> -> vector<128x32xf32>
    %convert_element_type3A_53 = arith.truncf %dot_general3A_52 : vector<128x32xf32> to vector<128x32xbf16>
    %swap3A_54 = arith.constant 0 : index
    %swap3A_55 = arith.constant 192 : index
    %swap3A_56 = vector.load %arg3[%swap3A_54, %swap3A_55] : memref<128x384xbf16, #tpu.memory_space<vmem>>, vector<128x32xbf16>
    tpu.vector_store %arg3[%swap3A_54, %swap3A_55], %convert_element_type3A_53 {strides = array<i32>} : memref<128x384xbf16, #tpu.memory_space<vmem>>, vector<128x32xbf16>,
    %slice3A_57 = vector.extract_strided_slice %get3A_2 {offsets = [0, 7, 0], sizes = [32, 1, 128], strides = [1, 1, 1]} : vector<32x12x128xf32> to vector<32x1x128xf32>
    %squeeze3A_58 = vector.shape_cast %slice3A_57 : vector<32x1x128xf32> to vector<32x128xf32>
    %dot_general3A_59 = arith.constant dense<0.000000e+00> : vector<128x32xf32>
    %dot_general3A_60 = tpu.matmul %squeeze3A_58, %get3A_5, %dot_general3A_59 {dimension_numbers = #tpu.dot_dimension_numbers<[0], [0], [1], [1], [0, 1, 1, 1], [], []>, transpose_lhs_hint = false} : vector<32x128xf32>, vector<32x32xf32>, vector<128x32xf32> -> vector<128x32xf32>
    %convert_element_type3A_61 = arith.truncf %dot_general3A_60 : vector<128x32xf32> to vector<128x32xbf16>
    %swap3A_62 = arith.constant 0 : index
    %swap3A_63 = arith.constant 224 : index
    %swap3A_64 = vector.load %arg3[%swap3A_62, %swap3A_63] : memref<128x384xbf16, #tpu.memory_space<vmem>>, vector<128x32xbf16>
    tpu.vector_store %arg3[%swap3A_62, %swap3A_63], %convert_element_type3A_61 {strides = array<i32>} : memref<128x384xbf16, #tpu.memory_space<vmem>>, vector<128x32xbf16>,
    %slice3A_65 = vector.extract_strided_slice %get3A_2 {offsets = [0, 8, 0], sizes = [32, 1, 128], strides = [1, 1, 1]} : vector<32x12x128xf32> to vector<32x1x128xf32>
    %squeeze3A_66 = vector.shape_cast %slice3A_65 : vector<32x1x128xf32> to vector<32x128xf32>
    %dot_general3A_67 = arith.constant dense<0.000000e+00> : vector<128x32xf32>
    %dot_general3A_68 = tpu.matmul %squeeze3A_66, %get3A_5, %dot_general3A_67 {dimension_numbers = #tpu.dot_dimension_numbers<[0], [0], [1], [1], [0, 1, 1, 1], [], []>, transpose_lhs_hint = false} : vector<32x128xf32>, vector<32x32xf32>, vector<128x32xf32> -> vector<128x32xf32>
    %convert_element_type3A_69 = arith.truncf %dot_general3A_68 : vector<128x32xf32> to vector<128x32xbf16>
    %swap3A_70 = arith.constant 0 : index
    %swap3A_71 = arith.constant 256 : index
    %swap3A_72 = vector.load %arg3[%swap3A_70, %swap3A_71] : memref<128x384xbf16, #tpu.memory_space<vmem>>, vector<128x32xbf16>
    tpu.vector_store %arg3[%swap3A_70, %swap3A_71], %convert_element_type3A_69 {strides = array<i32>} : memref<128x384xbf16, #tpu.memory_space<vmem>>, vector<128x32xbf16>,
    %slice3A_73 = vector.extract_strided_slice %get3A_2 {offsets = [0, 9, 0], sizes = [32, 1, 128], strides = [1, 1, 1]} : vector<32x12x128xf32> to vector<32x1x128xf32>
    %squeeze3A_74 = vector.shape_cast %slice3A_73 : vector<32x1x128xf32> to vector<32x128xf32>
    %dot_general3A_75 = arith.constant dense<0.000000e+00> : vector<128x32xf32>
    %dot_general3A_76 = tpu.matmul %squeeze3A_74, %get3A_5, %dot_general3A_75 {dimension_numbers = #tpu.dot_dimension_numbers<[0], [0], [1], [1], [0, 1, 1, 1], [], []>, transpose_lhs_hint = false} : vector<32x128xf32>, vector<32x32xf32>, vector<128x32xf32> -> vector<128x32xf32>
    %convert_element_type3A_77 = arith.truncf %dot_general3A_76 : vector<128x32xf32> to vector<128x32xbf16>
    %swap3A_78 = arith.constant 0 : index
    %swap3A_79 = arith.constant 288 : index
    %swap3A_80 = vector.load %arg3[%swap3A_78, %swap3A_79] : memref<128x384xbf16, #tpu.memory_space<vmem>>, vector<128x32xbf16>
    tpu.vector_store %arg3[%swap3A_78, %swap3A_79], %convert_element_type3A_77 {strides = array<i32>} : memref<128x384xbf16, #tpu.memory_space<vmem>>, vector<128x32xbf16>,
    %slice3A_81 = vector.extract_strided_slice %get3A_2 {offsets = [0, 10, 0], sizes = [32, 1, 128], strides = [1, 1, 1]} : vector<32x12x128xf32> to vector<32x1x128xf32>
    %squeeze3A_82 = vector.shape_cast %slice3A_81 : vector<32x1x128xf32> to vector<32x128xf32>
    %dot_general3A_83 = arith.constant dense<0.000000e+00> : vector<128x32xf32>
    %dot_general3A_84 = tpu.matmul %squeeze3A_82, %get3A_5, %dot_general3A_83 {dimension_numbers = #tpu.dot_dimension_numbers<[0], [0], [1], [1], [0, 1, 1, 1], [], []>, transpose_lhs_hint = false} : vector<32x128xf32>, vector<32x32xf32>, vector<128x32xf32> -> vector<128x32xf32>
    %convert_element_type3A_85 = arith.truncf %dot_general3A_84 : vector<128x32xf32> to vector<128x32xbf16>
    %swap3A_86 = arith.constant 0 : index
    %swap3A_87 = arith.constant 320 : index
    %swap3A_88 = vector.load %arg3[%swap3A_86, %swap3A_87] : memref<128x384xbf16, #tpu.memory_space<vmem>>, vector<128x32xbf16>
    tpu.vector_store %arg3[%swap3A_86, %swap3A_87], %convert_element_type3A_85 {strides = array<i32>} : memref<128x384xbf16, #tpu.memory_space<vmem>>, vector<128x32xbf16>,
    %slice3A_89 = vector.extract_strided_slice %get3A_2 {offsets = [0, 11, 0], sizes = [32, 1, 128], strides = [1, 1, 1]} : vector<32x12x128xf32> to vector<32x1x128xf32>
    %squeeze3A_90 = vector.shape_cast %slice3A_89 : vector<32x1x128xf32> to vector<32x128xf32>
    %dot_general3A_91 = arith.constant dense<0.000000e+00> : vector<128x32xf32>
    %dot_general3A_92 = tpu.matmul %squeeze3A_90, %get3A_5, %dot_general3A_91 {dimension_numbers = #tpu.dot_dimension_numbers<[0], [0], [1], [1], [0, 1, 1, 1], [], []>, transpose_lhs_hint = false} : vector<32x128xf32>, vector<32x32xf32>, vector<128x32xf32> -> vector<128x32xf32>
    %convert_element_type3A_93 = arith.truncf %dot_general3A_92 : vector<128x32xf32> to vector<128x32xbf16>
    %swap3A_94 = arith.constant 0 : index
    %swap3A_95 = arith.constant 352 : index
    %swap3A_96 = vector.load %arg3[%swap3A_94, %swap3A_95] : memref<128x384xbf16, #tpu.memory_space<vmem>>, vector<128x32xbf16>
    tpu.vector_store %arg3[%swap3A_94, %swap3A_95], %convert_element_type3A_93 {strides = array<i32>} : memref<128x384xbf16, #tpu.memory_space<vmem>>, vector<128x32xbf16>,
    return
  }
  func.func @transform_0(%arg0: i32) -> (i32, i32, i32) {
    %c0_i32 = arith.constant 0 : i32
    %c0_i32_0 = arith.constant 0 : i32
    %c0_i32_1 = arith.constant 0 : i32
    return %c0_i32, %c0_i32_0, %arg0 : i32, i32, i32
  }
  func.func @transform_1(%arg0: i32) -> (i32, i32) {
    %c0_i32 = arith.constant 0 : i32
    %c0_i32_0 = arith.constant 0 : i32
    %c0_i32_1 = arith.constant 0 : i32
    return %c0_i32, %c0_i32_0 : i32, i32
  }
  func.func @transform_2(%arg0: i32) -> (i32, i32) {
    %c0_i32 = arith.constant 0 : i32
    %c0_i32_0 = arith.constant 0 : i32
    return %arg0, %c0_i32 : i32, i32
  }
}

module attributes {stable_mosaic.version = 14 : i64} {
  func.func @_epi_body(%arg0: i32, %arg1: memref<128x384xbf16, #tpu.memory_space<vmem>>, %arg2: memref<2x128xf32, #tpu.memory_space<vmem>>, %arg3: memref<1x32xf32, #tpu.memory_space<vmem>>, %arg4: memref<32x12x128xf32, #tpu.memory_space<vmem>>) attributes {dimension_semantics = [#tpu.dimension_semantics<arbitrary>], iteration_bounds = array<i64: 79>, scalar_prefetch = 0 : i64, scratch_operands = 0 : i64, tpu.core_type = #tpu.core_type<tc>, window_params = [{transform_indices = @transform_0, window_bounds = array<i64: 128, 384>}, {transform_indices = @transform_1, window_bounds = array<i64: 2, 128>}, {pipeline_mode = #tpu.pipeline_mode<synchronous>, transform_indices = @transform_2, window_bounds = array<i64: 1, 32>}, {transform_indices = @transform_3, window_bounds = array<i64: 32, 12, 128>}]} {
    %get3A = arith.constant 0 : index
    %get3A_0 = arith.constant 0 : index
    %get3A_1 = vector.load %arg2[%get3A, %get3A_0] : memref<2x128xf32, #tpu.memory_space<vmem>>, vector<2x128xf32>
    %reduce_sum3A = arith.constant dense<0.000000e+00> : vector<128xf32>
    %reduce_sum3A_2 = vector.multi_reduction <add>, %get3A_1, %reduce_sum3A [0] : vector<2x128xf32> to vector<128xf32>
    %broadcast_in_dim3A = vector.shape_cast %reduce_sum3A_2 : vector<128xf32> to vector<1x128xf32>
    %max3A = arith.constant 1.000000e+00 : f32
    %max3A_3 = vector.broadcast %max3A : f32 to vector<1x128xf32>
    %max3A_4 = arith.maximumf %broadcast_in_dim3A, %max3A_3 : vector<1x128xf32>
    %rsqrt3A = math.rsqrt %max3A_4 : vector<1x128xf32>
    %get3A_5 = arith.constant 0 : index
    %get3A_6 = arith.constant 0 : index
    %get3A_7 = vector.load %arg1[%get3A_5, %get3A_6] : memref<128x384xbf16, #tpu.memory_space<vmem>>, vector<128x384xbf16>
    %get3A_8 = arith.constant 0 : index
    %get3A_9 = arith.constant 0 : index
    %get3A_10 = vector.load %arg3[%get3A_8, %get3A_9] : memref<1x32xf32, #tpu.memory_space<vmem>>, vector<1x32xf32>
    %reshape3A = vector.shape_cast %get3A_10 : vector<1x32xf32> to vector<32x1xf32>
    %iota3A = tpu.iota {dimensions = array<i32: 0>} : vector<32x32xi32>
    %iota3A_11 = tpu.iota {dimensions = array<i32: 1>} : vector<32x32xi32>
    %add3A = arith.constant 0 : i32
    %add3A_12 = vector.broadcast %add3A : i32 to vector<32x32xi32>
    %add3A_13 = arith.addi %iota3A, %add3A_12 : vector<32x32xi32>
    %eq3A = arith.cmpi eq, %add3A_13, %iota3A_11 : vector<32x32xi32>
    %convert_element_type3A = arith.extui %eq3A : vector<32x32xi1> to vector<32x32xi32>
    %convert_element_type3A_14 = arith.sitofp %convert_element_type3A : vector<32x32xi32> to vector<32x32xf32>
    %convert_element_type3A_15 = arith.truncf %convert_element_type3A_14 : vector<32x32xf32> to vector<32x32xbf16>
    %slice3A = vector.extract_strided_slice %get3A_7 {offsets = [0, 0], sizes = [128, 32], strides = [1, 1]} : vector<128x384xbf16> to vector<128x32xbf16>
    %dot_general3A = arith.constant dense<0.000000e+00> : vector<32x128xf32>
    %dot_general3A_16 = tpu.matmul %convert_element_type3A_15, %slice3A, %dot_general3A {dimension_numbers = #tpu.dot_dimension_numbers<[1], [1], [0], [0], [0, 0, 1, 0], [], []>, transpose_lhs_hint = false} : vector<32x32xbf16>, vector<128x32xbf16>, vector<32x128xf32> -> vector<32x128xf32>
    %mul3A = vector.broadcast %rsqrt3A : vector<1x128xf32> to vector<32x128xf32>
    %mul3A_17 = arith.mulf %dot_general3A_16, %mul3A : vector<32x128xf32>
    %add3A_18 = vector.broadcast %reshape3A : vector<32x1xf32> to vector<32x128xf32>
    %add3A_19 = arith.addf %mul3A_17, %add3A_18 : vector<32x128xf32>
    %max3A_20 = arith.constant 0.000000e+00 : f32
    %max3A_21 = vector.broadcast %max3A_20 : f32 to vector<32x128xf32>
    %max3A_22 = arith.maximumf %add3A_19, %max3A_21 : vector<32x128xf32>
    %swap3A = arith.constant 0 : index
    %swap3A_23 = arith.constant 0 : index
    %swap3A_24 = arith.constant 0 : index
    %swap3A_25 = vector.load %arg4[%swap3A, %swap3A_23, %swap3A_24] : memref<32x12x128xf32, #tpu.memory_space<vmem>>, vector<32x1x128xf32>
    %swap3A_26 = vector.shape_cast %swap3A_25 : vector<32x1x128xf32> to vector<32x128xf32>
    %swap3A_27 = vector.shape_cast %max3A_22 : vector<32x128xf32> to vector<32x1x128xf32>
    tpu.vector_store %arg4[%swap3A, %swap3A_23, %swap3A_24], %swap3A_27 {strides = array<i32>} : memref<32x12x128xf32, #tpu.memory_space<vmem>>, vector<32x1x128xf32>,
    %slice3A_28 = vector.extract_strided_slice %get3A_7 {offsets = [0, 32], sizes = [128, 32], strides = [1, 1]} : vector<128x384xbf16> to vector<128x32xbf16>
    %dot_general3A_29 = arith.constant dense<0.000000e+00> : vector<32x128xf32>
    %dot_general3A_30 = tpu.matmul %convert_element_type3A_15, %slice3A_28, %dot_general3A_29 {dimension_numbers = #tpu.dot_dimension_numbers<[1], [1], [0], [0], [0, 0, 1, 0], [], []>, transpose_lhs_hint = false} : vector<32x32xbf16>, vector<128x32xbf16>, vector<32x128xf32> -> vector<32x128xf32>
    %mul3A_31 = vector.broadcast %rsqrt3A : vector<1x128xf32> to vector<32x128xf32>
    %mul3A_32 = arith.mulf %dot_general3A_30, %mul3A_31 : vector<32x128xf32>
    %add3A_33 = vector.broadcast %reshape3A : vector<32x1xf32> to vector<32x128xf32>
    %add3A_34 = arith.addf %mul3A_32, %add3A_33 : vector<32x128xf32>
    %max3A_35 = arith.constant 0.000000e+00 : f32
    %max3A_36 = vector.broadcast %max3A_35 : f32 to vector<32x128xf32>
    %max3A_37 = arith.maximumf %add3A_34, %max3A_36 : vector<32x128xf32>
    %swap3A_38 = arith.constant 0 : index
    %swap3A_39 = arith.constant 1 : index
    %swap3A_40 = arith.constant 0 : index
    %swap3A_41 = vector.load %arg4[%swap3A_38, %swap3A_39, %swap3A_40] : memref<32x12x128xf32, #tpu.memory_space<vmem>>, vector<32x1x128xf32>
    %swap3A_42 = vector.shape_cast %swap3A_41 : vector<32x1x128xf32> to vector<32x128xf32>
    %swap3A_43 = vector.shape_cast %max3A_37 : vector<32x128xf32> to vector<32x1x128xf32>
    tpu.vector_store %arg4[%swap3A_38, %swap3A_39, %swap3A_40], %swap3A_43 {strides = array<i32>} : memref<32x12x128xf32, #tpu.memory_space<vmem>>, vector<32x1x128xf32>,
    %slice3A_44 = vector.extract_strided_slice %get3A_7 {offsets = [0, 64], sizes = [128, 32], strides = [1, 1]} : vector<128x384xbf16> to vector<128x32xbf16>
    %dot_general3A_45 = arith.constant dense<0.000000e+00> : vector<32x128xf32>
    %dot_general3A_46 = tpu.matmul %convert_element_type3A_15, %slice3A_44, %dot_general3A_45 {dimension_numbers = #tpu.dot_dimension_numbers<[1], [1], [0], [0], [0, 0, 1, 0], [], []>, transpose_lhs_hint = false} : vector<32x32xbf16>, vector<128x32xbf16>, vector<32x128xf32> -> vector<32x128xf32>
    %mul3A_47 = vector.broadcast %rsqrt3A : vector<1x128xf32> to vector<32x128xf32>
    %mul3A_48 = arith.mulf %dot_general3A_46, %mul3A_47 : vector<32x128xf32>
    %add3A_49 = vector.broadcast %reshape3A : vector<32x1xf32> to vector<32x128xf32>
    %add3A_50 = arith.addf %mul3A_48, %add3A_49 : vector<32x128xf32>
    %max3A_51 = arith.constant 0.000000e+00 : f32
    %max3A_52 = vector.broadcast %max3A_51 : f32 to vector<32x128xf32>
    %max3A_53 = arith.maximumf %add3A_50, %max3A_52 : vector<32x128xf32>
    %swap3A_54 = arith.constant 0 : index
    %swap3A_55 = arith.constant 2 : index
    %swap3A_56 = arith.constant 0 : index
    %swap3A_57 = vector.load %arg4[%swap3A_54, %swap3A_55, %swap3A_56] : memref<32x12x128xf32, #tpu.memory_space<vmem>>, vector<32x1x128xf32>
    %swap3A_58 = vector.shape_cast %swap3A_57 : vector<32x1x128xf32> to vector<32x128xf32>
    %swap3A_59 = vector.shape_cast %max3A_53 : vector<32x128xf32> to vector<32x1x128xf32>
    tpu.vector_store %arg4[%swap3A_54, %swap3A_55, %swap3A_56], %swap3A_59 {strides = array<i32>} : memref<32x12x128xf32, #tpu.memory_space<vmem>>, vector<32x1x128xf32>,
    %slice3A_60 = vector.extract_strided_slice %get3A_7 {offsets = [0, 96], sizes = [128, 32], strides = [1, 1]} : vector<128x384xbf16> to vector<128x32xbf16>
    %dot_general3A_61 = arith.constant dense<0.000000e+00> : vector<32x128xf32>
    %dot_general3A_62 = tpu.matmul %convert_element_type3A_15, %slice3A_60, %dot_general3A_61 {dimension_numbers = #tpu.dot_dimension_numbers<[1], [1], [0], [0], [0, 0, 1, 0], [], []>, transpose_lhs_hint = false} : vector<32x32xbf16>, vector<128x32xbf16>, vector<32x128xf32> -> vector<32x128xf32>
    %mul3A_63 = vector.broadcast %rsqrt3A : vector<1x128xf32> to vector<32x128xf32>
    %mul3A_64 = arith.mulf %dot_general3A_62, %mul3A_63 : vector<32x128xf32>
    %add3A_65 = vector.broadcast %reshape3A : vector<32x1xf32> to vector<32x128xf32>
    %add3A_66 = arith.addf %mul3A_64, %add3A_65 : vector<32x128xf32>
    %max3A_67 = arith.constant 0.000000e+00 : f32
    %max3A_68 = vector.broadcast %max3A_67 : f32 to vector<32x128xf32>
    %max3A_69 = arith.maximumf %add3A_66, %max3A_68 : vector<32x128xf32>
    %swap3A_70 = arith.constant 0 : index
    %swap3A_71 = arith.constant 3 : index
    %swap3A_72 = arith.constant 0 : index
    %swap3A_73 = vector.load %arg4[%swap3A_70, %swap3A_71, %swap3A_72] : memref<32x12x128xf32, #tpu.memory_space<vmem>>, vector<32x1x128xf32>
    %swap3A_74 = vector.shape_cast %swap3A_73 : vector<32x1x128xf32> to vector<32x128xf32>
    %swap3A_75 = vector.shape_cast %max3A_69 : vector<32x128xf32> to vector<32x1x128xf32>
    tpu.vector_store %arg4[%swap3A_70, %swap3A_71, %swap3A_72], %swap3A_75 {strides = array<i32>} : memref<32x12x128xf32, #tpu.memory_space<vmem>>, vector<32x1x128xf32>,
    %slice3A_76 = vector.extract_strided_slice %get3A_7 {offsets = [0, 128], sizes = [128, 32], strides = [1, 1]} : vector<128x384xbf16> to vector<128x32xbf16>
    %dot_general3A_77 = arith.constant dense<0.000000e+00> : vector<32x128xf32>
    %dot_general3A_78 = tpu.matmul %convert_element_type3A_15, %slice3A_76, %dot_general3A_77 {dimension_numbers = #tpu.dot_dimension_numbers<[1], [1], [0], [0], [0, 0, 1, 0], [], []>, transpose_lhs_hint = false} : vector<32x32xbf16>, vector<128x32xbf16>, vector<32x128xf32> -> vector<32x128xf32>
    %mul3A_79 = vector.broadcast %rsqrt3A : vector<1x128xf32> to vector<32x128xf32>
    %mul3A_80 = arith.mulf %dot_general3A_78, %mul3A_79 : vector<32x128xf32>
    %add3A_81 = vector.broadcast %reshape3A : vector<32x1xf32> to vector<32x128xf32>
    %add3A_82 = arith.addf %mul3A_80, %add3A_81 : vector<32x128xf32>
    %max3A_83 = arith.constant 0.000000e+00 : f32
    %max3A_84 = vector.broadcast %max3A_83 : f32 to vector<32x128xf32>
    %max3A_85 = arith.maximumf %add3A_82, %max3A_84 : vector<32x128xf32>
    %swap3A_86 = arith.constant 0 : index
    %swap3A_87 = arith.constant 4 : index
    %swap3A_88 = arith.constant 0 : index
    %swap3A_89 = vector.load %arg4[%swap3A_86, %swap3A_87, %swap3A_88] : memref<32x12x128xf32, #tpu.memory_space<vmem>>, vector<32x1x128xf32>
    %swap3A_90 = vector.shape_cast %swap3A_89 : vector<32x1x128xf32> to vector<32x128xf32>
    %swap3A_91 = vector.shape_cast %max3A_85 : vector<32x128xf32> to vector<32x1x128xf32>
    tpu.vector_store %arg4[%swap3A_86, %swap3A_87, %swap3A_88], %swap3A_91 {strides = array<i32>} : memref<32x12x128xf32, #tpu.memory_space<vmem>>, vector<32x1x128xf32>,
    %slice3A_92 = vector.extract_strided_slice %get3A_7 {offsets = [0, 160], sizes = [128, 32], strides = [1, 1]} : vector<128x384xbf16> to vector<128x32xbf16>
    %dot_general3A_93 = arith.constant dense<0.000000e+00> : vector<32x128xf32>
    %dot_general3A_94 = tpu.matmul %convert_element_type3A_15, %slice3A_92, %dot_general3A_93 {dimension_numbers = #tpu.dot_dimension_numbers<[1], [1], [0], [0], [0, 0, 1, 0], [], []>, transpose_lhs_hint = false} : vector<32x32xbf16>, vector<128x32xbf16>, vector<32x128xf32> -> vector<32x128xf32>
    %mul3A_95 = vector.broadcast %rsqrt3A : vector<1x128xf32> to vector<32x128xf32>
    %mul3A_96 = arith.mulf %dot_general3A_94, %mul3A_95 : vector<32x128xf32>
    %add3A_97 = vector.broadcast %reshape3A : vector<32x1xf32> to vector<32x128xf32>
    %add3A_98 = arith.addf %mul3A_96, %add3A_97 : vector<32x128xf32>
    %max3A_99 = arith.constant 0.000000e+00 : f32
    %max3A_100 = vector.broadcast %max3A_99 : f32 to vector<32x128xf32>
    %max3A_101 = arith.maximumf %add3A_98, %max3A_100 : vector<32x128xf32>
    %swap3A_102 = arith.constant 0 : index
    %swap3A_103 = arith.constant 5 : index
    %swap3A_104 = arith.constant 0 : index
    %swap3A_105 = vector.load %arg4[%swap3A_102, %swap3A_103, %swap3A_104] : memref<32x12x128xf32, #tpu.memory_space<vmem>>, vector<32x1x128xf32>
    %swap3A_106 = vector.shape_cast %swap3A_105 : vector<32x1x128xf32> to vector<32x128xf32>
    %swap3A_107 = vector.shape_cast %max3A_101 : vector<32x128xf32> to vector<32x1x128xf32>
    tpu.vector_store %arg4[%swap3A_102, %swap3A_103, %swap3A_104], %swap3A_107 {strides = array<i32>} : memref<32x12x128xf32, #tpu.memory_space<vmem>>, vector<32x1x128xf32>,
    %slice3A_108 = vector.extract_strided_slice %get3A_7 {offsets = [0, 192], sizes = [128, 32], strides = [1, 1]} : vector<128x384xbf16> to vector<128x32xbf16>
    %dot_general3A_109 = arith.constant dense<0.000000e+00> : vector<32x128xf32>
    %dot_general3A_110 = tpu.matmul %convert_element_type3A_15, %slice3A_108, %dot_general3A_109 {dimension_numbers = #tpu.dot_dimension_numbers<[1], [1], [0], [0], [0, 0, 1, 0], [], []>, transpose_lhs_hint = false} : vector<32x32xbf16>, vector<128x32xbf16>, vector<32x128xf32> -> vector<32x128xf32>
    %mul3A_111 = vector.broadcast %rsqrt3A : vector<1x128xf32> to vector<32x128xf32>
    %mul3A_112 = arith.mulf %dot_general3A_110, %mul3A_111 : vector<32x128xf32>
    %add3A_113 = vector.broadcast %reshape3A : vector<32x1xf32> to vector<32x128xf32>
    %add3A_114 = arith.addf %mul3A_112, %add3A_113 : vector<32x128xf32>
    %max3A_115 = arith.constant 0.000000e+00 : f32
    %max3A_116 = vector.broadcast %max3A_115 : f32 to vector<32x128xf32>
    %max3A_117 = arith.maximumf %add3A_114, %max3A_116 : vector<32x128xf32>
    %swap3A_118 = arith.constant 0 : index
    %swap3A_119 = arith.constant 6 : index
    %swap3A_120 = arith.constant 0 : index
    %swap3A_121 = vector.load %arg4[%swap3A_118, %swap3A_119, %swap3A_120] : memref<32x12x128xf32, #tpu.memory_space<vmem>>, vector<32x1x128xf32>
    %swap3A_122 = vector.shape_cast %swap3A_121 : vector<32x1x128xf32> to vector<32x128xf32>
    %swap3A_123 = vector.shape_cast %max3A_117 : vector<32x128xf32> to vector<32x1x128xf32>
    tpu.vector_store %arg4[%swap3A_118, %swap3A_119, %swap3A_120], %swap3A_123 {strides = array<i32>} : memref<32x12x128xf32, #tpu.memory_space<vmem>>, vector<32x1x128xf32>,
    %slice3A_124 = vector.extract_strided_slice %get3A_7 {offsets = [0, 224], sizes = [128, 32], strides = [1, 1]} : vector<128x384xbf16> to vector<128x32xbf16>
    %dot_general3A_125 = arith.constant dense<0.000000e+00> : vector<32x128xf32>
    %dot_general3A_126 = tpu.matmul %convert_element_type3A_15, %slice3A_124, %dot_general3A_125 {dimension_numbers = #tpu.dot_dimension_numbers<[1], [1], [0], [0], [0, 0, 1, 0], [], []>, transpose_lhs_hint = false} : vector<32x32xbf16>, vector<128x32xbf16>, vector<32x128xf32> -> vector<32x128xf32>
    %mul3A_127 = vector.broadcast %rsqrt3A : vector<1x128xf32> to vector<32x128xf32>
    %mul3A_128 = arith.mulf %dot_general3A_126, %mul3A_127 : vector<32x128xf32>
    %add3A_129 = vector.broadcast %reshape3A : vector<32x1xf32> to vector<32x128xf32>
    %add3A_130 = arith.addf %mul3A_128, %add3A_129 : vector<32x128xf32>
    %max3A_131 = arith.constant 0.000000e+00 : f32
    %max3A_132 = vector.broadcast %max3A_131 : f32 to vector<32x128xf32>
    %max3A_133 = arith.maximumf %add3A_130, %max3A_132 : vector<32x128xf32>
    %swap3A_134 = arith.constant 0 : index
    %swap3A_135 = arith.constant 7 : index
    %swap3A_136 = arith.constant 0 : index
    %swap3A_137 = vector.load %arg4[%swap3A_134, %swap3A_135, %swap3A_136] : memref<32x12x128xf32, #tpu.memory_space<vmem>>, vector<32x1x128xf32>
    %swap3A_138 = vector.shape_cast %swap3A_137 : vector<32x1x128xf32> to vector<32x128xf32>
    %swap3A_139 = vector.shape_cast %max3A_133 : vector<32x128xf32> to vector<32x1x128xf32>
    tpu.vector_store %arg4[%swap3A_134, %swap3A_135, %swap3A_136], %swap3A_139 {strides = array<i32>} : memref<32x12x128xf32, #tpu.memory_space<vmem>>, vector<32x1x128xf32>,
    %slice3A_140 = vector.extract_strided_slice %get3A_7 {offsets = [0, 256], sizes = [128, 32], strides = [1, 1]} : vector<128x384xbf16> to vector<128x32xbf16>
    %dot_general3A_141 = arith.constant dense<0.000000e+00> : vector<32x128xf32>
    %dot_general3A_142 = tpu.matmul %convert_element_type3A_15, %slice3A_140, %dot_general3A_141 {dimension_numbers = #tpu.dot_dimension_numbers<[1], [1], [0], [0], [0, 0, 1, 0], [], []>, transpose_lhs_hint = false} : vector<32x32xbf16>, vector<128x32xbf16>, vector<32x128xf32> -> vector<32x128xf32>
    %mul3A_143 = vector.broadcast %rsqrt3A : vector<1x128xf32> to vector<32x128xf32>
    %mul3A_144 = arith.mulf %dot_general3A_142, %mul3A_143 : vector<32x128xf32>
    %add3A_145 = vector.broadcast %reshape3A : vector<32x1xf32> to vector<32x128xf32>
    %add3A_146 = arith.addf %mul3A_144, %add3A_145 : vector<32x128xf32>
    %max3A_147 = arith.constant 0.000000e+00 : f32
    %max3A_148 = vector.broadcast %max3A_147 : f32 to vector<32x128xf32>
    %max3A_149 = arith.maximumf %add3A_146, %max3A_148 : vector<32x128xf32>
    %swap3A_150 = arith.constant 0 : index
    %swap3A_151 = arith.constant 8 : index
    %swap3A_152 = arith.constant 0 : index
    %swap3A_153 = vector.load %arg4[%swap3A_150, %swap3A_151, %swap3A_152] : memref<32x12x128xf32, #tpu.memory_space<vmem>>, vector<32x1x128xf32>
    %swap3A_154 = vector.shape_cast %swap3A_153 : vector<32x1x128xf32> to vector<32x128xf32>
    %swap3A_155 = vector.shape_cast %max3A_149 : vector<32x128xf32> to vector<32x1x128xf32>
    tpu.vector_store %arg4[%swap3A_150, %swap3A_151, %swap3A_152], %swap3A_155 {strides = array<i32>} : memref<32x12x128xf32, #tpu.memory_space<vmem>>, vector<32x1x128xf32>,
    %slice3A_156 = vector.extract_strided_slice %get3A_7 {offsets = [0, 288], sizes = [128, 32], strides = [1, 1]} : vector<128x384xbf16> to vector<128x32xbf16>
    %dot_general3A_157 = arith.constant dense<0.000000e+00> : vector<32x128xf32>
    %dot_general3A_158 = tpu.matmul %convert_element_type3A_15, %slice3A_156, %dot_general3A_157 {dimension_numbers = #tpu.dot_dimension_numbers<[1], [1], [0], [0], [0, 0, 1, 0], [], []>, transpose_lhs_hint = false} : vector<32x32xbf16>, vector<128x32xbf16>, vector<32x128xf32> -> vector<32x128xf32>
    %mul3A_159 = vector.broadcast %rsqrt3A : vector<1x128xf32> to vector<32x128xf32>
    %mul3A_160 = arith.mulf %dot_general3A_158, %mul3A_159 : vector<32x128xf32>
    %add3A_161 = vector.broadcast %reshape3A : vector<32x1xf32> to vector<32x128xf32>
    %add3A_162 = arith.addf %mul3A_160, %add3A_161 : vector<32x128xf32>
    %max3A_163 = arith.constant 0.000000e+00 : f32
    %max3A_164 = vector.broadcast %max3A_163 : f32 to vector<32x128xf32>
    %max3A_165 = arith.maximumf %add3A_162, %max3A_164 : vector<32x128xf32>
    %swap3A_166 = arith.constant 0 : index
    %swap3A_167 = arith.constant 9 : index
    %swap3A_168 = arith.constant 0 : index
    %swap3A_169 = vector.load %arg4[%swap3A_166, %swap3A_167, %swap3A_168] : memref<32x12x128xf32, #tpu.memory_space<vmem>>, vector<32x1x128xf32>
    %swap3A_170 = vector.shape_cast %swap3A_169 : vector<32x1x128xf32> to vector<32x128xf32>
    %swap3A_171 = vector.shape_cast %max3A_165 : vector<32x128xf32> to vector<32x1x128xf32>
    tpu.vector_store %arg4[%swap3A_166, %swap3A_167, %swap3A_168], %swap3A_171 {strides = array<i32>} : memref<32x12x128xf32, #tpu.memory_space<vmem>>, vector<32x1x128xf32>,
    %slice3A_172 = vector.extract_strided_slice %get3A_7 {offsets = [0, 320], sizes = [128, 32], strides = [1, 1]} : vector<128x384xbf16> to vector<128x32xbf16>
    %dot_general3A_173 = arith.constant dense<0.000000e+00> : vector<32x128xf32>
    %dot_general3A_174 = tpu.matmul %convert_element_type3A_15, %slice3A_172, %dot_general3A_173 {dimension_numbers = #tpu.dot_dimension_numbers<[1], [1], [0], [0], [0, 0, 1, 0], [], []>, transpose_lhs_hint = false} : vector<32x32xbf16>, vector<128x32xbf16>, vector<32x128xf32> -> vector<32x128xf32>
    %mul3A_175 = vector.broadcast %rsqrt3A : vector<1x128xf32> to vector<32x128xf32>
    %mul3A_176 = arith.mulf %dot_general3A_174, %mul3A_175 : vector<32x128xf32>
    %add3A_177 = vector.broadcast %reshape3A : vector<32x1xf32> to vector<32x128xf32>
    %add3A_178 = arith.addf %mul3A_176, %add3A_177 : vector<32x128xf32>
    %max3A_179 = arith.constant 0.000000e+00 : f32
    %max3A_180 = vector.broadcast %max3A_179 : f32 to vector<32x128xf32>
    %max3A_181 = arith.maximumf %add3A_178, %max3A_180 : vector<32x128xf32>
    %swap3A_182 = arith.constant 0 : index
    %swap3A_183 = arith.constant 10 : index
    %swap3A_184 = arith.constant 0 : index
    %swap3A_185 = vector.load %arg4[%swap3A_182, %swap3A_183, %swap3A_184] : memref<32x12x128xf32, #tpu.memory_space<vmem>>, vector<32x1x128xf32>
    %swap3A_186 = vector.shape_cast %swap3A_185 : vector<32x1x128xf32> to vector<32x128xf32>
    %swap3A_187 = vector.shape_cast %max3A_181 : vector<32x128xf32> to vector<32x1x128xf32>
    tpu.vector_store %arg4[%swap3A_182, %swap3A_183, %swap3A_184], %swap3A_187 {strides = array<i32>} : memref<32x12x128xf32, #tpu.memory_space<vmem>>, vector<32x1x128xf32>,
    %slice3A_188 = vector.extract_strided_slice %get3A_7 {offsets = [0, 352], sizes = [128, 32], strides = [1, 1]} : vector<128x384xbf16> to vector<128x32xbf16>
    %dot_general3A_189 = arith.constant dense<0.000000e+00> : vector<32x128xf32>
    %dot_general3A_190 = tpu.matmul %convert_element_type3A_15, %slice3A_188, %dot_general3A_189 {dimension_numbers = #tpu.dot_dimension_numbers<[1], [1], [0], [0], [0, 0, 1, 0], [], []>, transpose_lhs_hint = false} : vector<32x32xbf16>, vector<128x32xbf16>, vector<32x128xf32> -> vector<32x128xf32>
    %mul3A_191 = vector.broadcast %rsqrt3A : vector<1x128xf32> to vector<32x128xf32>
    %mul3A_192 = arith.mulf %dot_general3A_190, %mul3A_191 : vector<32x128xf32>
    %add3A_193 = vector.broadcast %reshape3A : vector<32x1xf32> to vector<32x128xf32>
    %add3A_194 = arith.addf %mul3A_192, %add3A_193 : vector<32x128xf32>
    %max3A_195 = arith.constant 0.000000e+00 : f32
    %max3A_196 = vector.broadcast %max3A_195 : f32 to vector<32x128xf32>
    %max3A_197 = arith.maximumf %add3A_194, %max3A_196 : vector<32x128xf32>
    %swap3A_198 = arith.constant 0 : index
    %swap3A_199 = arith.constant 11 : index
    %swap3A_200 = arith.constant 0 : index
    %swap3A_201 = vector.load %arg4[%swap3A_198, %swap3A_199, %swap3A_200] : memref<32x12x128xf32, #tpu.memory_space<vmem>>, vector<32x1x128xf32>
    %swap3A_202 = vector.shape_cast %swap3A_201 : vector<32x1x128xf32> to vector<32x128xf32>
    %swap3A_203 = vector.shape_cast %max3A_197 : vector<32x128xf32> to vector<32x1x128xf32>
    tpu.vector_store %arg4[%swap3A_198, %swap3A_199, %swap3A_200], %swap3A_203 {strides = array<i32>} : memref<32x12x128xf32, #tpu.memory_space<vmem>>, vector<32x1x128xf32>,
    return
  }
  func.func @transform_0(%arg0: i32) -> (i32, i32) {
    %c0_i32 = arith.constant 0 : i32
    %c0_i32_0 = arith.constant 0 : i32
    return %arg0, %c0_i32 : i32, i32
  }
  func.func @transform_1(%arg0: i32) -> (i32, i32) {
    %c0_i32 = arith.constant 0 : i32
    %c0_i32_0 = arith.constant 0 : i32
    return %c0_i32, %arg0 : i32, i32
  }
  func.func @transform_2(%arg0: i32) -> (i32, i32) {
    %c0_i32 = arith.constant 0 : i32
    %c0_i32_0 = arith.constant 0 : i32
    %c0_i32_1 = arith.constant 0 : i32
    return %c0_i32, %c0_i32_0 : i32, i32
  }
  func.func @transform_3(%arg0: i32) -> (i32, i32, i32) {
    %c0_i32 = arith.constant 0 : i32
    %c0_i32_0 = arith.constant 0 : i32
    %c0_i32_1 = arith.constant 0 : i32
    return %c0_i32, %c0_i32_0, %arg0 : i32, i32, i32
  }
}

</mosaic_0001>

<sc_bundles>
// kernel: kernel.6.cloned.1.call-start
scs
__scs_entry_jumppad:
0x0: {  	(pc) =	sbr.rel $0x88, $3  }
0x1: {  	(tag) =	ssettag $0x0;
	lr =	simm.s32 $0x1  }
0x2: {  	[smem:$0x3F9D] =	sst lr;
	_ =	strace $0xD0000000  }
0x3: {  	_ = 	snop  }
0x4: {  	_ = 	snop  }
0x5: {  	_ = 	snop  }
0x6: {  	_ = 	snop  }
0x7: {  	_ = 	snop  }
__scs_overlays_trampoline_lowered:
0x8: {  	[smem:$0x3FAC] =	sst s0  }
0x9: {  	[smem:$0x3FAD] =	sst s1  }
0xa: {  	[smem:$0x3FAE] =	sst s2  }
0xb: {  	[smem:$0x3FAF] =	sst s3  }
0xc: {  	[smem:$0x3FB0] =	sst s4  }
0xd: {  	[smem:$0x3FB1] =	sst s5  }
0xe: {  	[smem:$0x3FB2] =	sst s6  }
0xf: {  	[smem:$0x3FB3] =	sst s7  }
0x10: {  	[smem:$0x3FB4] =	sst s8  }
0x11: {  	[smem:$0x3FB5] =	sst s9;
	s0 =	simm.s32 @!p0 $0x0  }
0x12: {  	s1 =	sld [smem:$0x3F9B];
	s0 =	simm.s32 @p0 $0x1  }
0x13: {  	[smem:$0x3FB6] =	sst s0;
	s0 =	simm.s32 @!p1 $0x0  }
0x14: {  	s2 =	sld [smem:$0x3F9A];
	s0 =	simm.s32 @p1 $0x1  }
0x15: {  	[smem:$0x3FB7] =	sst s0;
	s0 =	simm.s32 @!p2 $0x0  }
0x16: {  	s3 =	sld [smem:$0x3FDB];
	s0 =	simm.s32 @p2 $0x1  }
0x17: {  	s4 =	simm.s32 $0x1BF5;
	[smem:$0x3FB9] =	sst s0  }
0x18: {  	s0 =	sld [smem:$0x3F9C];
	_ =	swait.ge [sflag:s4], $0x0  }
0x19: {  	s7 =	sld [smem:$0x3F9D]  }
0x1a: {  	s8 =	sadd.s32 $0xFFFFE003, lr  }
0x1b: {  	s9 =	sadd.s32 $0xFFFFFEF7, lr;
	s5 =	simm.s32 $0xFFFFFFFF;
	p2 =	slt.u32 s8, $0xFFFFF086  }
0x1c: {  	p1 =	slt.u32 s9, $0xF7A;
	s5 =	simm.s32 @!p2 $0x0  }
0x1d: {  	s5 =	simm.s32 @p1 $0x1;
	p0 =	seq.s32 s7, s2  }
0x1e: {  	s7 =	smul.u32 @!p0 $0xF7A, s2;
	p2 =	seq.s32 @!p0 s5, $0x0  }
0x1f: {  	s9 =	smul.u32 $0xF7A, s1;
	s8 =	simm.s32 @!p0 $0x1BF5;
	p2 =	por !p2, p0  }
0x20: {  	[sflag:s8] =	ssyncset.s32 @!p0 $0xFFFFF086;
	s6 =	sadd.s32 @!p0 s3, s7;
	s7 =	simm.s32 @!p0 $0x108  }
0x21: {  	s3 =	sadd.s32 s3, s9;
	s6 =	sadd.s32 @!p0 $0x88, s6;
	s7 =	simm.s32 @p2 $0x1082  }
0x22: {  	[simem:s7], [sflag:s8] =	dma.local @!p0 [hbm:s6], $0xF7A  }
0x23: {  	s9 =	sor.u32 $0xD0000000, s2;
	s6 =	simm.s32 $0x108;
	_ =	swait.ge @!p0 [sflag:s8], $0x0  }
0x24: {  	s3 =	sadd.s32 $0x88, s3;
	s6 =	simm.s32 @!p1 $0x1082;
	[sflag:s4] =	ssyncset.s32 $0xFFFFF086  }
0x25: {  	[simem:s6], [sflag:s4] =	dma.local [hbm:s3], $0xF7A  }
0x26: {  	[smem:$0x3F9D] =	sst s1;
	(tag) =	ssettag s2;
	_ =	strace s9  }
0x27: {  	s1 =	sld [smem:$0x3FAD]  }
0x28: {  	s2 =	sld [smem:$0x3FAE]  }
0x29: {  	s4 =	sld [smem:$0x3FB0]  }
0x2a: {  	p0 =	seq.s32 s5, $0x0;
	s5 =	sld [smem:$0x3FB1]  }
0x2b: {  	s6 =	sld [smem:$0x3FB2]  }
0x2c: {  	s7 =	sld [smem:$0x3FB3]  }
0x2d: {  	s3 =	simm.s32 $0x108;
	s8 =	sld [smem:$0x3FB4]  }
0x2e: {  	s3 =	simm.s32 @!p0 $0x1082;
	s9 =	sld [smem:$0x3FB5]  }
0x2f: {  	lr =	sadd.s32 s0, s3;
	s0 =	sld [smem:$0x3FAC]  }
0x30: {  	s3 =	sld [smem:$0x3FAF]  }
0x31: {  	[smem:$0x3FB8] =	sst s10  }
0x32: {  	s10 =	sld [smem:$0x3FB6];
	_ =	sdelay $0x3  }
0x33: {  	p0 =	seq.s32 s10, $0x1;
	s10 =	sld [smem:$0x3FB8];
	_ =	sdelay $0x3  }
0x34: {  	[smem:$0x3FB8] =	sst s10  }
0x35: {  	s10 =	sld [smem:$0x3FB7];
	_ =	sdelay $0x3  }
0x36: {  	p1 =	seq.s32 s10, $0x1;
	s10 =	sld [smem:$0x3FB8];
	_ =	sdelay $0x3  }
0x37: {  	[smem:$0x3FB8] =	sst s10  }
0x38: {  	s10 =	sld [smem:$0x3FB9]  }
0x39: {  	_ = 	snop;
	(pc) =	sbr.ind lr, $3  }
0x3a: {  	_ = 	snop  }
0x3b: {  	_ = 	snop  }
0x3c: {  	p2 =	seq.s32 s10, $0x1;
	s10 =	sld [smem:$0x3FB8]  }
0x3d: {  	_ =	shalt  }
0x3e: {  	_ =	shalt  }
0x3f: {  	_ =	shalt  }
0x40: {  	_ =	shalt  }
0x41: {  	_ =	shalt  }
0x42: {  	_ =	shalt  }
0x43: {  	_ =	shalt  }
0x44: {  	_ =	shalt  }
0x45: {  	_ =	shalt  }
0x46: {  	_ =	shalt  }
0x47: {  	_ =	shalt  }
0x48: {  	_ =	shalt  }
0x49: {  	_ =	shalt  }
0x4a: {  	_ =	shalt  }
0x4b: {  	_ =	shalt  }
0x4c: {  	_ =	shalt  }
0x4d: {  	_ =	shalt  }
0x4e: {  	_ =	shalt  }
0x4f: {  	_ =	shalt  }
0x50: {  	_ =	shalt  }
0x51: {  	_ =	shalt  }
0x52: {  	_ =	shalt  }
0x53: {  	_ =	shalt  }
0x54: {  	_ =	shalt  }
0x55: {  	_ =	shalt  }
0x56: {  	_ =	shalt  }
0x57: {  	_ =	shalt  }
0x58: {  	_ =	shalt  }
0x59: {  	_ =	shalt  }
0x5a: {  	_ =	shalt  }
0x5b: {  	_ =	shalt  }
0x5c: {  	_ =	shalt  }
0x5d: {  	_ =	shalt  }
0x5e: {  	_ =	shalt  }
0x5f: {  	_ =	shalt  }
0x60: {  	_ =	shalt  }
0x61: {  	_ =	shalt  }
0x62: {  	_ =	shalt  }
0x63: {  	_ =	shalt  }
0x64: {  	_ =	shalt  }
0x65: {  	_ =	shalt  }
0x66: {  	_ =	shalt  }
0x67: {  	_ =	shalt  }
0x68: {  	_ =	shalt  }
0x69: {  	_ =	shalt  }
0x6a: {  	_ =	shalt  }
0x6b: {  	_ =	shalt  }
0x6c: {  	_ =	shalt  }
0x6d: {  	_ =	shalt  }
0x6e: {  	_ =	shalt  }
0x6f: {  	_ =	shalt  }
0x70: {  	_ =	shalt  }
0x71: {  	_ =	shalt  }
0x72: {  	_ =	shalt  }
0x73: {  	_ =	shalt  }
0x74: {  	_ =	shalt  }
0x75: {  	_ =	shalt  }
0x76: {  	_ =	shalt  }
0x77: {  	_ =	shalt  }
0x78: {  	_ =	shalt  }
0x79: {  	_ =	shalt  }
0x7a: {  	_ =	shalt  }
0x7b: {  	_ =	shalt  }
0x7c: {  	_ =	shalt  }
0x7d: {  	_ =	shalt  }
0x7e: {  	_ =	shalt  }
0x7f: {  	_ =	shalt  }
0x80: {  	_ =	shalt  }
0x81: {  	_ =	shalt  }
0x82: {  	_ =	shalt  }
0x83: {  	_ =	shalt  }
0x84: {  	_ =	shalt  }
0x85: {  	_ =	shalt  }
0x86: {  	_ =	shalt  }
0x87: {  	_ =	shalt  }
.Lfunc_end0:
.L_simem_size_0:
called_computation_lowered:
.L_overlay_start_0:
0x88: {  	s2 =	sld [smem:$0x3FD9]  }
0x89: {  	s3 =	sld [smem:$0x3FFE];
	_ =	sdelay $0x1  }
0x8a: {  	s1 =	srdreg.scid  }
0x8b: {  	s0 =	sand.u32 $0x1, s1  }
0x8c: {  	s17 =	sshll.u32 s0, $0xA;
	s2 =	sadd.s32 s3, s2  }
0x8d: {  	s2 =	sadd.s32 s2, s17  }
0x8e: {  	[smem:$0x3FC4] =	sst s2  }
0x8f: {  	_ = 	snop  }
0x90: {  	s2 =	sld [smem:$0x3FD0];
	(tm) =	ssettm $0x1  }
0x91: {  	s18 =	sld [smem:$0x3FFB];
	_ =	sdelay $0x3  }
0x92: {  	_ =	strace s18  }
0x93: {  	s3 =	sld [smem:$0x3FFC];
	_ =	sdelay $0x3  }
0x94: {  	_ =	strace s3  }
0x95: {  	s3 =	sld [smem:$0x3FFD];
	_ =	sdelay $0x3  }
0x96: {  	_ =	strace s3  }
0x97: {  	_ =	strace $0x8FFFFFFF  }
0x98: {  	s19 =	sld [smem:$0x3FDB];
	_ =	sdelay $0x1  }
0x99: {  	s4 =	simm.s32 $_scs_section_size  }
0x9a: {  	s5 =	simm.s32 $_size__tile_overlayer_lowered;
	s6 =	simm.s32 $_tile_overlayer_lowered  }
0x9b: {  	s22 =	simm.s32 $0x1BFF;
	s21 =	sshll.u32 s6, $0x1;
	s3 =	sadd.s32 s4, s19  }
0x9c: {  	s7 =	simm.s32 $0x0;
	s20 =	sshll.u32 s5, $0x1;
	s5 =	sadd.s32 s21, s3  }
0x9d: {  	[timem:s7], [sflag:s22] =	dma.local [hbm:s5], s20  }
0x9e: {  	_ =	swait.ge [sflag:s22], s20  }
0x9f: {  	s4 =	ssub.s32 $0x0, s20;
	[sflag:s22] =	ssyncset.done $0x0  }
0xa0: {  	[sflag:s22] =	ssyncadd.s32 s4;
	_ =	sdelay $0x1  }
0xa1: {  	s23 =	simm.s32 $0x1B8B  }
0xa2: {  	_ =	swait.ge [sflag:s23], $0x1  }
0xa3: {  	[sflag:s23] =	ssyncset.done $0x0  }
0xa4: {  	s25 =	simm.s32 $0x1B8E;
	s24 =	sld [smem:$0x3FFE];
	[sflag:s23] =	ssyncadd.s32 $0xFFFFFFFF  }
0xa5: {  	s26 =	simm.s32 $execute0_lowered;
	[smem:$0x3FD2] =	sst s25  }
0xa6: {  	s5 =	sshll.u32 s26, $0x1;
	_ =	strace $0x80000046;
	[dreg:$0x1] =	wrdreg $0xFFFFFFFF  }
0xa7: {  	s28 =	simm.s32 $_size_execute0_lowered;
	s3 =	sadd.s32 s3, s5;
	[dreg:$0x0] =	wrdreg $0x0  }
0xa8: {  	s5 =	sshll.u32 s28, $0x1;
	[dreg:$0x2] =	wrdreg s3  }
0xa9: {  	[dreg:$0x3] =	wrdreg s5  }
0xaa: {  	[dreg:$0x4] =	wrdreg $0xC0  }
0xab: {  	_ =	task [dreg:s7], $0x5FFFF  }
0xac: {  	[dreg:$0x1] =	wrdreg $0xFFFFFFFF  }
0xad: {  	[dreg:$0x0] =	wrdreg $0x60  }
0xae: {  	[dreg:$0x2] =	wrdreg s24  }
0xaf: {  	[dreg:$0x3] =	wrdreg s2  }
0xb0: {  	[dreg:$0x4] =	wrdreg $0x8C000  }
0xb1: {  	[dreg:$0x5] =	wrdreg $0xB4000  }
0xb2: {  	[dreg:$0x6] =	wrdreg $0x9  }
0xb3: {  	_ =	task.clear_ibuf [dreg:s7], $0x7FFFF;
	_ =	strace $0x90000046  }
0xb4: {  	s29 =	simm.s32 $0x9;
	_ =	strace $0x80000048  }
0xb5: {  	_ =	swait.ge [sflag:s29], $0x1  }
0xb6: {  	[sflag:s29] =	ssyncadd.s32 $0xFFFFFFFF  }
0xb7: {  	_ =	strace $0x90000048  }
0xb8: {  	_ =	sfence  }
0xb9: {  	s30 =	sld [smem:$0x0];
	_ =	sdelay $0x2  }
0xba: {  	s31 =	sshll.u32 s1, $0xD;
	s1 =	sshrl.u32 s1, $0x2  }
0xbb: {  	s3 =	sand.u32 $0x4000, s31;
	s1 =	sadd.s32 s1, s30  }
0xbc: {  	s0 =	sor.u32 s3, s0;
	s1 =	sshll.u32 s1, $0x11  }
0xbd: {  	s0 =	sor.u32 s1, s0  }
0xbe: {  	s0 =	sadd.s32 $0x8F2B, s0  }
0xbf: {  	[sflag:s0] =	ssyncadd.remote.s32 $0x1  }
0xc0: {  	_ =	sfence.sel $0xFFFF  }
0xc1: {  	[dreg:$0x0] =	wrdreg $0xFFFFFFFF;
	(pc) =	sbr.abs _section_cstart, $3  }
0xc2: {  	[dreg:$0x1] =	wrdreg $0xFFFFFFFF  }
0xc3: {  	_ =	task.clear_ibuf [dreg:s7], $0x2FFFF;
	_ =	strace $0x9FFFFFFF  }
0xc4: {  	(tm) =	ssettm $0x7FFFFFFF  }
0xc5: {  	_ =	shalt  }
tec
execute0_lowered:
.L_overlay_start_1:
0x0: {  	(tag) =	ssettag $0x1  }
0x1: {  	s3 =	rddreg [dreg:$0x0]  }
0x2: {  	s8 =	rddreg [dreg:$0x1]  }
0x3: {  	s1 =	srdreg.scid;
	s7 =	rddreg [dreg:$0x2]  }
0x4: {  	s0 =	stileid.u32;
	s10 =	rddreg [dreg:$0x3];
	s2 =	simm.s32 $0x0  }
0x5: {  	s17 =	simm.s32 $0x2800;
	s18 =	simm.s32 $0x6400;
	s11 =	smul.u32 $0x280, s0  }
0x6: {  	s19 =	simm.s32 $0x0;
	s9 =	sand.u32 $0x1, s1;
	s13 =	smul.u32 $0x2800, s0  }
0x7: {  	s30 =	sshll.u32 s0, $0x1;
	[smem:$0x7FF] =	sst s2;
	s5 =	smul.u32 $0x2800, s9  }
0x8: {  	s1 =	sor.u32 s9, s30;
	s6 =	ssub.s32 $0x2, s9;
	s16 =	smul.u32 $0x1400, s9  }
0x9: {  	s4 =	smul.u32 $0x1400, s1;
	s1 =	rddreg [dreg:$0x4];
	_ =	strace $0x80000047  }
0xa: {  	s31 =	sshrl.u32 s6, $0x1;
	s9 =	sadd.s32 s11, s10;
	s5 =	sadd.s32 s11, s5  }
0xb: {  	s15 =	ssub.s32 s6, s31;
	s6 =	sadd.s32 s13, s10;
	s4 =	sshrl.u32 s4, $0x3  }
0xc: {  	s12 =	sshrl.u32 s5, $0x3;
	s5 =	sadd.s32 s13, s7;
	s7 =	sadd.s32 s11, s7  }
0xd: {  	s11 =	smax.u32 s15, $0x1;
	s15 =	simm.s32 $0x3C00;
	s4 =	sadd.s32 s4, s3  }
0xe: {  	s14 =	sadd.s32 s12, s3;
	s8 =	sadd.s32 s8, s12;
	s12 =	sadd.s32 s16, s13  }
0xf: {  	s13 =	simm.s32 $0x1;
	s16 =	simm.s32 $0x280;
	s3 =	sadd.s32 $0xE00, s4  }
0x10: {  	v0 =	vimm.f32 $0.0e+00;
	v1 =	vimm.f32 $1.000000000e+00;
	s4 =	sadd.s32 $0x5E00, s4;
	s10 =	sadd.s32 $0xAE00, s14;
	s14 =	simm.s32 $0x1400  }
.LBB2_1:
0x11: {  	s20 =	simm.s32 $0x40;
	s21 =	simm.s32 $0x0  }
.LBB2_2:
0x12: {  	p0 =	sne.s32 s20, $0x9FC0;
	[tilespmem:s21+$0x1400] =	vst v0;
	s22 =	smov.u32 s20;
	s20 =	sadd.s32 $0x40, s20  }
.Ltmp0:
0x13: {  	[tilespmem:s21+$0x3C00] =	vst v0;
	(pc) =	sbr.rel @p0 .LBB2_2-.Ltmp0, $2  }
0x14: {  	_ =	sdelay $0x2  }
0x15: {  	s21 =	sshra.s32 s22, $0x2  }
0x16: {  	[tilespmem:s21+$0x1400] =	vst v0  }
0x17: {  	[tilespmem:s21+$0x3C00] =	vst v0;
	s20 =	simm.s32 $0x0  }
0x18: {  	[tilespmem:s20], [sflag:$0x1] =	stream.linear.gather [hbm4b:s3+s20], $0x1400, $0x38;
	[tilespmem:$0xDC00] =	vst v63  }
0x19: {  	_ =	swait.ge [sflag:s13], $0x1400  }
0x1a: {  	[sflag:s13] =	ssyncset.done $0x0  }
0x1b: {  	s31 =	simm.s32 $0x0;
	[sflag:s13] =	ssyncadd.s32 $0xFFFFEC00  }
0x1c: {  	v2 =	vld [tilespmem:s31+$0x0];
	_ =	sdelay $0x3  }
0x1d: {  	p0 =	sgt.u32 s12, $0x270FF  }
0x1e: {  	v2 =	vpsel p0, $0x2720, v2;
	_ =	sdelay $0x4  }
0x1f: {  	s22 =	simm.s32 $0x10;
	s21 =	simm.s32 $0x80;
	s20 =	smov.u32 s12;
	[tilespmem:v2+s14+$0x0] =	vst.idx.add.f32.msk $0xffff, v1  }
.LBB2_4:
0x20: {  	p1 =	sne.s32 s21, $0x4FC0;
	v2 =	vld [tilespmem:s22+$0x0];
	_ =	sdelay $0x2  }
0x21: {  	s20 =	sadd.s32 $0x10, s20  }
0x22: {  	p2 =	sgt.u32 s20, $0x270FF  }
0x23: {  	v2 =	vpsel p2, $0x2720, v2  }
.Ltmp1:
0x24: {  	(pc) =	sbr.rel @p1 .LBB2_4-.Ltmp1, $2  }
0x25: {  	_ =	sdelay $0x2  }
0x26: {  	s22 =	sshra.s32 s21, $0x2;
	s21 =	sadd.s32 $0x40, s21;
	[tilespmem:v2+s14+$0x0] =	vst.idx.add.f32.msk $0xffff, v1  }
0x27: {  	v2 =	vld [tilespmem:s22+$0x0];
	_ =	sdelay $0x2  }
0x28: {  	s20 =	sadd.s32 $0x10, s20  }
0x29: {  	p1 =	sgt.u32 s20, $0x270FF  }
0x2a: {  	v2 =	vpsel p1, $0x2720, v2;
	_ =	sdelay $0x4  }
0x2b: {  	s30 =	simm.s32 $0x0;
	[tilespmem:v2+s14+$0x0] =	vst.idx.add.f32.msk $0xffff, v1  }
0x2c: {  	[tilespmem:s30], [sflag:$0x1] =	stream.linear.gather [hbm4b:s4+s30], $0x1400, $0x38;
	[tilespmem:$0xDC00] =	vst v63  }
0x2d: {  	_ =	swait.ge [sflag:s13], $0x1400  }
0x2e: {  	[sflag:s13] =	ssyncset.done $0x0  }
0x2f: {  	s31 =	simm.s32 $0x0;
	[sflag:s13] =	ssyncadd.s32 $0xFFFFEC00  }
0x30: {  	v2 =	vld [tilespmem:s31+$0x0];
	_ =	sdelay $0x4  }
0x31: {  	v2 =	vpsel p0, $0x2720, v2;
	_ =	sdelay $0x4  }
0x32: {  	s22 =	simm.s32 $0x10;
	s21 =	simm.s32 $0x80;
	s20 =	smov.u32 s12;
	[tilespmem:v2+s15+$0x0] =	vst.idx.add.f32.msk $0xffff, v1  }
.LBB2_6:
0x33: {  	p0 =	sne.s32 s21, $0x4FC0;
	v2 =	vld [tilespmem:s22+$0x0];
	_ =	sdelay $0x2  }
0x34: {  	s20 =	sadd.s32 $0x10, s20  }
0x35: {  	p1 =	sgt.u32 s20, $0x270FF  }
0x36: {  	v2 =	vpsel p1, $0x2720, v2  }
.Ltmp2:
0x37: {  	(pc) =	sbr.rel @p0 .LBB2_6-.Ltmp2, $2  }
0x38: {  	_ =	sdelay $0x2  }
0x39: {  	s22 =	sshra.s32 s21, $0x2;
	s21 =	sadd.s32 $0x40, s21;
	[tilespmem:v2+s15+$0x0] =	vst.idx.add.f32.msk $0xffff, v1  }
0x3a: {  	v2 =	vld [tilespmem:s22+$0x0];
	_ =	sdelay $0x2  }
0x3b: {  	s20 =	sadd.s32 $0x10, s20  }
0x3c: {  	p0 =	sgt.u32 s20, $0x270FF  }
0x3d: {  	v2 =	vpsel p0, $0x2720, v2;
	_ =	sdelay $0x4  }
0x3e: {  	[tilespmem:v2+s15+$0x0] =	vst.idx.add.f32.msk $0xffff, v1  }
0x3f: {  	[spmem:s5] =	stream.linear.scatter [tilespmem:s14], [sflag:$0x1], $0x2800, $0x38;
	[tilespmem:$0xDC00] =	vst v63  }
0x40: {  	_ =	swait.ge [sflag:s13], $0x2800  }
0x41: {  	[sflag:s13] =	ssyncset.done $0x0  }
0x42: {  	[sflag:s13] =	ssyncadd.s32 $0xFFFFD800  }
0x43: {  	[spmem:s6] =	stream.linear.scatter [tilespmem:s15], [sflag:$0x1], $0x2800, $0x38;
	[tilespmem:$0xDC00] =	vst v63  }
0x44: {  	_ =	swait.ge [sflag:s13], $0x2800  }
0x45: {  	[sflag:s13] =	ssyncset.done $0x0  }
0x46: {  	[sflag:s13] =	ssyncadd.s32 $0xFFFFD800  }
0x47: {  	[bflag:$0x0] =	sbarrier.arrive $0xFFFF  }
0x48: {  	[tilespmem:s18], [sflag:$0x1] =	stream.strided.gather [spmem:s7], $0x2800, s17, s16, $0x38;
	[tilespmem:$0xDC00] =	vst v63  }
0x49: {  	_ =	swait.ge [sflag:s13], $0x2800  }
0x4a: {  	[sflag:s13] =	ssyncset.done $0x0  }
0x4b: {  	s21 =	simm.s32 $0x0;
	[sflag:s13] =	ssyncadd.s32 $0xFFFFD800  }
0x4c: {  	v2 =	vld [tilespmem:s21+$0x6400]  }
0x4d: {  	v3 =	vld [tilespmem:s21+$0x6680];
	_ =	sdelay $0x1  }
0x4e: {  	v4 =	vld [tilespmem:s21+$0x6900];
	_ =	sdelay $0x1  }
0x4f: {  	v5 =	vld [tilespmem:s21+$0x6B80]  }
0x50: {  	v2 =	vadd.f32 v3, v2  }
0x51: {  	v3 =	vld [tilespmem:s21+$0x6E00]  }
0x52: {  	v2 =	vadd.f32 v4, v2  }
0x53: {  	v4 =	vld [tilespmem:s21+$0x7080]  }
0x54: {  	v2 =	vadd.f32 v5, v2  }
0x55: {  	v5 =	vld [tilespmem:s21+$0x7300]  }
0x56: {  	v2 =	vadd.f32 v3, v2  }
0x57: {  	v3 =	vld [tilespmem:s21+$0x7580]  }
0x58: {  	s20 =	simm.s32 $0x10;
	v6 =	vld [tilespmem:s21+$0x7800];
	v2 =	vadd.f32 v4, v2  }
0x59: {  	v7 =	vld [tilespmem:s20+$0x6400]  }
0x5a: {  	v4 =	vld [tilespmem:s21+$0x7A80];
	v2 =	vadd.f32 v5, v2  }
0x5b: {  	v5 =	vld [tilespmem:s20+$0x6680]  }
0x5c: {  	v8 =	vld [tilespmem:s20+$0x6900];
	v2 =	vadd.f32 v3, v2  }
0x5d: {  	v3 =	vld [tilespmem:s21+$0x7D00]  }
0x5e: {  	v9 =	vld [tilespmem:s20+$0x6B80];
	v2 =	vadd.f32 v6, v2  }
0x5f: {  	v6 =	vld [tilespmem:s21+$0x7F80]  }
0x60: {  	v5 =	vadd.f32 v5, v7;
	v7 =	vld [tilespmem:s20+$0x6E00];
	v2 =	vadd.f32 v4, v2  }
0x61: {  	v4 =	vld [tilespmem:s21+$0x8200]  }
0x62: {  	v5 =	vadd.f32 v8, v5;
	v8 =	vld [tilespmem:s20+$0x7080];
	v2 =	vadd.f32 v3, v2  }
0x63: {  	v3 =	vld [tilespmem:s21+$0x8480]  }
0x64: {  	v10 =	vld [tilespmem:s20+$0x7300];
	v5 =	vadd.f32 v9, v5;
	v2 =	vadd.f32 v6, v2  }
0x65: {  	v9 =	vld [tilespmem:s21+$0x8700]  }
0x66: {  	v6 =	vadd.f32 v7, v5;
	v5 =	vld [tilespmem:s20+$0x7580];
	v7 =	vadd.f32 v4, v2  }
0x67: {  	v4 =	vld [tilespmem:s21+$0x8980]  }
0x68: {  	v2 =	vld [tilespmem:s20+$0x7A80];
	v8 =	vadd.f32 v8, v6;
	v11 =	vadd.f32 v3, v7  }
0x69: {  	s22 =	simm.s32 $0x20;
	v6 =	vld [tilespmem:s20+$0x7800]  }
0x6a: {  	s23 =	simm.s32 $0xC0;
	v3 =	vld [tilespmem:s22+$0x6400];
	v7 =	vadd.f32 v10, v8;
	v8 =	vadd.f32 v9, v11  }
.LBB2_8:
0x6b: {  	p0 =	sne.s32 s23, $0x9C0;
	v9 =	vld [tilespmem:s22+$0x6680]  }
0x6c: {  	v5 =	vadd.f32 v5, v7;
	v7 =	vld [tilespmem:s20+$0x7D00];
	v4 =	vadd.f32 v4, v8  }
0x6d: {  	v8 =	vld [tilespmem:s22+$0x6900]  }
0x6e: {  	v5 =	vadd.f32 v6, v5;
	v6 =	vld [tilespmem:s20+$0x7F80];
	[tilespmem:s21+$0x1400] =	vst v4;
	s21 =	smov.u32 s20;
	s20 =	smov.u32 s22  }
0x6f: {  	v4 =	vld [tilespmem:s20+$0x6B80]  }
0x70: {  	v3 =	vadd.f32 v9, v3;
	v2 =	vadd.f32 v2, v5;
	v5 =	vld [tilespmem:s21+$0x8200]  }
0x71: {  	v9 =	vld [tilespmem:s20+$0x6E00]  }
0x72: {  	v3 =	vadd.f32 v8, v3;
	v2 =	vadd.f32 v7, v2;
	v7 =	vld [tilespmem:s21+$0x8480]  }
0x73: {  	v8 =	vld [tilespmem:s20+$0x7080]  }
0x74: {  	v3 =	vadd.f32 v4, v3;
	v2 =	vadd.f32 v6, v2;
	v10 =	vld [tilespmem:s21+$0x8700]  }
0x75: {  	v11 =	vld [tilespmem:s20+$0x7300]  }
.Ltmp3:
0x76: {  	v3 =	vadd.f32 v9, v3;
	v6 =	vadd.f32 v5, v2;
	v4 =	vld [tilespmem:s21+$0x8980];
	(pc) =	sbr.rel @p0 .LBB2_8-.Ltmp3, $4  }
0x77: {  	v5 =	vld [tilespmem:s20+$0x7580]  }
0x78: {  	v8 =	vadd.f32 v8, v3;
	v2 =	vld [tilespmem:s20+$0x7A80];
	v9 =	vadd.f32 v7, v6  }
0x79: {  	s22 =	sshra.s32 s23, $0x2;
	v6 =	vld [tilespmem:s20+$0x7800]  }
0x7a: {  	s23 =	sadd.s32 $0x40, s23;
	v3 =	vld [tilespmem:s22+$0x6400];
	v7 =	vadd.f32 v11, v8;
	v8 =	vadd.f32 v10, v9  }
0x7b: {  	v9 =	vld [tilespmem:s22+$0x6680]  }
0x7c: {  	v10 =	vld [tilespmem:s20+$0x7D00];
	v4 =	vadd.f32 v4, v8  }
0x7d: {  	v8 =	vld [tilespmem:s22+$0x6900]  }
0x7e: {  	v11 =	vld [tilespmem:s20+$0x7F80];
	v5 =	vadd.f32 v5, v7;
	[tilespmem:s21+$0x1400] =	vst v4  }
0x7f: {  	v4 =	vld [tilespmem:s22+$0x6B80]  }
0x80: {  	v5 =	vadd.f32 v6, v5;
	v3 =	vadd.f32 v9, v3  }
0x81: {  	v6 =	vld [tilespmem:s22+$0x6E00]  }
0x82: {  	v7 =	vld [tilespmem:s22+$0x7080];
	v2 =	vadd.f32 v2, v5;
	v3 =	vadd.f32 v8, v3  }
0x83: {  	v5 =	vld [tilespmem:s20+$0x8200]  }
0x84: {  	v2 =	vadd.f32 v10, v2;
	v8 =	vld [tilespmem:s20+$0x8480];
	v3 =	vadd.f32 v4, v3  }
0x85: {  	v4 =	vld [tilespmem:s22+$0x7300]  }
0x86: {  	v9 =	vld [tilespmem:s20+$0x8700];
	v2 =	vadd.f32 v11, v2;
	v3 =	vadd.f32 v6, v3  }
0x87: {  	v6 =	vld [tilespmem:s22+$0x7580]  }
0x88: {  	v2 =	vadd.f32 v5, v2;
	v5 =	vld [tilespmem:s20+$0x8980];
	v3 =	vadd.f32 v7, v3  }
0x89: {  	v7 =	vld [tilespmem:s22+$0x7800]  }
0x8a: {  	v2 =	vadd.f32 v8, v2;
	v3 =	vadd.f32 v4, v3  }
0x8b: {  	v4 =	vld [tilespmem:s22+$0x7A80]  }
0x8c: {  	v2 =	vadd.f32 v9, v2;
	v3 =	vadd.f32 v6, v3  }
0x8d: {  	v6 =	vld [tilespmem:s22+$0x7D00]  }
0x8e: {  	v2 =	vadd.f32 v5, v2;
	v3 =	vadd.f32 v7, v3  }
0x8f: {  	v5 =	vld [tilespmem:s22+$0x7F80]  }
0x90: {  	[tilespmem:s20+$0x1400] =	vst v2;
	v2 =	vadd.f32 v4, v3  }
0x91: {  	v3 =	vld [tilespmem:s22+$0x8200]  }
0x92: {  	v2 =	vadd.f32 v6, v2  }
0x93: {  	v4 =	vld [tilespmem:s22+$0x8480]  }
0x94: {  	v2 =	vadd.f32 v5, v2  }
0x95: {  	v5 =	vld [tilespmem:s22+$0x8700]  }
0x96: {  	v2 =	vadd.f32 v3, v2  }
0x97: {  	v3 =	vld [tilespmem:s22+$0x8980]  }
0x98: {  	v2 =	vadd.f32 v4, v2;
	_ =	sdelay $0x1  }
0x99: {  	v2 =	vadd.f32 v5, v2;
	_ =	sdelay $0x1  }
0x9a: {  	v2 =	vadd.f32 v3, v2;
	_ =	sdelay $0x1  }
0x9b: {  	s31 =	simm.s32 $0x0;
	[tilespmem:s22+$0x1400] =	vst v2  }
0x9c: {  	[hbm4b:s8+s31] =	stream.linear.scatter [tilespmem:s14], [sflag:$0x1], $0x280, $0x38;
	[tilespmem:$0xDC00] =	vst v63  }
0x9d: {  	_ =	swait.ge [sflag:s13], $0x280  }
0x9e: {  	[sflag:s13] =	ssyncset.done $0x0  }
0x9f: {  	[sflag:s13] =	ssyncadd.s32 $0xFFFFFD80  }
0xa0: {  	[tilespmem:s18], [sflag:$0x1] =	stream.strided.gather [spmem:s9], $0x2800, s17, s16, $0x38;
	[tilespmem:$0xDC00] =	vst v63  }
0xa1: {  	_ =	swait.ge [sflag:s13], $0x2800  }
0xa2: {  	[sflag:s13] =	ssyncset.done $0x0  }
0xa3: {  	s21 =	simm.s32 $0x0;
	[sflag:s13] =	ssyncadd.s32 $0xFFFFD800  }
0xa4: {  	v2 =	vld [tilespmem:s21+$0x6400]  }
0xa5: {  	v3 =	vld [tilespmem:s21+$0x6680];
	_ =	sdelay $0x1  }
0xa6: {  	v4 =	vld [tilespmem:s21+$0x6900];
	_ =	sdelay $0x1  }
0xa7: {  	v5 =	vld [tilespmem:s21+$0x6B80]  }
0xa8: {  	v2 =	vadd.f32 v3, v2  }
0xa9: {  	v3 =	vld [tilespmem:s21+$0x6E00]  }
0xaa: {  	v2 =	vadd.f32 v4, v2  }
0xab: {  	v4 =	vld [tilespmem:s21+$0x7080]  }
0xac: {  	v2 =	vadd.f32 v5, v2  }
0xad: {  	v5 =	vld [tilespmem:s21+$0x7300]  }
0xae: {  	v2 =	vadd.f32 v3, v2  }
0xaf: {  	v3 =	vld [tilespmem:s21+$0x7580]  }
0xb0: {  	s20 =	simm.s32 $0x10;
	v6 =	vld [tilespmem:s21+$0x7800];
	v2 =	vadd.f32 v4, v2  }
0xb1: {  	v7 =	vld [tilespmem:s20+$0x6400]  }
0xb2: {  	v4 =	vld [tilespmem:s21+$0x7A80];
	v2 =	vadd.f32 v5, v2  }
0xb3: {  	v5 =	vld [tilespmem:s20+$0x6680]  }
0xb4: {  	v8 =	vld [tilespmem:s20+$0x6900];
	v2 =	vadd.f32 v3, v2  }
0xb5: {  	v3 =	vld [tilespmem:s21+$0x7D00]  }
0xb6: {  	v9 =	vld [tilespmem:s20+$0x6B80];
	v2 =	vadd.f32 v6, v2  }
0xb7: {  	v6 =	vld [tilespmem:s21+$0x7F80]  }
0xb8: {  	v5 =	vadd.f32 v5, v7;
	v7 =	vld [tilespmem:s20+$0x6E00];
	v2 =	vadd.f32 v4, v2  }
0xb9: {  	v4 =	vld [tilespmem:s21+$0x8200]  }
0xba: {  	v5 =	vadd.f32 v8, v5;
	v8 =	vld [tilespmem:s20+$0x7080];
	v2 =	vadd.f32 v3, v2  }
0xbb: {  	v3 =	vld [tilespmem:s21+$0x8480]  }
0xbc: {  	v10 =	vld [tilespmem:s20+$0x7300];
	v5 =	vadd.f32 v9, v5;
	v2 =	vadd.f32 v6, v2  }
0xbd: {  	v9 =	vld [tilespmem:s21+$0x8700]  }
0xbe: {  	v6 =	vadd.f32 v7, v5;
	v5 =	vld [tilespmem:s20+$0x7580];
	v7 =	vadd.f32 v4, v2  }
0xbf: {  	v4 =	vld [tilespmem:s21+$0x8980]  }
0xc0: {  	v2 =	vld [tilespmem:s20+$0x7A80];
	v8 =	vadd.f32 v8, v6;
	v11 =	vadd.f32 v3, v7  }
0xc1: {  	s22 =	simm.s32 $0x20;
	v6 =	vld [tilespmem:s20+$0x7800]  }
0xc2: {  	s23 =	simm.s32 $0xC0;
	v3 =	vld [tilespmem:s22+$0x6400];
	v7 =	vadd.f32 v10, v8;
	v8 =	vadd.f32 v9, v11  }
.LBB2_10:
0xc3: {  	p0 =	sne.s32 s23, $0x9C0;
	v9 =	vld [tilespmem:s22+$0x6680]  }
0xc4: {  	v5 =	vadd.f32 v5, v7;
	v7 =	vld [tilespmem:s20+$0x7D00];
	v4 =	vadd.f32 v4, v8  }
0xc5: {  	v8 =	vld [tilespmem:s22+$0x6900]  }
0xc6: {  	v5 =	vadd.f32 v6, v5;
	v6 =	vld [tilespmem:s20+$0x7F80];
	[tilespmem:s21+$0x3C00] =	vst v4;
	s21 =	smov.u32 s20;
	s20 =	smov.u32 s22  }
0xc7: {  	v4 =	vld [tilespmem:s20+$0x6B80]  }
0xc8: {  	v3 =	vadd.f32 v9, v3;
	v2 =	vadd.f32 v2, v5;
	v5 =	vld [tilespmem:s21+$0x8200]  }
0xc9: {  	v9 =	vld [tilespmem:s20+$0x6E00]  }
0xca: {  	v3 =	vadd.f32 v8, v3;
	v2 =	vadd.f32 v7, v2;
	v7 =	vld [tilespmem:s21+$0x8480]  }
0xcb: {  	v8 =	vld [tilespmem:s20+$0x7080]  }
0xcc: {  	v3 =	vadd.f32 v4, v3;
	v2 =	vadd.f32 v6, v2;
	v10 =	vld [tilespmem:s21+$0x8700]  }
0xcd: {  	v11 =	vld [tilespmem:s20+$0x7300]  }
.Ltmp4:
0xce: {  	v3 =	vadd.f32 v9, v3;
	v6 =	vadd.f32 v5, v2;
	v4 =	vld [tilespmem:s21+$0x8980];
	(pc) =	sbr.rel @p0 .LBB2_10-.Ltmp4, $4  }
0xcf: {  	v5 =	vld [tilespmem:s20+$0x7580]  }
0xd0: {  	v8 =	vadd.f32 v8, v3;
	v2 =	vld [tilespmem:s20+$0x7A80];
	v9 =	vadd.f32 v7, v6  }
0xd1: {  	s22 =	sshra.s32 s23, $0x2;
	v6 =	vld [tilespmem:s20+$0x7800]  }
0xd2: {  	s23 =	sadd.s32 $0x40, s23;
	v3 =	vld [tilespmem:s22+$0x6400];
	v7 =	vadd.f32 v11, v8;
	v8 =	vadd.f32 v10, v9  }
0xd3: {  	v9 =	vld [tilespmem:s22+$0x6680]  }
0xd4: {  	v10 =	vld [tilespmem:s20+$0x7D00];
	v4 =	vadd.f32 v4, v8  }
0xd5: {  	v49 =	vld [tilespmem:s22+$0x6900]  }
0xd6: {  	v11 =	vld [tilespmem:s20+$0x7F80];
	v5 =	vadd.f32 v5, v7;
	[tilespmem:s21+$0x3C00] =	vst v4  }
0xd7: {  	v4 =	vld [tilespmem:s22+$0x6B80]  }
0xd8: {  	v5 =	vadd.f32 v6, v5;
	v3 =	vadd.f32 v9, v3  }
0xd9: {  	v50 =	vld [tilespmem:s22+$0x6E00]  }
0xda: {  	v51 =	vld [tilespmem:s20+$0x8200];
	v2 =	vadd.f32 v2, v5;
	v3 =	vadd.f32 v49, v3  }
0xdb: {  	v52 =	vld [tilespmem:s22+$0x7080]  }
0xdc: {  	v53 =	vld [tilespmem:s20+$0x8480];
	v2 =	vadd.f32 v10, v2;
	v3 =	vadd.f32 v4, v3  }
0xdd: {  	v54 =	vld [tilespmem:s22+$0x7300]  }
0xde: {  	v55 =	vld [tilespmem:s20+$0x8700];
	v2 =	vadd.f32 v11, v2;
	v3 =	vadd.f32 v50, v3  }
0xdf: {  	v56 =	vld [tilespmem:s22+$0x7580]  }
0xe0: {  	v57 =	vld [tilespmem:s20+$0x8980];
	v2 =	vadd.f32 v51, v2;
	v3 =	vadd.f32 v52, v3  }
0xe1: {  	v58 =	vld [tilespmem:s22+$0x7800]  }
0xe2: {  	v2 =	vadd.f32 v53, v2;
	v3 =	vadd.f32 v54, v3  }
0xe3: {  	v59 =	vld [tilespmem:s22+$0x7A80]  }
0xe4: {  	v2 =	vadd.f32 v55, v2;
	v3 =	vadd.f32 v56, v3  }
0xe5: {  	v60 =	vld [tilespmem:s22+$0x7D00]  }
0xe6: {  	v2 =	vadd.f32 v57, v2;
	v3 =	vadd.f32 v58, v3  }
0xe7: {  	v61 =	vld [tilespmem:s22+$0x7F80]  }
0xe8: {  	[tilespmem:s20+$0x3C00] =	vst v2;
	v2 =	vadd.f32 v59, v3  }
0xe9: {  	v3 =	vld [tilespmem:s22+$0x8200]  }
0xea: {  	v2 =	vadd.f32 v60, v2  }
0xeb: {  	v62 =	vld [tilespmem:s22+$0x8480]  }
0xec: {  	v2 =	vadd.f32 v61, v2  }
0xed: {  	v63 =	vld [tilespmem:s22+$0x8700]  }
0xee: {  	v2 =	vadd.f32 v3, v2  }
0xef: {  	v3 =	vld [tilespmem:s22+$0x8980]  }
0xf0: {  	v2 =	vadd.f32 v62, v2;
	_ =	sdelay $0x1  }
0xf1: {  	v2 =	vadd.f32 v63, v2;
	_ =	sdelay $0x1  }
0xf2: {  	s19 =	sadd.s32 $0x1, s19;
	v2 =	vadd.f32 v3, v2  }
0xf3: {  	p0 =	sne.s32 s19, s11  }
.Ltmp5:
0xf4: {  	[tilespmem:s22+$0x3C00] =	vst v2;
	(pc) =	sbr.rel @p0 .LBB2_1-.Ltmp5, $4  }
0xf5: {  	[hbm4b:s10+s2] =	stream.linear.scatter [tilespmem:s15], [sflag:$0x1], $0x280, $0x38;
	[tilespmem:$0xDC00] =	vst v63  }
0xf6: {  	_ =	swait.ge [sflag:s13], $0x280  }
0xf7: {  	[sflag:s13] =	ssyncset.done $0x0  }
0xf8: {  	[sflag:s13] =	ssyncadd.s32 $0xFFFFFD80  }
0xf9: {  	_ =	sfence.sel $0x180000  }
0xfa: {  	[bflag:$0x0] =	sbarrier.arrive $0xFFFF  }
0xfb: {  	p0 =	sne.s32 s0, $0x0;
	_ =	strace $0x90000047  }
0xfc: {  	s0 =	sadd.s32 @!p0 $0x100000, s1;
	[bflag:$0x2] =	sbarrier.arrive $0xFFFF  }
0xfd: {  	[sflag:s0] =	ssyncadd.tile.s32 @!p0 $0x1;
	_ =	shalt  }
.Lfunc_end2:
_tile_overlayer_lowered:
.L_overlay_start_2:
0xfe: {  	(tag) =	ssettag $0x2  }
0xff: {  	s0 =	rddreg [dreg:$0x0];
	s2 =	stileid.u32  }
0x100: {  	s1 =	rddreg [dreg:$0x1];
	p0 =	sne.s32 s2, $0x0  }
0x101: {  	s3 =	rddreg [dreg:$0x2];
	[bflag:$0x3] =	sbarrier.arrive $0xFFFF;
	s2 =	simm.s32 @!p0 $0x1C01  }
0x102: {  	[timem:s3], [sflag:s2] =	dma.local @!p0 [hbm:s0], s1  }
0x103: {  	s0 =	simm.s32 @!p0 $0x1  }
0x104: {  	_ =	swait.ge @!p0 [sflag:s0], s1  }
0x105: {  	s1 =	ssub.s32 @!p0 $0x0, s1;
	[sflag:s0] =	ssyncset.done @!p0 $0x0  }
0x106: {  	[sflag:s0] =	ssyncadd.s32 @!p0 s1  }
0x107: {  	[bflag:$0x3] =	sbarrier.arrive $0xFFFF  }
0x108: {  	_ =	shalt  }

// kernel: kernel.9.cloned.1.call-start
scs
__scs_entry_jumppad:
0x0: {  	(pc) =	sbr.rel $0x88, $3  }
0x1: {  	(tag) =	ssettag $0x0;
	lr =	simm.s32 $0x1  }
0x2: {  	[smem:$0x3F9D] =	sst lr;
	_ =	strace $0xD0000000  }
0x3: {  	_ = 	snop  }
0x4: {  	_ = 	snop  }
0x5: {  	_ = 	snop  }
0x6: {  	_ = 	snop  }
0x7: {  	_ = 	snop  }
__scs_overlays_trampoline_lowered:
0x8: {  	[smem:$0x3FAC] =	sst s0  }
0x9: {  	[smem:$0x3FAD] =	sst s1  }
0xa: {  	[smem:$0x3FAE] =	sst s2  }
0xb: {  	[smem:$0x3FAF] =	sst s3  }
0xc: {  	[smem:$0x3FB0] =	sst s4  }
0xd: {  	[smem:$0x3FB1] =	sst s5  }
0xe: {  	[smem:$0x3FB2] =	sst s6  }
0xf: {  	[smem:$0x3FB3] =	sst s7  }
0x10: {  	[smem:$0x3FB4] =	sst s8  }
0x11: {  	[smem:$0x3FB5] =	sst s9;
	s0 =	simm.s32 @!p0 $0x0  }
0x12: {  	s1 =	sld [smem:$0x3F9B];
	s0 =	simm.s32 @p0 $0x1  }
0x13: {  	[smem:$0x3FB6] =	sst s0;
	s0 =	simm.s32 @!p1 $0x0  }
0x14: {  	s2 =	sld [smem:$0x3F9A];
	s0 =	simm.s32 @p1 $0x1  }
0x15: {  	[smem:$0x3FB7] =	sst s0;
	s0 =	simm.s32 @!p2 $0x0  }
0x16: {  	s3 =	sld [smem:$0x3FDB];
	s0 =	simm.s32 @p2 $0x1  }
0x17: {  	s4 =	simm.s32 $0x1BF5;
	[smem:$0x3FB9] =	sst s0  }
0x18: {  	s0 =	sld [smem:$0x3F9C];
	_ =	swait.ge [sflag:s4], $0x0  }
0x19: {  	s7 =	sld [smem:$0x3F9D]  }
0x1a: {  	s8 =	sadd.s32 $0xFFFFE003, lr  }
0x1b: {  	s9 =	sadd.s32 $0xFFFFFEF7, lr;
	s5 =	simm.s32 $0xFFFFFFFF;
	p2 =	slt.u32 s8, $0xFFFFF086  }
0x1c: {  	p1 =	slt.u32 s9, $0xF7A;
	s5 =	simm.s32 @!p2 $0x0  }
0x1d: {  	s5 =	simm.s32 @p1 $0x1;
	p0 =	seq.s32 s7, s2  }
0x1e: {  	s7 =	smul.u32 @!p0 $0xF7A, s2;
	p2 =	seq.s32 @!p0 s5, $0x0  }
0x1f: {  	s9 =	smul.u32 $0xF7A, s1;
	s8 =	simm.s32 @!p0 $0x1BF5;
	p2 =	por !p2, p0  }
0x20: {  	[sflag:s8] =	ssyncset.s32 @!p0 $0xFFFFF086;
	s6 =	sadd.s32 @!p0 s3, s7;
	s7 =	simm.s32 @!p0 $0x108  }
0x21: {  	s3 =	sadd.s32 s3, s9;
	s6 =	sadd.s32 @!p0 $0x88, s6;
	s7 =	simm.s32 @p2 $0x1082  }
0x22: {  	[simem:s7], [sflag:s8] =	dma.local @!p0 [hbm:s6], $0xF7A  }
0x23: {  	s9 =	sor.u32 $0xD0000000, s2;
	s6 =	simm.s32 $0x108;
	_ =	swait.ge @!p0 [sflag:s8], $0x0  }
0x24: {  	s3 =	sadd.s32 $0x88, s3;
	s6 =	simm.s32 @!p1 $0x1082;
	[sflag:s4] =	ssyncset.s32 $0xFFFFF086  }
0x25: {  	[simem:s6], [sflag:s4] =	dma.local [hbm:s3], $0xF7A  }
0x26: {  	[smem:$0x3F9D] =	sst s1;
	(tag) =	ssettag s2;
	_ =	strace s9  }
0x27: {  	s1 =	sld [smem:$0x3FAD]  }
0x28: {  	s2 =	sld [smem:$0x3FAE]  }
0x29: {  	s4 =	sld [smem:$0x3FB0]  }
0x2a: {  	p0 =	seq.s32 s5, $0x0;
	s5 =	sld [smem:$0x3FB1]  }
0x2b: {  	s6 =	sld [smem:$0x3FB2]  }
0x2c: {  	s7 =	sld [smem:$0x3FB3]  }
0x2d: {  	s3 =	simm.s32 $0x108;
	s8 =	sld [smem:$0x3FB4]  }
0x2e: {  	s3 =	simm.s32 @!p0 $0x1082;
	s9 =	sld [smem:$0x3FB5]  }
0x2f: {  	lr =	sadd.s32 s0, s3;
	s0 =	sld [smem:$0x3FAC]  }
0x30: {  	s3 =	sld [smem:$0x3FAF]  }
0x31: {  	[smem:$0x3FB8] =	sst s10  }
0x32: {  	s10 =	sld [smem:$0x3FB6];
	_ =	sdelay $0x3  }
0x33: {  	p0 =	seq.s32 s10, $0x1;
	s10 =	sld [smem:$0x3FB8];
	_ =	sdelay $0x3  }
0x34: {  	[smem:$0x3FB8] =	sst s10  }
0x35: {  	s10 =	sld [smem:$0x3FB7];
	_ =	sdelay $0x3  }
0x36: {  	p1 =	seq.s32 s10, $0x1;
	s10 =	sld [smem:$0x3FB8];
	_ =	sdelay $0x3  }
0x37: {  	[smem:$0x3FB8] =	sst s10  }
0x38: {  	s10 =	sld [smem:$0x3FB9]  }
0x39: {  	_ = 	snop;
	(pc) =	sbr.ind lr, $3  }
0x3a: {  	_ = 	snop  }
0x3b: {  	_ = 	snop  }
0x3c: {  	p2 =	seq.s32 s10, $0x1;
	s10 =	sld [smem:$0x3FB8]  }
0x3d: {  	_ =	shalt  }
0x3e: {  	_ =	shalt  }
0x3f: {  	_ =	shalt  }
0x40: {  	_ =	shalt  }
0x41: {  	_ =	shalt  }
0x42: {  	_ =	shalt  }
0x43: {  	_ =	shalt  }
0x44: {  	_ =	shalt  }
0x45: {  	_ =	shalt  }
0x46: {  	_ =	shalt  }
0x47: {  	_ =	shalt  }
0x48: {  	_ =	shalt  }
0x49: {  	_ =	shalt  }
0x4a: {  	_ =	shalt  }
0x4b: {  	_ =	shalt  }
0x4c: {  	_ =	shalt  }
0x4d: {  	_ =	shalt  }
0x4e: {  	_ =	shalt  }
0x4f: {  	_ =	shalt  }
0x50: {  	_ =	shalt  }
0x51: {  	_ =	shalt  }
0x52: {  	_ =	shalt  }
0x53: {  	_ =	shalt  }
0x54: {  	_ =	shalt  }
0x55: {  	_ =	shalt  }
0x56: {  	_ =	shalt  }
0x57: {  	_ =	shalt  }
0x58: {  	_ =	shalt  }
0x59: {  	_ =	shalt  }
0x5a: {  	_ =	shalt  }
0x5b: {  	_ =	shalt  }
0x5c: {  	_ =	shalt  }
0x5d: {  	_ =	shalt  }
0x5e: {  	_ =	shalt  }
0x5f: {  	_ =	shalt  }
0x60: {  	_ =	shalt  }
0x61: {  	_ =	shalt  }
0x62: {  	_ =	shalt  }
0x63: {  	_ =	shalt  }
0x64: {  	_ =	shalt  }
0x65: {  	_ =	shalt  }
0x66: {  	_ =	shalt  }
0x67: {  	_ =	shalt  }
0x68: {  	_ =	shalt  }
0x69: {  	_ =	shalt  }
0x6a: {  	_ =	shalt  }
0x6b: {  	_ =	shalt  }
0x6c: {  	_ =	shalt  }
0x6d: {  	_ =	shalt  }
0x6e: {  	_ =	shalt  }
0x6f: {  	_ =	shalt  }
0x70: {  	_ =	shalt  }
0x71: {  	_ =	shalt  }
0x72: {  	_ =	shalt  }
0x73: {  	_ =	shalt  }
0x74: {  	_ =	shalt  }
0x75: {  	_ =	shalt  }
0x76: {  	_ =	shalt  }
0x77: {  	_ =	shalt  }
0x78: {  	_ =	shalt  }
0x79: {  	_ =	shalt  }
0x7a: {  	_ =	shalt  }
0x7b: {  	_ =	shalt  }
0x7c: {  	_ =	shalt  }
0x7d: {  	_ =	shalt  }
0x7e: {  	_ =	shalt  }
0x7f: {  	_ =	shalt  }
0x80: {  	_ =	shalt  }
0x81: {  	_ =	shalt  }
0x82: {  	_ =	shalt  }
0x83: {  	_ =	shalt  }
0x84: {  	_ =	shalt  }
0x85: {  	_ =	shalt  }
0x86: {  	_ =	shalt  }
0x87: {  	_ =	shalt  }
.Lfunc_end0:
.L_simem_size_0:
called_computation.1_lowered:
.L_overlay_start_0:
0x88: {  	s2 =	sld [smem:$0x3FD9]  }
0x89: {  	s3 =	sld [smem:$0x3FFE];
	_ =	sdelay $0x1  }
0x8a: {  	s1 =	srdreg.scid  }
0x8b: {  	s0 =	sand.u32 $0x1, s1  }
0x8c: {  	s17 =	sshll.u32 s0, $0xA;
	s2 =	sadd.s32 s3, s2  }
0x8d: {  	s2 =	sadd.s32 s2, s17  }
0x8e: {  	[smem:$0x3FC4] =	sst s2  }
0x8f: {  	_ = 	snop  }
0x90: {  	s2 =	sld [smem:$0x3FD0];
	(tm) =	ssettm $0x1  }
0x91: {  	s18 =	sld [smem:$0x3FFB];
	_ =	sdelay $0x3  }
0x92: {  	_ =	strace s18  }
0x93: {  	s3 =	sld [smem:$0x3FFC];
	_ =	sdelay $0x3  }
0x94: {  	_ =	strace s3  }
0x95: {  	s3 =	sld [smem:$0x3FFD];
	_ =	sdelay $0x3  }
0x96: {  	_ =	strace s3  }
0x97: {  	_ =	strace $0x8FFFFFFF  }
0x98: {  	s19 =	sld [smem:$0x3FDB];
	_ =	sdelay $0x1  }
0x99: {  	s4 =	simm.s32 $_scs_section_size  }
0x9a: {  	s5 =	simm.s32 $_size__tile_overlayer_lowered;
	s6 =	simm.s32 $_tile_overlayer_lowered  }
0x9b: {  	s22 =	simm.s32 $0x1BFF;
	s21 =	sshll.u32 s6, $0x1;
	s3 =	sadd.s32 s4, s19  }
0x9c: {  	s7 =	simm.s32 $0x0;
	s20 =	sshll.u32 s5, $0x1;
	s5 =	sadd.s32 s21, s3  }
0x9d: {  	[timem:s7], [sflag:s22] =	dma.local [hbm:s5], s20  }
0x9e: {  	_ =	swait.ge [sflag:s22], s20  }
0x9f: {  	s4 =	ssub.s32 $0x0, s20;
	[sflag:s22] =	ssyncset.done $0x0  }
0xa0: {  	[sflag:s22] =	ssyncadd.s32 s4;
	_ =	sdelay $0x1  }
0xa1: {  	s23 =	simm.s32 $0x1B8B  }
0xa2: {  	_ =	swait.ge [sflag:s23], $0x1  }
0xa3: {  	[sflag:s23] =	ssyncset.done $0x0  }
0xa4: {  	s25 =	simm.s32 $0x1B8E;
	s24 =	sld [smem:$0x3FFE];
	[sflag:s23] =	ssyncadd.s32 $0xFFFFFFFF  }
0xa5: {  	s26 =	simm.s32 $execute0_lowered;
	[smem:$0x3FD2] =	sst s25  }
0xa6: {  	s5 =	sshll.u32 s26, $0x1;
	_ =	strace $0x80000049;
	[dreg:$0x1] =	wrdreg $0xFFFFFFFF  }
0xa7: {  	s28 =	simm.s32 $_size_execute0_lowered;
	s3 =	sadd.s32 s3, s5;
	[dreg:$0x0] =	wrdreg $0x0  }
0xa8: {  	s5 =	sshll.u32 s28, $0x1;
	[dreg:$0x2] =	wrdreg s3  }
0xa9: {  	[dreg:$0x3] =	wrdreg s5  }
0xaa: {  	[dreg:$0x4] =	wrdreg $0xC0  }
0xab: {  	_ =	task [dreg:s7], $0x5FFFF  }
0xac: {  	[dreg:$0x1] =	wrdreg $0xFFFFFFFF  }
0xad: {  	[dreg:$0x0] =	wrdreg $0x60  }
0xae: {  	[dreg:$0x2] =	wrdreg s24  }
0xaf: {  	[dreg:$0x3] =	wrdreg s2  }
0xb0: {  	[dreg:$0x4] =	wrdreg $0x110000  }
0xb1: {  	[dreg:$0x5] =	wrdreg $0x9  }
0xb2: {  	_ =	task.clear_ibuf [dreg:s7], $0x6FFFF;
	_ =	strace $0x90000049  }
0xb3: {  	s29 =	simm.s32 $0x9;
	_ =	strace $0x8000004B  }
0xb4: {  	_ =	swait.ge [sflag:s29], $0x1  }
0xb5: {  	[sflag:s29] =	ssyncadd.s32 $0xFFFFFFFF  }
0xb6: {  	_ =	strace $0x9000004B  }
0xb7: {  	_ =	sfence  }
0xb8: {  	s30 =	sld [smem:$0x0];
	_ =	sdelay $0x2  }
0xb9: {  	s31 =	sshll.u32 s1, $0xD;
	s1 =	sshrl.u32 s1, $0x2  }
0xba: {  	s3 =	sand.u32 $0x4000, s31;
	s1 =	sadd.s32 s1, s30  }
0xbb: {  	s0 =	sor.u32 s3, s0;
	s1 =	sshll.u32 s1, $0x11  }
0xbc: {  	s0 =	sor.u32 s1, s0  }
0xbd: {  	s0 =	sadd.s32 $0x8F2B, s0  }
0xbe: {  	[sflag:s0] =	ssyncadd.remote.s32 $0x1  }
0xbf: {  	_ =	sfence.sel $0xFFFF  }
0xc0: {  	[dreg:$0x0] =	wrdreg $0xFFFFFFFF;
	(pc) =	sbr.abs _section_cstart, $3  }
0xc1: {  	[dreg:$0x1] =	wrdreg $0xFFFFFFFF  }
0xc2: {  	_ =	task.clear_ibuf [dreg:s7], $0x2FFFF;
	_ =	strace $0x9FFFFFFF  }
0xc3: {  	(tm) =	ssettm $0x7FFFFFFF  }
tec
execute0_lowered:
.L_overlay_start_1:
0x0: {  	(tag) =	ssettag $0x1  }
0x1: {  	s0 =	rddreg [dreg:$0x0]  }
0x2: {  	s2 =	rddreg [dreg:$0x1]  }
0x3: {  	s1 =	rddreg [dreg:$0x2];
	s3 =	simm.s32 $0x0  }
0x4: {  	s22 =	srdreg.scid;
	s8 =	stileid.u32;
	s15 =	simm.s32 $0x9  }
0x5: {  	s17 =	simm.s32 $0x5000;
	s18 =	simm.s32 $0x80;
	s19 =	simm.s32 $0x8000  }
0x6: {  	s21 =	simm.s32 $0xB000;
	s28 =	simm.s32 $0x6;
	s29 =	simm.s32 $0x3  }
0x7: {  	s30 =	simm.s32 $0x7;
	s31 =	simm.s32 $0x4;
	s16 =	simm.s32 $0x0  }
0x8: {  	[smem:$0x7FF] =	sst s3;
	s4 =	sadd.s32 $0xBE00, s0;
	s7 =	smul.u32 $0x2800, s8  }
0x9: {  	s3 =	sand.u32 $0x1, s22;
	s5 =	sadd.s32 $0xE00, s0;
	s11 =	smul.u32 $0x3C000, s8  }
0xa: {  	s0 =	sadd.s32 $0xB800, s0;
	s24 =	smul.u32 $0x500, s8;
	_ =	strace $0x8000004A  }
0xb: {  	s6 =	ssub.s32 $0x2, s3;
	[dreg:$0x4] =	wrdreg s0;
	s12 =	smul.u32 $0xC0, s3  }
0xc: {  	s23 =	sshrl.u32 s6, $0x1;
	s7 =	sshrl.u32 s7, $0x3;
	s25 =	sshrl.u32 s11, $0x2  }
0xd: {  	s0 =	ssub.s32 s6, s23;
	s7 =	sadd.s32 s5, s7;
	s6 =	sadd.s32 s5, s24  }
0xe: {  	s8 =	sadd.s32 s25, s1;
	s26 =	sor.u32 s12, s11;
	s23 =	simm.s32 $0xE000  }
0xf: {  	s24 =	simm.s32 $0x1;
	s25 =	simm.s32 $0x5;
	s7 =	sadd.s32 $0x5000, s7  }
0x10: {  	s9 =	sadd.s32 $0x3000, s8;
	s10 =	sadd.s32 $0x6000, s8;
	s11 =	sadd.s32 $0x9000, s8  }
0x11: {  	s12 =	sadd.s32 $0xC000, s8;
	s5 =	sshrl.u32 s26, $0x4;
	s14 =	smax.u32 s0, $0x1  }
0x12: {  	s26 =	simm.s32 $0x2;
	s13 =	sadd.s32 s2, s5;
	s5 =	stileid.u32  }
0x13: {  	v0 =	vmov s3;
	s0 =	simm.s32 $0x8;
	[dreg:$0x5] =	wrdreg s8;
	p0 =	sne.s32 s5, $0xF  }
.LBB2_1:
0x14: {  	s2 =	simm.s32 $0x0  }
0x15: {  	[tilespmem:s2], [sflag:$0x9] =	stream.linear.gather [hbm4b:s6+s2], $0x2800, $0x38;
	v63 =	vld [tilespmem:$0x0]  }
0x16: {  	_ =	swait.ge [sflag:s15], $0x2800  }
0x17: {  	[sflag:s15] =	ssyncset.done $0x0  }
.Ltmp0:
0x18: {  	s3 =	simm.s32 $0x2800;
	[sflag:s15] =	ssyncadd.s32 $0xFFFFD800;
	(pc) =	sbr.rel @p0 .LBB2_5-.Ltmp0, $4  }
0x19: {  	[tilespmem:s3], [sflag:$0x9] =	stream.linear.gather [hbm4b:s7+s2], $0x2800, $0x38;
	v63 =	vld [tilespmem:$0x0]  }
0x1a: {  	_ =	swait.ge [sflag:s15], $0x2800  }
0x1b: {  	[sflag:s15] =	ssyncset.done $0x0  }
0x1c: {  	[sflag:s15] =	ssyncadd.s32 $0xFFFFD800  }
0x1d: {  	s20 =	simm.s32 $0x2840  }
0x1e: {  	v3 =	vld [tilespmem:s20+$0xFFFFFFF0]  }
0x1f: {  	v4 =	vld [tilespmem:s20+$0xFFFFFFC0]  }
0x20: {  	s8 =	smov.u32 s14;
	v5 =	vld [tilespmem:s20+$0xFFFFFFD0]  }
0x21: {  	s14 =	smov.u32 s13;
	s13 =	smov.u32 s12;
	s12 =	smov.u32 s11;
	v1 =	vld [tilespmem:s20+$0xFFFFFFE0]  }
0x22: {  	s11 =	smov.u32 s10;
	s10 =	smov.u32 s9;
	p1 =	por $0x0, $0x0;
	v2 =	vld [tilespmem:s20+$0x0]  }
0x23: {  	s9 =	smov.u32 s7;
	s7 =	smov.u32 s6;
	p5 =	por $0x0, $0x0;
	v6 =	vpsel p1, $0x2720, v3;
	v3 =	vld [tilespmem:s20+$0x10]  }
0x24: {  	s22 =	simm.s32 $0x25870;
	p6 =	por $0x0, $0x0;
	s3 =	simm.s32 $0x28C0;
	[tilespmem:s20+$0xFFFFFFF0] =	vst v6;
	v6 =	vpsel p5, $0x2720, v4;
	v4 =	vld [tilespmem:s20+$0x20]  }
0x25: {  	p2 =	por $0x0, $0x0;
	s5 =	simm.s32 $0x25840;
	s2 =	simm.s32 $0x258F0;
	[tilespmem:s20+$0xFFFFFFC0] =	vst v6;
	v6 =	vpsel p6, $0x2720, v5;
	v5 =	vld [tilespmem:s20+$0x30]  }
.LBB2_3:
0x26: {  	v7 =	vld [tilespmem:s3+$0xFFFFFFF0];
	p1 =	sne.s32 s2, $0x27FF0;
	[tilespmem:s20+$0xFFFFFFD0] =	vst v6;
	v1 =	vpsel p2, $0x2720, v1;
	p2 =	sgt.u32 s5, $0x270FF;
	s5 =	sadd.s32 $0xFFFFFFE0, s22  }
0x27: {  	v6 =	vld [tilespmem:s3+$0xFFFFFFC0];
	[tilespmem:s20+$0xFFFFFFE0] =	vst v1;
	v1 =	vpsel p2, $0x2720, v2;
	p2 =	sgt.u32 s5, $0x270FF;
	s5 =	sadd.s32 $0xFFFFFFF0, s22  }
0x28: {  	v8 =	vld [tilespmem:s3+$0xFFFFFFD0];
	[tilespmem:s20+$0x0] =	vst v1;
	v2 =	vpsel p2, $0x2720, v3;
	p2 =	sgt.u32 s5, $0x270FF  }
.Ltmp1:
0x29: {  	s5 =	sadd.s32 $0xFFFFFFC0, s2;
	v1 =	vld [tilespmem:s3+$0xFFFFFFE0];
	[tilespmem:s20+$0x10] =	vst v2;
	v3 =	vpsel p2, $0x2720, v4;
	p2 =	sgt.u32 s22, $0x270FF;
	(pc) =	sbr.rel @p1 .LBB2_3-.Ltmp1, $4  }
0x2a: {  	s6 =	sadd.s32 $0xFFFFFF90, s2;
	p3 =	sgt.u32 s5, $0x270FF;
	s22 =	smov.u32 s2;
	v2 =	vld [tilespmem:s3+$0x0];
	[tilespmem:s20+$0x20] =	vst v3;
	v4 =	vpsel p2, $0x2720, v5  }
0x2b: {  	s5 =	sadd.s32 $0xFFFFFFA0, s2;
	p2 =	sgt.u32 s6, $0x270FF;
	v5 =	vpsel p3, $0x2720, v7;
	v3 =	vld [tilespmem:s3+$0x10];
	[tilespmem:s20+$0x30] =	vst v4;
	s20 =	smov.u32 s3  }
0x2c: {  	s3 =	sadd.s32 $0x80, s3;
	v6 =	vpsel p2, $0x2720, v6;
	p2 =	sgt.u32 s5, $0x270FF;
	s5 =	sadd.s32 $0xFFFFFFB0, s2;
	[tilespmem:s20+$0xFFFFFFF0] =	vst v5;
	v4 =	vld [tilespmem:s20+$0x20]  }
0x2d: {  	s2 =	sadd.s32 $0x80, s2;
	[tilespmem:s20+$0xFFFFFFC0] =	vst v6;
	v6 =	vpsel p2, $0x2720, v8;
	p2 =	sgt.u32 s5, $0x270FF;
	s5 =	sadd.s32 $0xFFFFFFD0, s22;
	v5 =	vld [tilespmem:s20+$0x30]  }
0x2e: {  	[tilespmem:s20+$0xFFFFFFD0] =	vst v6;
	v1 =	vpsel p2, $0x2720, v1;
	p1 =	sgt.u32 s5, $0x270FF;
	s2 =	sadd.s32 $0xFFFFFFE0, s22  }
0x2f: {  	s6 =	sadd.s32 $0xFFFFFFF0, s22;
	[tilespmem:s20+$0xFFFFFFE0] =	vst v1;
	v1 =	vpsel p1, $0x2720, v2;
	p4 =	sgt.u32 s2, $0x270FF  }
0x30: {  	p6 =	sgt.u32 s22, $0x270FF;
	s5 =	stileid.u32;
	p5 =	sgt.u32 s6, $0x270FF;
	[tilespmem:s20+$0x0] =	vst v1;
	v1 =	vpsel p4, $0x2720, v3  }
0x31: {  	s6 =	smov.u32 s7;
	s7 =	smov.u32 s9;
	s9 =	smov.u32 s10;
	[tilespmem:s20+$0x10] =	vst v1;
	v1 =	vpsel p5, $0x2720, v4  }
0x32: {  	s10 =	smov.u32 s11;
	s11 =	smov.u32 s12;
	s12 =	smov.u32 s13;
	[tilespmem:s20+$0x20] =	vst v1;
	v1 =	vpsel p6, $0x2720, v5  }
0x33: {  	s13 =	smov.u32 s14;
	s14 =	smov.u32 s8;
	s8 =	rddreg [dreg:$0x5];
	[tilespmem:s20+$0x30] =	vst v1  }
.LBB2_5:
0x34: {  	s20 =	simm.s32 $0x0  }
0x35: {  	v2 =	vld [tilespmem:s20+$0x0]  }
0x36: {  	v3 =	vld [tilespmem:s20+$0x10]  }
0x37: {  	v5 =	vld [tilespmem:s20+$0x20]  }
0x38: {  	v4 =	vld [tilespmem:s20+$0x30]  }
0x39: {  	v1 =	vld [tilespmem:s20+$0x40]  }
0x3a: {  	v6 =	vshll.u32 v2, $0x1;
	v2 =	vld [tilespmem:s20+$0x50]  }
0x3b: {  	s2 =	simm.s32 $0x200;
	v7 =	vshll.u32 v3, $0x1;
	v3 =	vld [tilespmem:s20+$0x60];
	v6 =	vor.u32 v0, v6  }
.LBB2_6:
0x3c: {  	s3 =	sshra.s32 s2, $0x2;
	p1 =	sne.s32 s2, $0x9E00;
	[tilespmem:s20+$0x0] =	vst v6;
	v6 =	vor.u32 v0, v7;
	v5 =	vshll.u32 v5, $0x1;
	v7 =	vld [tilespmem:s20+$0x70]  }
0x3d: {  	v8 =	vld [tilespmem:s3+$0x0];
	[tilespmem:s20+$0x10] =	vst v6;
	v5 =	vor.u32 v0, v5;
	v4 =	vshll.u32 v4, $0x1  }
0x3e: {  	v9 =	vld [tilespmem:s3+$0x10];
	[tilespmem:s20+$0x20] =	vst v5;
	v4 =	vor.u32 v0, v4;
	v1 =	vshll.u32 v1, $0x1  }
.Ltmp2:
0x3f: {  	v5 =	vld [tilespmem:s3+$0x20];
	[tilespmem:s20+$0x30] =	vst v4;
	v1 =	vor.u32 v0, v1;
	v2 =	vshll.u32 v2, $0x1;
	(pc) =	sbr.rel @p1 .LBB2_6-.Ltmp2, $4  }
0x40: {  	v4 =	vld [tilespmem:s3+$0x30];
	[tilespmem:s20+$0x40] =	vst v1;
	v2 =	vor.u32 v0, v2;
	v3 =	vshll.u32 v3, $0x1  }
0x41: {  	v1 =	vld [tilespmem:s3+$0x40];
	[tilespmem:s20+$0x50] =	vst v2;
	v3 =	vor.u32 v0, v3;
	v6 =	vshll.u32 v7, $0x1  }
0x42: {  	v7 =	vshll.u32 v8, $0x1;
	v2 =	vld [tilespmem:s3+$0x50];
	[tilespmem:s20+$0x60] =	vst v3;
	v8 =	vor.u32 v0, v6  }
0x43: {  	s2 =	sadd.s32 $0x200, s2;
	v6 =	vor.u32 v0, v7;
	v7 =	vshll.u32 v9, $0x1;
	v3 =	vld [tilespmem:s3+$0x60];
	[tilespmem:s20+$0x70] =	vst v8;
	s20 =	smov.u32 s3  }
0x44: {  	[tilespmem:s20+$0x0] =	vst v6;
	v61 =	vor.u32 v0, v7;
	v5 =	vshll.u32 v5, $0x1;
	v62 =	vld [tilespmem:s20+$0x70]  }
0x45: {  	[tilespmem:s20+$0x10] =	vst v61;
	v5 =	vor.u32 v0, v5;
	v4 =	vshll.u32 v4, $0x1  }
0x46: {  	[tilespmem:s20+$0x20] =	vst v5;
	v4 =	vor.u32 v0, v4;
	v1 =	vshll.u32 v1, $0x1  }
0x47: {  	[tilespmem:s20+$0x30] =	vst v4;
	v1 =	vor.u32 v0, v1;
	v2 =	vshll.u32 v2, $0x1  }
0x48: {  	[tilespmem:s20+$0x40] =	vst v1;
	v1 =	vor.u32 v0, v2;
	v2 =	vshll.u32 v3, $0x1  }
0x49: {  	[tilespmem:s20+$0x50] =	vst v1;
	v1 =	vor.u32 v0, v2;
	v2 =	vshll.u32 v62, $0x1  }
0x4a: {  	[tilespmem:s20+$0x60] =	vst v1;
	v1 =	vor.u32 v0, v2  }
0x4b: {  	s2 =	simm.s32 $0x0;
	s3 =	rddreg [dreg:$0x4];
	[tilespmem:s20+$0x70] =	vst v1  }
0x4c: {  	[tilespmem:s17], [sflag:$0x9] =	stream.linear.gather [hbm4b:s3+s2], $0x3000, $0x38;
	v63 =	vld [tilespmem:$0x0]  }
0x4d: {  	_ =	swait.ge [sflag:s15], $0x3000  }
0x4e: {  	[sflag:s15] =	ssyncset.done $0x0  }
0x4f: {  	[sflag:s15] =	ssyncadd.s32 $0xFFFFD000  }
0x50: {  	[spmem:s8] =	stream.linear.scatter [tilespmem:s17], [sflag:$0x9], $0x3000, $0x38;
	v63 =	vld [tilespmem:$0x0]  }
0x51: {  	_ =	swait.ge [sflag:s15], $0x3000  }
0x52: {  	[sflag:s15] =	ssyncset.done $0x0  }
0x53: {  	[sflag:s15] =	ssyncadd.s32 $0xFFFFD000  }
0x54: {  	[spmem:s9] =	stream.linear.scatter [tilespmem:s17], [sflag:$0x9], $0x3000, $0x38;
	v63 =	vld [tilespmem:$0x0]  }
0x55: {  	_ =	swait.ge [sflag:s15], $0x3000  }
0x56: {  	[sflag:s15] =	ssyncset.done $0x0  }
0x57: {  	[sflag:s15] =	ssyncadd.s32 $0xFFFFD000  }
0x58: {  	[spmem:s10] =	stream.linear.scatter [tilespmem:s17], [sflag:$0x9], $0x3000, $0x38;
	v63 =	vld [tilespmem:$0x0]  }
0x59: {  	_ =	swait.ge [sflag:s15], $0x3000  }
0x5a: {  	[sflag:s15] =	ssyncset.done $0x0  }
0x5b: {  	[sflag:s15] =	ssyncadd.s32 $0xFFFFD000  }
0x5c: {  	[spmem:s11] =	stream.linear.scatter [tilespmem:s17], [sflag:$0x9], $0x3000, $0x38;
	v63 =	vld [tilespmem:$0x0]  }
0x5d: {  	_ =	swait.ge [sflag:s15], $0x3000  }
0x5e: {  	[sflag:s15] =	ssyncset.done $0x0  }
0x5f: {  	[sflag:s15] =	ssyncadd.s32 $0xFFFFD000  }
0x60: {  	[spmem:s12] =	stream.linear.scatter [tilespmem:s17], [sflag:$0x9], $0x3000, $0x38;
	v63 =	vld [tilespmem:$0x0]  }
0x61: {  	_ =	swait.ge [sflag:s15], $0x3000  }
0x62: {  	[sflag:s15] =	ssyncset.done $0x0  }
0x63: {  	[sflag:s15] =	ssyncadd.s32 $0xFFFFD000  }
0x64: {  	[bflag:$0x0] =	sbarrier.arrive $0xFFFF  }
0x65: {  	[tilespmem:s17], [sflag:$0x1] =	stream.indirect.gather [hbm4b:s4+s18], $0x60, s2, s18, $0xb8;
	v63 =	vld [tilespmem:$0x0]  }
0x66: {  	_ = 	snop  }
0x67: {  	[tilespmem:s19], [sflag:$0x2] =	stream.indirect.gather [hbm4b:s4+s18], $0x60, s18, s18, $0xb8;
	v63 =	vld [tilespmem:$0x0]  }
0x68: {  	s3 =	simm.s32 $0x100  }
0x69: {  	[tilespmem:s21], [sflag:$0x3] =	stream.indirect.gather [hbm4b:s4+s18], $0x60, s3, s18, $0xb8;
	v63 =	vld [tilespmem:$0x0]  }
0x6a: {  	s20 =	simm.s32 $0x180  }
0x6b: {  	[tilespmem:s23], [sflag:$0x4] =	stream.indirect.gather [hbm4b:s4+s18], $0x60, s20, s18, $0xb8;
	v63 =	vld [tilespmem:$0x0]  }
0x6c: {  	_ =	swait.ge [sflag:s24], $0x3000  }
0x6d: {  	[sflag:s24] =	ssyncset.done $0x0  }
0x6e: {  	s22 =	simm.s32 $0x2800;
	[sflag:s24] =	ssyncadd.s32 $0xFFFFD000  }
0x6f: {  	[spmem:s1] =	stream.indirect.scatter.add.bf16 [tilespmem:s17], [sflag:$0x5], $0x60, s22, s18, $0xb8;
	v63 =	vld [tilespmem:$0x0]  }
0x70: {  	_ =	swait.ge [sflag:s25], $0x3000  }
0x71: {  	[sflag:s25] =	ssyncset.done $0x0  }
0x72: {  	s3 =	simm.s32 $0x200;
	[sflag:s25] =	ssyncadd.s32 $0xFFFFD000  }
0x73: {  	[tilespmem:s17], [sflag:$0x1] =	stream.indirect.gather [hbm4b:s4+s18], $0x60, s3, s18, $0xb8;
	v63 =	vld [tilespmem:$0x0]  }
0x74: {  	_ =	swait.ge [sflag:s26], $0x3000  }
0x75: {  	[sflag:s26] =	ssyncset.done $0x0  }
0x76: {  	s20 =	simm.s32 $0x2880;
	[sflag:s26] =	ssyncadd.s32 $0xFFFFD000  }
0x77: {  	[spmem:s1] =	stream.indirect.scatter.add.bf16 [tilespmem:s19], [sflag:$0x6], $0x60, s20, s18, $0xb8;
	v63 =	vld [tilespmem:$0x0]  }
0x78: {  	_ =	swait.ge [sflag:s28], $0x3000  }
0x79: {  	[sflag:s28] =	ssyncset.done $0x0  }
0x7a: {  	s22 =	simm.s32 $0x280;
	[sflag:s28] =	ssyncadd.s32 $0xFFFFD000  }
0x7b: {  	[tilespmem:s19], [sflag:$0x2] =	stream.indirect.gather [hbm4b:s4+s18], $0x60, s22, s18, $0xb8;
	v63 =	vld [tilespmem:$0x0]  }
0x7c: {  	_ =	swait.ge [sflag:s29], $0x3000  }
0x7d: {  	[sflag:s29] =	ssyncset.done $0x0  }
0x7e: {  	s3 =	simm.s32 $0x2900;
	[sflag:s29] =	ssyncadd.s32 $0xFFFFD000  }
0x7f: {  	[spmem:s1] =	stream.indirect.scatter.add.bf16 [tilespmem:s21], [sflag:$0x7], $0x60, s3, s18, $0xb8;
	v63 =	vld [tilespmem:$0x0]  }
0x80: {  	_ =	swait.ge [sflag:s30], $0x3000  }
0x81: {  	[sflag:s30] =	ssyncset.done $0x0  }
0x82: {  	s20 =	simm.s32 $0x300;
	[sflag:s30] =	ssyncadd.s32 $0xFFFFD000  }
0x83: {  	[tilespmem:s21], [sflag:$0x3] =	stream.indirect.gather [hbm4b:s4+s18], $0x60, s20, s18, $0xb8;
	v63 =	vld [tilespmem:$0x0]  }
0x84: {  	_ =	swait.ge [sflag:s31], $0x3000  }
0x85: {  	[sflag:s31] =	ssyncset.done $0x0  }
0x86: {  	s22 =	simm.s32 $0x2980;
	[sflag:s31] =	ssyncadd.s32 $0xFFFFD000  }
0x87: {  	[spmem:s1] =	stream.indirect.scatter.add.bf16 [tilespmem:s23], [sflag:$0x8], $0x60, s22, s18, $0xb8;
	v63 =	vld [tilespmem:$0x0]  }
0x88: {  	_ =	swait.ge [sflag:s0], $0x3000  }
0x89: {  	[sflag:s0] =	ssyncset.done $0x0  }
0x8a: {  	s2 =	simm.s32 $0x380;
	s20 =	simm.s32 $0x800;
	[sflag:s0] =	ssyncadd.s32 $0xFFFFD000  }
.LBB2_8:
0x8b: {  	[tilespmem:s23], [sflag:$0x4] =	stream.indirect.gather [hbm4b:s4+s18], $0x60, s2, s18, $0xb8;
	v63 =	vld [tilespmem:$0x0]  }
0x8c: {  	s2 =	smov.u32 s20  }
0x8d: {  	p1 =	sne.s32 s20, $0x9000;
	s20 =	sadd.s32 $0x800, s20;
	_ =	swait.ge [sflag:s24], $0x3000  }
0x8e: {  	s22 =	sshra.s32 s2, $0x2;
	[sflag:s24] =	ssyncset.done $0x0  }
0x8f: {  	s2 =	sadd.s32 $0x2800, s22;
	[sflag:s24] =	ssyncadd.s32 $0xFFFFD000  }
0x90: {  	[spmem:s1] =	stream.indirect.scatter.add.bf16 [tilespmem:s17], [sflag:$0x5], $0x60, s2, s18, $0xb8;
	v63 =	vld [tilespmem:$0x0]  }
0x91: {  	_ =	swait.ge [sflag:s25], $0x3000  }
0x92: {  	[sflag:s25] =	ssyncset.done $0x0  }
0x93: {  	s2 =	sadd.s32 $0x200, s22;
	[sflag:s25] =	ssyncadd.s32 $0xFFFFD000  }
0x94: {  	[tilespmem:s17], [sflag:$0x1] =	stream.indirect.gather [hbm4b:s4+s18], $0x60, s2, s18, $0xb8;
	v63 =	vld [tilespmem:$0x0]  }
0x95: {  	_ =	swait.ge [sflag:s26], $0x3000  }
0x96: {  	[sflag:s26] =	ssyncset.done $0x0  }
0x97: {  	s2 =	sadd.s32 $0x2880, s22;
	[sflag:s26] =	ssyncadd.s32 $0xFFFFD000  }
0x98: {  	[spmem:s1] =	stream.indirect.scatter.add.bf16 [tilespmem:s19], [sflag:$0x6], $0x60, s2, s18, $0xb8;
	v63 =	vld [tilespmem:$0x0]  }
0x99: {  	_ =	swait.ge [sflag:s28], $0x3000  }
0x9a: {  	[sflag:s28] =	ssyncset.done $0x0  }
0x9b: {  	s2 =	sadd.s32 $0x280, s22;
	[sflag:s28] =	ssyncadd.s32 $0xFFFFD000  }
0x9c: {  	[tilespmem:s19], [sflag:$0x2] =	stream.indirect.gather [hbm4b:s4+s18], $0x60, s2, s18, $0xb8;
	v63 =	vld [tilespmem:$0x0]  }
0x9d: {  	_ =	swait.ge [sflag:s29], $0x3000  }
0x9e: {  	[sflag:s29] =	ssyncset.done $0x0  }
0x9f: {  	s2 =	sadd.s32 $0x2900, s22;
	[sflag:s29] =	ssyncadd.s32 $0xFFFFD000  }
0xa0: {  	[spmem:s1] =	stream.indirect.scatter.add.bf16 [tilespmem:s21], [sflag:$0x7], $0x60, s2, s18, $0xb8;
	v63 =	vld [tilespmem:$0x0]  }
0xa1: {  	_ =	swait.ge [sflag:s30], $0x3000  }
0xa2: {  	[sflag:s30] =	ssyncset.done $0x0  }
0xa3: {  	s2 =	sadd.s32 $0x300, s22;
	[sflag:s30] =	ssyncadd.s32 $0xFFFFD000  }
0xa4: {  	[tilespmem:s21], [sflag:$0x3] =	stream.indirect.gather [hbm4b:s4+s18], $0x60, s2, s18, $0xb8;
	v63 =	vld [tilespmem:$0x0]  }
0xa5: {  	_ =	swait.ge [sflag:s31], $0x3000  }
0xa6: {  	[sflag:s31] =	ssyncset.done $0x0  }
.Ltmp3:
0xa7: {  	s2 =	sadd.s32 $0x2980, s22;
	[sflag:s31] =	ssyncadd.s32 $0xFFFFD000;
	(pc) =	sbr.rel @p1 .LBB2_8-.Ltmp3, $4  }
0xa8: {  	[spmem:s1] =	stream.indirect.scatter.add.bf16 [tilespmem:s23], [sflag:$0x8], $0x60, s2, s18, $0xb8;
	v63 =	vld [tilespmem:$0x0]  }
0xa9: {  	_ =	swait.ge [sflag:s0], $0x3000  }
0xaa: {  	[sflag:s0] =	ssyncset.done $0x0  }
0xab: {  	s2 =	sadd.s32 $0x380, s22;
	[sflag:s0] =	ssyncadd.s32 $0xFFFFD000  }
0xac: {  	[tilespmem:s23], [sflag:$0x4] =	stream.indirect.gather [hbm4b:s4+s18], $0x60, s2, s18, $0xb8;
	v63 =	vld [tilespmem:$0x0]  }
0xad: {  	_ =	swait.ge [sflag:s24], $0x3000  }
0xae: {  	[sflag:s24] =	ssyncset.done $0x0  }
0xaf: {  	s20 =	simm.s32 $0x4E00;
	[sflag:s24] =	ssyncadd.s32 $0xFFFFD000  }
0xb0: {  	[spmem:s1] =	stream.indirect.scatter.add.bf16 [tilespmem:s17], [sflag:$0x5], $0x60, s20, s18, $0xb8;
	v63 =	vld [tilespmem:$0x0]  }
0xb1: {  	_ =	swait.ge [sflag:s26], $0x3000  }
0xb2: {  	[sflag:s26] =	ssyncset.done $0x0  }
0xb3: {  	s22 =	simm.s32 $0x4E80;
	[sflag:s26] =	ssyncadd.s32 $0xFFFFD000  }
0xb4: {  	[spmem:s1] =	stream.indirect.scatter.add.bf16 [tilespmem:s19], [sflag:$0x6], $0x60, s22, s18, $0xb8;
	v63 =	vld [tilespmem:$0x0]  }
0xb5: {  	_ =	swait.ge [sflag:s29], $0x3000  }
0xb6: {  	[sflag:s29] =	ssyncset.done $0x0  }
0xb7: {  	s3 =	simm.s32 $0x4F00;
	[sflag:s29] =	ssyncadd.s32 $0xFFFFD000  }
0xb8: {  	[spmem:s1] =	stream.indirect.scatter.add.bf16 [tilespmem:s21], [sflag:$0x7], $0x60, s3, s18, $0xb8;
	v63 =	vld [tilespmem:$0x0]  }
0xb9: {  	_ =	swait.ge [sflag:s31], $0x3000  }
0xba: {  	[sflag:s31] =	ssyncset.done $0x0  }
0xbb: {  	s20 =	simm.s32 $0x4F80;
	[sflag:s31] =	ssyncadd.s32 $0xFFFFD000  }
0xbc: {  	[spmem:s1] =	stream.indirect.scatter.add.bf16 [tilespmem:s23], [sflag:$0x8], $0x60, s20, s18, $0xb8;
	v63 =	vld [tilespmem:$0x0]  }
0xbd: {  	_ =	swait.ge [sflag:s25], $0x3000  }
0xbe: {  	[sflag:s25] =	ssyncset.done $0x0  }
0xbf: {  	[sflag:s25] =	ssyncadd.s32 $0xFFFFD000  }
0xc0: {  	_ =	swait.ge [sflag:s28], $0x3000  }
0xc1: {  	[sflag:s28] =	ssyncset.done $0x0  }
0xc2: {  	[sflag:s28] =	ssyncadd.s32 $0xFFFFD000  }
0xc3: {  	_ =	swait.ge [sflag:s30], $0x3000  }
0xc4: {  	[sflag:s30] =	ssyncset.done $0x0  }
0xc5: {  	[sflag:s30] =	ssyncadd.s32 $0xFFFFD000  }
0xc6: {  	s16 =	sadd.s32 $0x1, s16;
	s22 =	sshll.u32 s5, $0x6;
	_ =	swait.ge [sflag:s0], $0x3000  }
0xc7: {  	p1 =	sne.s32 s16, s14;
	s2 =	sor.u32 $0x1C09, s22;
	[sflag:s0] =	ssyncset.done $0x0  }
0xc8: {  	s22 =	simm.s32 $0xC;
	s3 =	sshrl.u32 s8, $0x3;
	[sflag:s0] =	ssyncadd.s32 $0xFFFFD000  }
.Ltmp4:
0xc9: {  	s20 =	simm.s32 $0x18;
	[bflag:$0x0] =	sbarrier.arrive $0xFFFF;
	(pc) =	sbr.rel @p1 .LBB2_1-.Ltmp4, $4  }
0xca: {  	[hbm:s13@s20], [sflag:s2] =	dma.strided [spmem:s3@s22], $0x1E00, s24, $0xc   }
0xcb: {  	_ =	swait.ge [sflag:s15], $0x1E00  }
0xcc: {  	[sflag:s15] =	ssyncset.done $0x0  }
0xcd: {  	[sflag:s15] =	ssyncadd.s32 $0xFFFFE200  }
0xce: {  	_ =	sfence.sel $0x180000  }
0xcf: {  	[bflag:$0x0] =	sbarrier.arrive $0xFFFF  }
0xd0: {  	_ =	strace $0x9000004A  }
0xd1: {  	[bflag:$0x2] =	sbarrier.arrive $0xFFFF  }
0xd2: {  	p0 =	sne.s32 s5, $0x0;
	s0 =	rddreg [dreg:$0x3]  }
0xd3: {  	s0 =	sadd.s32 @!p0 $0x100000, s0  }
0xd4: {  	[sflag:s0] =	ssyncadd.tile.s32 @!p0 $0x1;
	_ =	shalt  }
.Lfunc_end2:
_tile_overlayer_lowered:
.L_overlay_start_2:
0xd5: {  	(tag) =	ssettag $0x2  }
0xd6: {  	s0 =	rddreg [dreg:$0x0];
	s2 =	stileid.u32  }
0xd7: {  	s1 =	rddreg [dreg:$0x1];
	p0 =	sne.s32 s2, $0x0  }
0xd8: {  	s3 =	rddreg [dreg:$0x2];
	[bflag:$0x3] =	sbarrier.arrive $0xFFFF;
	s2 =	simm.s32 @!p0 $0x1C09  }
0xd9: {  	[timem:s3], [sflag:s2] =	dma.local @!p0 [hbm:s0], s1  }
0xda: {  	s0 =	simm.s32 @!p0 $0x9  }
0xdb: {  	_ =	swait.ge @!p0 [sflag:s0], s1  }
0xdc: {  	s1 =	ssub.s32 @!p0 $0x0, s1;
	[sflag:s0] =	ssyncset.done @!p0 $0x0  }
0xdd: {  	[sflag:s0] =	ssyncadd.s32 @!p0 s1  }
0xde: {  	[bflag:$0x3] =	sbarrier.arrive $0xFFFF  }
0xdf: {  	_ =	shalt  }

</sc_bundles>
